<compile_context>
chip_gen: v7x
topology: tpu7x:2x2x1
jax: 0.10.2.dev20260603
libtpu: 0.0.44.dev20260713+nightly
codegen_flags: <defaults>
</compile_context>

<pallas_src>
import functools

import jax
import jax.numpy as jnp
from jax import lax
from jax.experimental import pallas as pl
from jax.experimental.pallas import tpu as pltpu
from jax.experimental.pallas import tpu_sc as plsc

_CH = 16


@functools.lru_cache(maxsize=None)
def _build_gather(B, V, D):
    info = plsc.get_sparse_core_info()
    NC, NS, L = info.num_cores, info.num_subcores, info.num_lanes
    NW = NC * NS
    assert B % (NW * _CH) == 0 and V % 8 == 0 and D == L, (B, V, D)
    b_per_w = B // NW
    n_chunks = b_per_w // _CH

    mesh = plsc.VectorSubcoreMesh(core_axis_name="c", subcore_axis_name="s")

    @functools.partial(
        pl.kernel,
        mesh=mesh,
        out_type=jax.ShapeDtypeStruct((B, D), jnp.float32),
        scratch_types=[
            pltpu.VMEM((b_per_w,), jnp.int32),
            pltpu.VMEM((2 * _CH, 8, D), jnp.float32),
            pltpu.VMEM((b_per_w, D), jnp.float32),
            pltpu.SemaphoreType.DMA,
            pltpu.SemaphoreType.DMA,
        ],
        compiler_params=pltpu.CompilerParams(
            use_tc_tiling_on_sc=True, needs_layout_passes=False
        ),
    )
    def gather_kernel(ids_hbm, table3_hbm, out_hbm, idx_v, slots_v, rows_v,
                      sem0, sem1):
        wid = lax.axis_index("s") * NC + lax.axis_index("c")
        base = wid * b_per_w
        pltpu.sync_copy(ids_hbm.at[pl.ds(base, b_per_w)], idx_v)

        lanes = lax.iota(jnp.int32, L)

        def fire(m, sem):
            off = (m % 2) * _CH
            tiles = lax.shift_right_logical(idx_v[pl.ds(m * _CH, _CH)], 3)
            for j in range(_CH):
                t = jnp.sum(jnp.where(lanes == j, tiles, 0))
                pltpu.async_copy(
                    table3_hbm.at[pl.ds(t, 1)],
                    slots_v.at[pl.ds(off + j, 1)],
                    sem,
                )

        def drain(sem):
            for _ in range(_CH):
                pltpu.make_async_copy(
                    table3_hbm.at[pl.ds(0, 1)],
                    slots_v.at[pl.ds(0, 1)],
                    sem,
                ).wait()

        def extract(m):
            off = (m % 2) * _CH
            s_vec = idx_v[pl.ds(m * _CH, _CH)] & 7
            slot_vec = off + lanes
            k_vec = m * _CH + lanes
            for j in range(D):
                j_vec = jnp.full((L,), j, jnp.int32)
                row_j = plsc.load_gather(slots_v, [slot_vec, s_vec, j_vec])
                plsc.store_scatter(rows_v, [k_vec, j_vec], row_j)

        def body(m, carry):
            @pl.when(m % 2 == 0)
            def _():
                fire(m, sem0)

            @pl.when(m % 2 == 1)
            def _():
                fire(m, sem1)

            @pl.when(m % 2 == 1)
            def _():
                drain(sem0)
                extract(m - 1)

            @pl.when((m % 2 == 0) & (m > 0))
            def _():
                drain(sem1)
                extract(m - 1)

            return carry

        lax.fori_loop(0, n_chunks, body, 0)
        drain(sem1 if (n_chunks % 2 == 0) else sem0)
        extract(n_chunks - 1)

        pltpu.sync_copy(rows_v, out_hbm.at[pl.ds(base, b_per_w), :])

    return gather_kernel


def kernel(speaker_ids, table):
    ids = speaker_ids.astype(jnp.int32)
    (B,) = ids.shape
    V, D = table.shape
    return _build_gather(B, V, D)(ids, table.reshape(V // 8, 8, D))

# --- scband reference (transcript-rebuilt; emitter-appended) ---
"""Pipeline reference for scband-speaker-embedding-4355096838647 (READ-ONLY COPY).

The authoritative reference and input builder live on the scoring server;
editing this copy changes nothing except your own understanding.
"""

import jax, jax.numpy as jnp
import numpy as np

NUM_SPEAKERS = 1000000
EMBED_DIM = 16
BATCH = 16384

def setup_inputs(seed: int = 0) -> dict:
    key = jax.random.key(seed)
    k1, k2 = jax.random.split(key)
    speaker_ids = jax.random.randint(k1, (BATCH,), 0, NUM_SPEAKERS, dtype=jnp.int64 if jax.config.jax_enable_x64 else jnp.int32)
    # nn.Embedding default init: N(0, 1)
    table = jax.random.normal(k2, (NUM_SPEAKERS, EMBED_DIM), dtype=jnp.float32)
    return {"speaker_ids": speaker_ids, "table": table}

def reference(speaker_ids, table):
    # With num_speakers specified and tensor input, forward is a plain embedding lookup
    return jnp.take(table, speaker_ids, axis=0)

if __name__ == "__main__":
    import jax
    _d = setup_inputs()
    print(jax.jit(kernel)(*tuple(_d.values())))

</pallas_src>

<mosaic_0001>
#map = affine_map<(d0, d1) -> (0)>
#map1 = affine_map<(d0, d1) -> (0, 0, 0)>
#map2 = affine_map<(d0, d1) -> (0, 0)>
module attributes {stable_mosaic.version = 14 : i64} {
  func.func @gather_kernel(%arg0: i32, %arg1: i32, %arg2: memref<16384xi32, #tpu.memory_space<hbm>>, %arg3: memref<125000x8x16xf32, #tpu.memory_space<hbm>>, %arg4: memref<16384x16xf32, #tpu.memory_space<hbm>>, %arg5: memref<512xi32, #tpu.memory_space<vmem>>, %arg6: memref<32x8x16xf32, #tpu.memory_space<vmem>>, %arg7: memref<512x16xf32, #tpu.memory_space<vmem>>, %arg8: memref<!tpu.dma_semaphore, #tpu.memory_space<semaphore_mem>>, %arg9: memref<!tpu.dma_semaphore, #tpu.memory_space<semaphore_mem>>) attributes {dimension_semantics = [#tpu.dimension_semantics<core_parallel>, #tpu.dimension_semantics<subcore_parallel>], iteration_bounds = array<i64: 2, 16>, scalar_prefetch = 0 : i64, scratch_operands = 5 : i64, tpu.core_type = #tpu.core_type<sc_vector_subcore>, window_params = [{transform_indices = #map}, {transform_indices = #map1}, {transform_indices = #map2}]} {
    %mul3A = arith.constant 2 : i32
    %mul3A_0 = arith.muli %arg1, %mul3A : i32
    %add3A = arith.addi %mul3A_0, %arg0 : i32
    %mul3A_1 = arith.constant 512 : i32
    %mul3A_2 = arith.muli %add3A, %mul3A_1 : i32
    "tpu.region"() ({
      %run_scoped3A = tpu.sem_alloc : memref<!tpu.dma_semaphore, #tpu.memory_space<semaphore_mem>>
      %dma_start3A = tpu.memref_slice %arg2[%mul3A_2] : memref<16384xi32, #tpu.memory_space<hbm>> -> memref<512xi32, #tpu.memory_space<hbm>>
      %dma_start3A_318 = tpu.memref_slice %arg2[%mul3A_2] : memref<16384xi32, #tpu.memory_space<hbm>> -> memref<512xi32, #tpu.memory_space<hbm>>
      tpu.enqueue_dma source(%dma_start3A_318 : memref<512xi32, #tpu.memory_space<hbm>>) target(%arg5 : memref<512xi32, #tpu.memory_space<vmem>>) target_semaphore(%run_scoped3A : memref<!tpu.dma_semaphore, #tpu.memory_space<semaphore_mem>>)
      %dma_wait3A_319 = tpu.memref_slice %arg2[%mul3A_2] : memref<16384xi32, #tpu.memory_space<hbm>> -> memref<512xi32, #tpu.memory_space<hbm>>
      %dma_wait3A_320 = tpu.memref_slice %arg2[%mul3A_2] : memref<16384xi32, #tpu.memory_space<hbm>> -> memref<512xi32, #tpu.memory_space<hbm>>
      tpu.wait_dma2 semaphore(%run_scoped3A : memref<!tpu.dma_semaphore, #tpu.memory_space<semaphore_mem>>) src(%dma_wait3A_320 : memref<512xi32, #tpu.memory_space<hbm>>) dst(%arg5 : memref<512xi32, #tpu.memory_space<vmem>>)
      tpu.yield
    }) : () -> ()
    %iota3A = tpu.iota {dimensions = array<i32: 0>} : vector<16xi32>
    %scan3A = arith.constant 0 : i32
    %scan3A_3 = arith.constant 0 : i32
    %scan3A_4 = arith.constant 32 : i32
    %scan3A_5 = arith.addi %scan3A_3, %scan3A_4 : i32
    %scan3A_6 = arith.constant 1 : i32
    scf.for %scan3A_318 = %scan3A_3 to %scan3A_5 step %scan3A_6  : i32 {
      %jit3A = arith.constant 2 : i32
      %eq3A = arith.constant 0 : i32
      %eq3A_319 = arith.cmpi eq, %jit3A, %eq3A : i32
      %jit3A_320 = arith.constant 1 : i32
      %select_n3A = arith.select %eq3A_319, %jit3A_320, %jit3A : i32
      %rem3A = arith.remsi %scan3A_318, %select_n3A : i32
      %ne3A = arith.constant 0 : i32
      %ne3A_321 = arith.cmpi ne, %rem3A, %ne3A : i32
      %lt3A = arith.constant 0 : i32
      %lt3A_322 = arith.cmpi slt, %rem3A, %lt3A : i32
      %lt3A_323 = arith.constant 0 : i32
      %lt3A_324 = arith.cmpi slt, %select_n3A, %lt3A_323 : i32
      %ne3A_325 = arith.xori %lt3A_322, %lt3A_324 : i1
      %and3A_326 = arith.andi %ne3A_325, %ne3A_321 : i1
      %add3A_327 = arith.addi %rem3A, %select_n3A : i32
      %select_n3A_328 = arith.select %and3A_326, %add3A_327, %rem3A : i32
      %eq3A_329 = arith.constant 0 : i32
      %eq3A_330 = arith.cmpi eq, %select_n3A_328, %eq3A_329 : i32
      %convert_element_type3A = arith.extui %eq3A_330 : i1 to i32
      %cond3A = arith.constant 0 : i32
      %cond3A_331 = arith.cmpi ne, %convert_element_type3A, %cond3A : i32
      scf.if %cond3A_331 {
        %jit3A_397 = arith.constant 2 : i32
        %eq3A_398 = arith.constant 0 : i32
        %eq3A_399 = arith.cmpi eq, %jit3A_397, %eq3A_398 : i32
        %jit3A_400 = arith.constant 1 : i32
        %select_n3A_401 = arith.select %eq3A_399, %jit3A_400, %jit3A_397 : i32
        %rem3A_402 = arith.remsi %scan3A_318, %select_n3A_401 : i32
        %ne3A_403 = arith.constant 0 : i32
        %ne3A_404 = arith.cmpi ne, %rem3A_402, %ne3A_403 : i32
        %lt3A_405 = arith.constant 0 : i32
        %lt3A_406 = arith.cmpi slt, %rem3A_402, %lt3A_405 : i32
        %lt3A_407 = arith.constant 0 : i32
        %lt3A_408 = arith.cmpi slt, %select_n3A_401, %lt3A_407 : i32
        %ne3A_409 = arith.xori %lt3A_406, %lt3A_408 : i1
        %and3A_410 = arith.andi %ne3A_409, %ne3A_404 : i1
        %add3A_411 = arith.addi %rem3A_402, %select_n3A_401 : i32
        %select_n3A_412 = arith.select %and3A_410, %add3A_411, %rem3A_402 : i32
        %mul3A_413 = arith.constant 16 : i32
        %mul3A_414 = arith.muli %select_n3A_412, %mul3A_413 : i32
        %mul3A_415 = arith.constant 16 : i32
        %mul3A_416 = arith.muli %scan3A_318, %mul3A_415 : i32
        %get3A_417 = arith.index_cast %mul3A_416 : i32 to index
        %get3A_418 = tpu.vector_load %arg5[%get3A_417] {strides = array<i32>} : memref<512xi32, #tpu.memory_space<vmem>>, vector<16xi32>,
        %shift_right_logical3A = arith.constant 3 : i32
        %shift_right_logical3A_419 = vector.broadcast %shift_right_logical3A : i32 to vector<16xi32>
        %shift_right_logical3A_420 = arith.shrui %get3A_418, %shift_right_logical3A_419 : vector<16xi32>
        %eq3A_421 = arith.constant 0 : i32
        %eq3A_422 = vector.broadcast %eq3A_421 : i32 to vector<16xi32>
        %eq3A_423 = arith.cmpi eq, %iota3A, %eq3A_422 : vector<16xi32>
        %jit3A_424 = arith.constant 0 : i32
        %broadcast_in_dim3A_425 = vector.broadcast %jit3A_424 : i32 to vector<16xi32>
        %select_n3A_426 = arith.select %eq3A_423, %shift_right_logical3A_420, %broadcast_in_dim3A_425 : vector<16xi1>, vector<16xi32>
        %reduce_sum3A = arith.constant true
        %reduce_sum3A_427 = vector.broadcast %reduce_sum3A : i1 to vector<16xi1>
        %reduce_sum3A_428 = tpu.scan <sum>, %select_n3A_426 masked %reduce_sum3A_427 : vector<16xi32>, vector<16xi1> -> vector<16xi32>
        %reduce_sum3A_429 = vector.extract %reduce_sum3A_428[15] : i32 from vector<16xi32>
        %add3A_430 = arith.constant 0 : i32
        %add3A_431 = arith.addi %mul3A_414, %add3A_430 : i32
        %dma_start3A = arith.constant 0 : i32
        %dma_start3A_432 = arith.constant 0 : i32
        %dma_start3A_433 = tpu.memref_slice %arg6[%add3A_431, %dma_start3A, %dma_start3A_432] : memref<32x8x16xf32, #tpu.memory_space<vmem>> -> memref<1x8x16xf32, #tpu.memory_space<vmem>>
        %dma_start3A_434 = arith.constant 0 : i32
        %dma_start3A_435 = arith.constant 0 : i32
        %dma_start3A_436 = tpu.memref_slice %arg3[%reduce_sum3A_429, %dma_start3A_434, %dma_start3A_435] : memref<125000x8x16xf32, #tpu.memory_space<hbm>> -> memref<1x8x16xf32, #tpu.memory_space<hbm>>
        %dma_start3A_437 = arith.constant 0 : i32
        %dma_start3A_438 = arith.constant 0 : i32
        %dma_start3A_439 = tpu.memref_slice %arg6[%add3A_431, %dma_start3A_437, %dma_start3A_438] : memref<32x8x16xf32, #tpu.memory_space<vmem>> -> memref<1x8x16xf32, #tpu.memory_space<vmem>>
        %dma_start3A_440 = arith.constant 0 : i32
        %dma_start3A_441 = arith.constant 0 : i32
        %dma_start3A_442 = tpu.memref_slice %arg3[%reduce_sum3A_429, %dma_start3A_440, %dma_start3A_441] : memref<125000x8x16xf32, #tpu.memory_space<hbm>> -> memref<1x8x16xf32, #tpu.memory_space<hbm>>
        tpu.enqueue_dma source(%dma_start3A_442 : memref<1x8x16xf32, #tpu.memory_space<hbm>>) target(%dma_start3A_439 : memref<1x8x16xf32, #tpu.memory_space<vmem>>) target_semaphore(%arg8 : memref<!tpu.dma_semaphore, #tpu.memory_space<semaphore_mem>>)
        %eq3A_443 = arith.constant 1 : i32
        %eq3A_444 = vector.broadcast %eq3A_443 : i32 to vector<16xi32>
        %eq3A_445 = arith.cmpi eq, %iota3A, %eq3A_444 : vector<16xi32>
        %jit3A_446 = arith.constant 0 : i32
        %broadcast_in_dim3A_447 = vector.broadcast %jit3A_446 : i32 to vector<16xi32>
        %select_n3A_448 = arith.select %eq3A_445, %shift_right_logical3A_420, %broadcast_in_dim3A_447 : vector<16xi1>, vector<16xi32>
        %reduce_sum3A_449 = arith.constant true
        %reduce_sum3A_450 = vector.broadcast %reduce_sum3A_449 : i1 to vector<16xi1>
        %reduce_sum3A_451 = tpu.scan <sum>, %select_n3A_448 masked %reduce_sum3A_450 : vector<16xi32>, vector<16xi1> -> vector<16xi32>
        %reduce_sum3A_452 = vector.extract %reduce_sum3A_451[15] : i32 from vector<16xi32>
        %add3A_453 = arith.constant 1 : i32
        %add3A_454 = arith.addi %mul3A_414, %add3A_453 : i32
        %dma_start3A_455 = arith.constant 0 : i32
        %dma_start3A_456 = arith.constant 0 : i32
        %dma_start3A_457 = tpu.memref_slice %arg6[%add3A_454, %dma_start3A_455, %dma_start3A_456] : memref<32x8x16xf32, #tpu.memory_space<vmem>> -> memref<1x8x16xf32, #tpu.memory_space<vmem>>
        %dma_start3A_458 = arith.constant 0 : i32
        %dma_start3A_459 = arith.constant 0 : i32
        %dma_start3A_460 = tpu.memref_slice %arg3[%reduce_sum3A_452, %dma_start3A_458, %dma_start3A_459] : memref<125000x8x16xf32, #tpu.memory_space<hbm>> -> memref<1x8x16xf32, #tpu.memory_space<hbm>>
        %dma_start3A_461 = arith.constant 0 : i32
        %dma_start3A_462 = arith.constant 0 : i32
        %dma_start3A_463 = tpu.memref_slice %arg6[%add3A_454, %dma_start3A_461, %dma_start3A_462] : memref<32x8x16xf32, #tpu.memory_space<vmem>> -> memref<1x8x16xf32, #tpu.memory_space<vmem>>
        %dma_start3A_464 = arith.constant 0 : i32
        %dma_start3A_465 = arith.constant 0 : i32
        %dma_start3A_466 = tpu.memref_slice %arg3[%reduce_sum3A_452, %dma_start3A_464, %dma_start3A_465] : memref<125000x8x16xf32, #tpu.memory_space<hbm>> -> memref<1x8x16xf32, #tpu.memory_space<hbm>>
        tpu.enqueue_dma source(%dma_start3A_466 : memref<1x8x16xf32, #tpu.memory_space<hbm>>) target(%dma_start3A_463 : memref<1x8x16xf32, #tpu.memory_space<vmem>>) target_semaphore(%arg8 : memref<!tpu.dma_semaphore, #tpu.memory_space<semaphore_mem>>)
        %eq3A_467 = arith.constant 2 : i32
        %eq3A_468 = vector.broadcast %eq3A_467 : i32 to vector<16xi32>
        %eq3A_469 = arith.cmpi eq, %iota3A, %eq3A_468 : vector<16xi32>
        %jit3A_470 = arith.constant 0 : i32
        %broadcast_in_dim3A_471 = vector.broadcast %jit3A_470 : i32 to vector<16xi32>
        %select_n3A_472 = arith.select %eq3A_469, %shift_right_logical3A_420, %broadcast_in_dim3A_471 : vector<16xi1>, vector<16xi32>
        %reduce_sum3A_473 = arith.constant true
        %reduce_sum3A_474 = vector.broadcast %reduce_sum3A_473 : i1 to vector<16xi1>
        %reduce_sum3A_475 = tpu.scan <sum>, %select_n3A_472 masked %reduce_sum3A_474 : vector<16xi32>, vector<16xi1> -> vector<16xi32>
        %reduce_sum3A_476 = vector.extract %reduce_sum3A_475[15] : i32 from vector<16xi32>
        %add3A_477 = arith.constant 2 : i32
        %add3A_478 = arith.addi %mul3A_414, %add3A_477 : i32
        %dma_start3A_479 = arith.constant 0 : i32
        %dma_start3A_480 = arith.constant 0 : i32
        %dma_start3A_481 = tpu.memref_slice %arg6[%add3A_478, %dma_start3A_479, %dma_start3A_480] : memref<32x8x16xf32, #tpu.memory_space<vmem>> -> memref<1x8x16xf32, #tpu.memory_space<vmem>>
        %dma_start3A_482 = arith.constant 0 : i32
        %dma_start3A_483 = arith.constant 0 : i32
        %dma_start3A_484 = tpu.memref_slice %arg3[%reduce_sum3A_476, %dma_start3A_482, %dma_start3A_483] : memref<125000x8x16xf32, #tpu.memory_space<hbm>> -> memref<1x8x16xf32, #tpu.memory_space<hbm>>
        %dma_start3A_485 = arith.constant 0 : i32
        %dma_start3A_486 = arith.constant 0 : i32
        %dma_start3A_487 = tpu.memref_slice %arg6[%add3A_478, %dma_start3A_485, %dma_start3A_486] : memref<32x8x16xf32, #tpu.memory_space<vmem>> -> memref<1x8x16xf32, #tpu.memory_space<vmem>>
        %dma_start3A_488 = arith.constant 0 : i32
        %dma_start3A_489 = arith.constant 0 : i32
        %dma_start3A_490 = tpu.memref_slice %arg3[%reduce_sum3A_476, %dma_start3A_488, %dma_start3A_489] : memref<125000x8x16xf32, #tpu.memory_space<hbm>> -> memref<1x8x16xf32, #tpu.memory_space<hbm>>
        tpu.enqueue_dma source(%dma_start3A_490 : memref<1x8x16xf32, #tpu.memory_space<hbm>>) target(%dma_start3A_487 : memref<1x8x16xf32, #tpu.memory_space<vmem>>) target_semaphore(%arg8 : memref<!tpu.dma_semaphore, #tpu.memory_space<semaphore_mem>>)
        %eq3A_491 = arith.constant 3 : i32
        %eq3A_492 = vector.broadcast %eq3A_491 : i32 to vector<16xi32>
        %eq3A_493 = arith.cmpi eq, %iota3A, %eq3A_492 : vector<16xi32>
        %jit3A_494 = arith.constant 0 : i32
        %broadcast_in_dim3A_495 = vector.broadcast %jit3A_494 : i32 to vector<16xi32>
        %select_n3A_496 = arith.select %eq3A_493, %shift_right_logical3A_420, %broadcast_in_dim3A_495 : vector<16xi1>, vector<16xi32>
        %reduce_sum3A_497 = arith.constant true
        %reduce_sum3A_498 = vector.broadcast %reduce_sum3A_497 : i1 to vector<16xi1>
        %reduce_sum3A_499 = tpu.scan <sum>, %select_n3A_496 masked %reduce_sum3A_498 : vector<16xi32>, vector<16xi1> -> vector<16xi32>
        %reduce_sum3A_500 = vector.extract %reduce_sum3A_499[15] : i32 from vector<16xi32>
        %add3A_501 = arith.constant 3 : i32
        %add3A_502 = arith.addi %mul3A_414, %add3A_501 : i32
        %dma_start3A_503 = arith.constant 0 : i32
        %dma_start3A_504 = arith.constant 0 : i32
        %dma_start3A_505 = tpu.memref_slice %arg6[%add3A_502, %dma_start3A_503, %dma_start3A_504] : memref<32x8x16xf32, #tpu.memory_space<vmem>> -> memref<1x8x16xf32, #tpu.memory_space<vmem>>
        %dma_start3A_506 = arith.constant 0 : i32
        %dma_start3A_507 = arith.constant 0 : i32
        %dma_start3A_508 = tpu.memref_slice %arg3[%reduce_sum3A_500, %dma_start3A_506, %dma_start3A_507] : memref<125000x8x16xf32, #tpu.memory_space<hbm>> -> memref<1x8x16xf32, #tpu.memory_space<hbm>>
        %dma_start3A_509 = arith.constant 0 : i32
        %dma_start3A_510 = arith.constant 0 : i32
        %dma_start3A_511 = tpu.memref_slice %arg6[%add3A_502, %dma_start3A_509, %dma_start3A_510] : memref<32x8x16xf32, #tpu.memory_space<vmem>> -> memref<1x8x16xf32, #tpu.memory_space<vmem>>
        %dma_start3A_512 = arith.constant 0 : i32
        %dma_start3A_513 = arith.constant 0 : i32
        %dma_start3A_514 = tpu.memref_slice %arg3[%reduce_sum3A_500, %dma_start3A_512, %dma_start3A_513] : memref<125000x8x16xf32, #tpu.memory_space<hbm>> -> memref<1x8x16xf32, #tpu.memory_space<hbm>>
        tpu.enqueue_dma source(%dma_start3A_514 : memref<1x8x16xf32, #tpu.memory_space<hbm>>) target(%dma_start3A_511 : memref<1x8x16xf32, #tpu.memory_space<vmem>>) target_semaphore(%arg8 : memref<!tpu.dma_semaphore, #tpu.memory_space<semaphore_mem>>)
        %eq3A_515 = arith.constant 4 : i32
        %eq3A_516 = vector.broadcast %eq3A_515 : i32 to vector<16xi32>
        %eq3A_517 = arith.cmpi eq, %iota3A, %eq3A_516 : vector<16xi32>
        %jit3A_518 = arith.constant 0 : i32
        %broadcast_in_dim3A_519 = vector.broadcast %jit3A_518 : i32 to vector<16xi32>
        %select_n3A_520 = arith.select %eq3A_517, %shift_right_logical3A_420, %broadcast_in_dim3A_519 : vector<16xi1>, vector<16xi32>
        %reduce_sum3A_521 = arith.constant true
        %reduce_sum3A_522 = vector.broadcast %reduce_sum3A_521 : i1 to vector<16xi1>
        %reduce_sum3A_523 = tpu.scan <sum>, %select_n3A_520 masked %reduce_sum3A_522 : vector<16xi32>, vector<16xi1> -> vector<16xi32>
        %reduce_sum3A_524 = vector.extract %reduce_sum3A_523[15] : i32 from vector<16xi32>
        %add3A_525 = arith.constant 4 : i32
        %add3A_526 = arith.addi %mul3A_414, %add3A_525 : i32
        %dma_start3A_527 = arith.constant 0 : i32
        %dma_start3A_528 = arith.constant 0 : i32
        %dma_start3A_529 = tpu.memref_slice %arg6[%add3A_526, %dma_start3A_527, %dma_start3A_528] : memref<32x8x16xf32, #tpu.memory_space<vmem>> -> memref<1x8x16xf32, #tpu.memory_space<vmem>>
        %dma_start3A_530 = arith.constant 0 : i32
        %dma_start3A_531 = arith.constant 0 : i32
        %dma_start3A_532 = tpu.memref_slice %arg3[%reduce_sum3A_524, %dma_start3A_530, %dma_start3A_531] : memref<125000x8x16xf32, #tpu.memory_space<hbm>> -> memref<1x8x16xf32, #tpu.memory_space<hbm>>
        %dma_start3A_533 = arith.constant 0 : i32
        %dma_start3A_534 = arith.constant 0 : i32
        %dma_start3A_535 = tpu.memref_slice %arg6[%add3A_526, %dma_start3A_533, %dma_start3A_534] : memref<32x8x16xf32, #tpu.memory_space<vmem>> -> memref<1x8x16xf32, #tpu.memory_space<vmem>>
        %dma_start3A_536 = arith.constant 0 : i32
        %dma_start3A_537 = arith.constant 0 : i32
        %dma_start3A_538 = tpu.memref_slice %arg3[%reduce_sum3A_524, %dma_start3A_536, %dma_start3A_537] : memref<125000x8x16xf32, #tpu.memory_space<hbm>> -> memref<1x8x16xf32, #tpu.memory_space<hbm>>
        tpu.enqueue_dma source(%dma_start3A_538 : memref<1x8x16xf32, #tpu.memory_space<hbm>>) target(%dma_start3A_535 : memref<1x8x16xf32, #tpu.memory_space<vmem>>) target_semaphore(%arg8 : memref<!tpu.dma_semaphore, #tpu.memory_space<semaphore_mem>>)
        %eq3A_539 = arith.constant 5 : i32
        %eq3A_540 = vector.broadcast %eq3A_539 : i32 to vector<16xi32>
        %eq3A_541 = arith.cmpi eq, %iota3A, %eq3A_540 : vector<16xi32>
        %jit3A_542 = arith.constant 0 : i32
        %broadcast_in_dim3A_543 = vector.broadcast %jit3A_542 : i32 to vector<16xi32>
        %select_n3A_544 = arith.select %eq3A_541, %shift_right_logical3A_420, %broadcast_in_dim3A_543 : vector<16xi1>, vector<16xi32>
        %reduce_sum3A_545 = arith.constant true
        %reduce_sum3A_546 = vector.broadcast %reduce_sum3A_545 : i1 to vector<16xi1>
        %reduce_sum3A_547 = tpu.scan <sum>, %select_n3A_544 masked %reduce_sum3A_546 : vector<16xi32>, vector<16xi1> -> vector<16xi32>
        %reduce_sum3A_548 = vector.extract %reduce_sum3A_547[15] : i32 from vector<16xi32>
        %add3A_549 = arith.constant 5 : i32
        %add3A_550 = arith.addi %mul3A_414, %add3A_549 : i32
        %dma_start3A_551 = arith.constant 0 : i32
        %dma_start3A_552 = arith.constant 0 : i32
        %dma_start3A_553 = tpu.memref_slice %arg6[%add3A_550, %dma_start3A_551, %dma_start3A_552] : memref<32x8x16xf32, #tpu.memory_space<vmem>> -> memref<1x8x16xf32, #tpu.memory_space<vmem>>
        %dma_start3A_554 = arith.constant 0 : i32
        %dma_start3A_555 = arith.constant 0 : i32
        %dma_start3A_556 = tpu.memref_slice %arg3[%reduce_sum3A_548, %dma_start3A_554, %dma_start3A_555] : memref<125000x8x16xf32, #tpu.memory_space<hbm>> -> memref<1x8x16xf32, #tpu.memory_space<hbm>>
        %dma_start3A_557 = arith.constant 0 : i32
        %dma_start3A_558 = arith.constant 0 : i32
        %dma_start3A_559 = tpu.memref_slice %arg6[%add3A_550, %dma_start3A_557, %dma_start3A_558] : memref<32x8x16xf32, #tpu.memory_space<vmem>> -> memref<1x8x16xf32, #tpu.memory_space<vmem>>
        %dma_start3A_560 = arith.constant 0 : i32
        %dma_start3A_561 = arith.constant 0 : i32
        %dma_start3A_562 = tpu.memref_slice %arg3[%reduce_sum3A_548, %dma_start3A_560, %dma_start3A_561] : memref<125000x8x16xf32, #tpu.memory_space<hbm>> -> memref<1x8x16xf32, #tpu.memory_space<hbm>>
        tpu.enqueue_dma source(%dma_start3A_562 : memref<1x8x16xf32, #tpu.memory_space<hbm>>) target(%dma_start3A_559 : memref<1x8x16xf32, #tpu.memory_space<vmem>>) target_semaphore(%arg8 : memref<!tpu.dma_semaphore, #tpu.memory_space<semaphore_mem>>)
        %eq3A_563 = arith.constant 6 : i32
        %eq3A_564 = vector.broadcast %eq3A_563 : i32 to vector<16xi32>
        %eq3A_565 = arith.cmpi eq, %iota3A, %eq3A_564 : vector<16xi32>
        %jit3A_566 = arith.constant 0 : i32
        %broadcast_in_dim3A_567 = vector.broadcast %jit3A_566 : i32 to vector<16xi32>
        %select_n3A_568 = arith.select %eq3A_565, %shift_right_logical3A_420, %broadcast_in_dim3A_567 : vector<16xi1>, vector<16xi32>
        %reduce_sum3A_569 = arith.constant true
        %reduce_sum3A_570 = vector.broadcast %reduce_sum3A_569 : i1 to vector<16xi1>
        %reduce_sum3A_571 = tpu.scan <sum>, %select_n3A_568 masked %reduce_sum3A_570 : vector<16xi32>, vector<16xi1> -> vector<16xi32>
        %reduce_sum3A_572 = vector.extract %reduce_sum3A_571[15] : i32 from vector<16xi32>
        %add3A_573 = arith.constant 6 : i32
        %add3A_574 = arith.addi %mul3A_414, %add3A_573 : i32
        %dma_start3A_575 = arith.constant 0 : i32
        %dma_start3A_576 = arith.constant 0 : i32
        %dma_start3A_577 = tpu.memref_slice %arg6[%add3A_574, %dma_start3A_575, %dma_start3A_576] : memref<32x8x16xf32, #tpu.memory_space<vmem>> -> memref<1x8x16xf32, #tpu.memory_space<vmem>>
        %dma_start3A_578 = arith.constant 0 : i32
        %dma_start3A_579 = arith.constant 0 : i32
        %dma_start3A_580 = tpu.memref_slice %arg3[%reduce_sum3A_572, %dma_start3A_578, %dma_start3A_579] : memref<125000x8x16xf32, #tpu.memory_space<hbm>> -> memref<1x8x16xf32, #tpu.memory_space<hbm>>
        %dma_start3A_581 = arith.constant 0 : i32
        %dma_start3A_582 = arith.constant 0 : i32
        %dma_start3A_583 = tpu.memref_slice %arg6[%add3A_574, %dma_start3A_581, %dma_start3A_582] : memref<32x8x16xf32, #tpu.memory_space<vmem>> -> memref<1x8x16xf32, #tpu.memory_space<vmem>>
        %dma_start3A_584 = arith.constant 0 : i32
        %dma_start3A_585 = arith.constant 0 : i32
        %dma_start3A_586 = tpu.memref_slice %arg3[%reduce_sum3A_572, %dma_start3A_584, %dma_start3A_585] : memref<125000x8x16xf32, #tpu.memory_space<hbm>> -> memref<1x8x16xf32, #tpu.memory_space<hbm>>
        tpu.enqueue_dma source(%dma_start3A_586 : memref<1x8x16xf32, #tpu.memory_space<hbm>>) target(%dma_start3A_583 : memref<1x8x16xf32, #tpu.memory_space<vmem>>) target_semaphore(%arg8 : memref<!tpu.dma_semaphore, #tpu.memory_space<semaphore_mem>>)
        %eq3A_587 = arith.constant 7 : i32
        %eq3A_588 = vector.broadcast %eq3A_587 : i32 to vector<16xi32>
        %eq3A_589 = arith.cmpi eq, %iota3A, %eq3A_588 : vector<16xi32>
        %jit3A_590 = arith.constant 0 : i32
        %broadcast_in_dim3A_591 = vector.broadcast %jit3A_590 : i32 to vector<16xi32>
        %select_n3A_592 = arith.select %eq3A_589, %shift_right_logical3A_420, %broadcast_in_dim3A_591 : vector<16xi1>, vector<16xi32>
        %reduce_sum3A_593 = arith.constant true
        %reduce_sum3A_594 = vector.broadcast %reduce_sum3A_593 : i1 to vector<16xi1>
        %reduce_sum3A_595 = tpu.scan <sum>, %select_n3A_592 masked %reduce_sum3A_594 : vector<16xi32>, vector<16xi1> -> vector<16xi32>
        %reduce_sum3A_596 = vector.extract %reduce_sum3A_595[15] : i32 from vector<16xi32>
        %add3A_597 = arith.constant 7 : i32
        %add3A_598 = arith.addi %mul3A_414, %add3A_597 : i32
        %dma_start3A_599 = arith.constant 0 : i32
        %dma_start3A_600 = arith.constant 0 : i32
        %dma_start3A_601 = tpu.memref_slice %arg6[%add3A_598, %dma_start3A_599, %dma_start3A_600] : memref<32x8x16xf32, #tpu.memory_space<vmem>> -> memref<1x8x16xf32, #tpu.memory_space<vmem>>
        %dma_start3A_602 = arith.constant 0 : i32
        %dma_start3A_603 = arith.constant 0 : i32
        %dma_start3A_604 = tpu.memref_slice %arg3[%reduce_sum3A_596, %dma_start3A_602, %dma_start3A_603] : memref<125000x8x16xf32, #tpu.memory_space<hbm>> -> memref<1x8x16xf32, #tpu.memory_space<hbm>>
        %dma_start3A_605 = arith.constant 0 : i32
        %dma_start3A_606 = arith.constant 0 : i32
        %dma_start3A_607 = tpu.memref_slice %arg6[%add3A_598, %dma_start3A_605, %dma_start3A_606] : memref<32x8x16xf32, #tpu.memory_space<vmem>> -> memref<1x8x16xf32, #tpu.memory_space<vmem>>
        %dma_start3A_608 = arith.constant 0 : i32
        %dma_start3A_609 = arith.constant 0 : i32
        %dma_start3A_610 = tpu.memref_slice %arg3[%reduce_sum3A_596, %dma_start3A_608, %dma_start3A_609] : memref<125000x8x16xf32, #tpu.memory_space<hbm>> -> memref<1x8x16xf32, #tpu.memory_space<hbm>>
        tpu.enqueue_dma source(%dma_start3A_610 : memref<1x8x16xf32, #tpu.memory_space<hbm>>) target(%dma_start3A_607 : memref<1x8x16xf32, #tpu.memory_space<vmem>>) target_semaphore(%arg8 : memref<!tpu.dma_semaphore, #tpu.memory_space<semaphore_mem>>)
        %eq3A_611 = arith.constant 8 : i32
        %eq3A_612 = vector.broadcast %eq3A_611 : i32 to vector<16xi32>
        %eq3A_613 = arith.cmpi eq, %iota3A, %eq3A_612 : vector<16xi32>
        %jit3A_614 = arith.constant 0 : i32
        %broadcast_in_dim3A_615 = vector.broadcast %jit3A_614 : i32 to vector<16xi32>
        %select_n3A_616 = arith.select %eq3A_613, %shift_right_logical3A_420, %broadcast_in_dim3A_615 : vector<16xi1>, vector<16xi32>
        %reduce_sum3A_617 = arith.constant true
        %reduce_sum3A_618 = vector.broadcast %reduce_sum3A_617 : i1 to vector<16xi1>
        %reduce_sum3A_619 = tpu.scan <sum>, %select_n3A_616 masked %reduce_sum3A_618 : vector<16xi32>, vector<16xi1> -> vector<16xi32>
        %reduce_sum3A_620 = vector.extract %reduce_sum3A_619[15] : i32 from vector<16xi32>
        %add3A_621 = arith.constant 8 : i32
        %add3A_622 = arith.addi %mul3A_414, %add3A_621 : i32
        %dma_start3A_623 = arith.constant 0 : i32
        %dma_start3A_624 = arith.constant 0 : i32
        %dma_start3A_625 = tpu.memref_slice %arg6[%add3A_622, %dma_start3A_623, %dma_start3A_624] : memref<32x8x16xf32, #tpu.memory_space<vmem>> -> memref<1x8x16xf32, #tpu.memory_space<vmem>>
        %dma_start3A_626 = arith.constant 0 : i32
        %dma_start3A_627 = arith.constant 0 : i32
        %dma_start3A_628 = tpu.memref_slice %arg3[%reduce_sum3A_620, %dma_start3A_626, %dma_start3A_627] : memref<125000x8x16xf32, #tpu.memory_space<hbm>> -> memref<1x8x16xf32, #tpu.memory_space<hbm>>
        %dma_start3A_629 = arith.constant 0 : i32
        %dma_start3A_630 = arith.constant 0 : i32
        %dma_start3A_631 = tpu.memref_slice %arg6[%add3A_622, %dma_start3A_629, %dma_start3A_630] : memref<32x8x16xf32, #tpu.memory_space<vmem>> -> memref<1x8x16xf32, #tpu.memory_space<vmem>>
        %dma_start3A_632 = arith.constant 0 : i32
        %dma_start3A_633 = arith.constant 0 : i32
        %dma_start3A_634 = tpu.memref_slice %arg3[%reduce_sum3A_620, %dma_start3A_632, %dma_start3A_633] : memref<125000x8x16xf32, #tpu.memory_space<hbm>> -> memref<1x8x16xf32, #tpu.memory_space<hbm>>
        tpu.enqueue_dma source(%dma_start3A_634 : memref<1x8x16xf32, #tpu.memory_space<hbm>>) target(%dma_start3A_631 : memref<1x8x16xf32, #tpu.memory_space<vmem>>) target_semaphore(%arg8 : memref<!tpu.dma_semaphore, #tpu.memory_space<semaphore_mem>>)
        %eq3A_635 = arith.constant 9 : i32
        %eq3A_636 = vector.broadcast %eq3A_635 : i32 to vector<16xi32>
        %eq3A_637 = arith.cmpi eq, %iota3A, %eq3A_636 : vector<16xi32>
        %jit3A_638 = arith.constant 0 : i32
        %broadcast_in_dim3A_639 = vector.broadcast %jit3A_638 : i32 to vector<16xi32>
        %select_n3A_640 = arith.select %eq3A_637, %shift_right_logical3A_420, %broadcast_in_dim3A_639 : vector<16xi1>, vector<16xi32>
        %reduce_sum3A_641 = arith.constant true
        %reduce_sum3A_642 = vector.broadcast %reduce_sum3A_641 : i1 to vector<16xi1>
        %reduce_sum3A_643 = tpu.scan <sum>, %select_n3A_640 masked %reduce_sum3A_642 : vector<16xi32>, vector<16xi1> -> vector<16xi32>
        %reduce_sum3A_644 = vector.extract %reduce_sum3A_643[15] : i32 from vector<16xi32>
        %add3A_645 = arith.constant 9 : i32
        %add3A_646 = arith.addi %mul3A_414, %add3A_645 : i32
        %dma_start3A_647 = arith.constant 0 : i32
        %dma_start3A_648 = arith.constant 0 : i32
        %dma_start3A_649 = tpu.memref_slice %arg6[%add3A_646, %dma_start3A_647, %dma_start3A_648] : memref<32x8x16xf32, #tpu.memory_space<vmem>> -> memref<1x8x16xf32, #tpu.memory_space<vmem>>
        %dma_start3A_650 = arith.constant 0 : i32
        %dma_start3A_651 = arith.constant 0 : i32
        %dma_start3A_652 = tpu.memref_slice %arg3[%reduce_sum3A_644, %dma_start3A_650, %dma_start3A_651] : memref<125000x8x16xf32, #tpu.memory_space<hbm>> -> memref<1x8x16xf32, #tpu.memory_space<hbm>>
        %dma_start3A_653 = arith.constant 0 : i32
        %dma_start3A_654 = arith.constant 0 : i32
        %dma_start3A_655 = tpu.memref_slice %arg6[%add3A_646, %dma_start3A_653, %dma_start3A_654] : memref<32x8x16xf32, #tpu.memory_space<vmem>> -> memref<1x8x16xf32, #tpu.memory_space<vmem>>
        %dma_start3A_656 = arith.constant 0 : i32
        %dma_start3A_657 = arith.constant 0 : i32
        %dma_start3A_658 = tpu.memref_slice %arg3[%reduce_sum3A_644, %dma_start3A_656, %dma_start3A_657] : memref<125000x8x16xf32, #tpu.memory_space<hbm>> -> memref<1x8x16xf32, #tpu.memory_space<hbm>>
        tpu.enqueue_dma source(%dma_start3A_658 : memref<1x8x16xf32, #tpu.memory_space<hbm>>) target(%dma_start3A_655 : memref<1x8x16xf32, #tpu.memory_space<vmem>>) target_semaphore(%arg8 : memref<!tpu.dma_semaphore, #tpu.memory_space<semaphore_mem>>)
        %eq3A_659 = arith.constant 10 : i32
        %eq3A_660 = vector.broadcast %eq3A_659 : i32 to vector<16xi32>
        %eq3A_661 = arith.cmpi eq, %iota3A, %eq3A_660 : vector<16xi32>
        %jit3A_662 = arith.constant 0 : i32
        %broadcast_in_dim3A_663 = vector.broadcast %jit3A_662 : i32 to vector<16xi32>
        %select_n3A_664 = arith.select %eq3A_661, %shift_right_logical3A_420, %broadcast_in_dim3A_663 : vector<16xi1>, vector<16xi32>
        %reduce_sum3A_665 = arith.constant true
        %reduce_sum3A_666 = vector.broadcast %reduce_sum3A_665 : i1 to vector<16xi1>
        %reduce_sum3A_667 = tpu.scan <sum>, %select_n3A_664 masked %reduce_sum3A_666 : vector<16xi32>, vector<16xi1> -> vector<16xi32>
        %reduce_sum3A_668 = vector.extract %reduce_sum3A_667[15] : i32 from vector<16xi32>
        %add3A_669 = arith.constant 10 : i32
        %add3A_670 = arith.addi %mul3A_414, %add3A_669 : i32
        %dma_start3A_671 = arith.constant 0 : i32
        %dma_start3A_672 = arith.constant 0 : i32
        %dma_start3A_673 = tpu.memref_slice %arg6[%add3A_670, %dma_start3A_671, %dma_start3A_672] : memref<32x8x16xf32, #tpu.memory_space<vmem>> -> memref<1x8x16xf32, #tpu.memory_space<vmem>>
        %dma_start3A_674 = arith.constant 0 : i32
        %dma_start3A_675 = arith.constant 0 : i32
        %dma_start3A_676 = tpu.memref_slice %arg3[%reduce_sum3A_668, %dma_start3A_674, %dma_start3A_675] : memref<125000x8x16xf32, #tpu.memory_space<hbm>> -> memref<1x8x16xf32, #tpu.memory_space<hbm>>
        %dma_start3A_677 = arith.constant 0 : i32
        %dma_start3A_678 = arith.constant 0 : i32
        %dma_start3A_679 = tpu.memref_slice %arg6[%add3A_670, %dma_start3A_677, %dma_start3A_678] : memref<32x8x16xf32, #tpu.memory_space<vmem>> -> memref<1x8x16xf32, #tpu.memory_space<vmem>>
        %dma_start3A_680 = arith.constant 0 : i32
        %dma_start3A_681 = arith.constant 0 : i32
        %dma_start3A_682 = tpu.memref_slice %arg3[%reduce_sum3A_668, %dma_start3A_680, %dma_start3A_681] : memref<125000x8x16xf32, #tpu.memory_space<hbm>> -> memref<1x8x16xf32, #tpu.memory_space<hbm>>
        tpu.enqueue_dma source(%dma_start3A_682 : memref<1x8x16xf32, #tpu.memory_space<hbm>>) target(%dma_start3A_679 : memref<1x8x16xf32, #tpu.memory_space<vmem>>) target_semaphore(%arg8 : memref<!tpu.dma_semaphore, #tpu.memory_space<semaphore_mem>>)
        %eq3A_683 = arith.constant 11 : i32
        %eq3A_684 = vector.broadcast %eq3A_683 : i32 to vector<16xi32>
        %eq3A_685 = arith.cmpi eq, %iota3A, %eq3A_684 : vector<16xi32>
        %jit3A_686 = arith.constant 0 : i32
        %broadcast_in_dim3A_687 = vector.broadcast %jit3A_686 : i32 to vector<16xi32>
        %select_n3A_688 = arith.select %eq3A_685, %shift_right_logical3A_420, %broadcast_in_dim3A_687 : vector<16xi1>, vector<16xi32>
        %reduce_sum3A_689 = arith.constant true
        %reduce_sum3A_690 = vector.broadcast %reduce_sum3A_689 : i1 to vector<16xi1>
        %reduce_sum3A_691 = tpu.scan <sum>, %select_n3A_688 masked %reduce_sum3A_690 : vector<16xi32>, vector<16xi1> -> vector<16xi32>
        %reduce_sum3A_692 = vector.extract %reduce_sum3A_691[15] : i32 from vector<16xi32>
        %add3A_693 = arith.constant 11 : i32
        %add3A_694 = arith.addi %mul3A_414, %add3A_693 : i32
        %dma_start3A_695 = arith.constant 0 : i32
        %dma_start3A_696 = arith.constant 0 : i32
        %dma_start3A_697 = tpu.memref_slice %arg6[%add3A_694, %dma_start3A_695, %dma_start3A_696] : memref<32x8x16xf32, #tpu.memory_space<vmem>> -> memref<1x8x16xf32, #tpu.memory_space<vmem>>
        %dma_start3A_698 = arith.constant 0 : i32
        %dma_start3A_699 = arith.constant 0 : i32
        %dma_start3A_700 = tpu.memref_slice %arg3[%reduce_sum3A_692, %dma_start3A_698, %dma_start3A_699] : memref<125000x8x16xf32, #tpu.memory_space<hbm>> -> memref<1x8x16xf32, #tpu.memory_space<hbm>>
        %dma_start3A_701 = arith.constant 0 : i32
        %dma_start3A_702 = arith.constant 0 : i32
        %dma_start3A_703 = tpu.memref_slice %arg6[%add3A_694, %dma_start3A_701, %dma_start3A_702] : memref<32x8x16xf32, #tpu.memory_space<vmem>> -> memref<1x8x16xf32, #tpu.memory_space<vmem>>
        %dma_start3A_704 = arith.constant 0 : i32
        %dma_start3A_705 = arith.constant 0 : i32
        %dma_start3A_706 = tpu.memref_slice %arg3[%reduce_sum3A_692, %dma_start3A_704, %dma_start3A_705] : memref<125000x8x16xf32, #tpu.memory_space<hbm>> -> memref<1x8x16xf32, #tpu.memory_space<hbm>>
        tpu.enqueue_dma source(%dma_start3A_706 : memref<1x8x16xf32, #tpu.memory_space<hbm>>) target(%dma_start3A_703 : memref<1x8x16xf32, #tpu.memory_space<vmem>>) target_semaphore(%arg8 : memref<!tpu.dma_semaphore, #tpu.memory_space<semaphore_mem>>)
        %eq3A_707 = arith.constant 12 : i32
        %eq3A_708 = vector.broadcast %eq3A_707 : i32 to vector<16xi32>
        %eq3A_709 = arith.cmpi eq, %iota3A, %eq3A_708 : vector<16xi32>
        %jit3A_710 = arith.constant 0 : i32
        %broadcast_in_dim3A_711 = vector.broadcast %jit3A_710 : i32 to vector<16xi32>
        %select_n3A_712 = arith.select %eq3A_709, %shift_right_logical3A_420, %broadcast_in_dim3A_711 : vector<16xi1>, vector<16xi32>
        %reduce_sum3A_713 = arith.constant true
        %reduce_sum3A_714 = vector.broadcast %reduce_sum3A_713 : i1 to vector<16xi1>
        %reduce_sum3A_715 = tpu.scan <sum>, %select_n3A_712 masked %reduce_sum3A_714 : vector<16xi32>, vector<16xi1> -> vector<16xi32>
        %reduce_sum3A_716 = vector.extract %reduce_sum3A_715[15] : i32 from vector<16xi32>
        %add3A_717 = arith.constant 12 : i32
        %add3A_718 = arith.addi %mul3A_414, %add3A_717 : i32
        %dma_start3A_719 = arith.constant 0 : i32
        %dma_start3A_720 = arith.constant 0 : i32
        %dma_start3A_721 = tpu.memref_slice %arg6[%add3A_718, %dma_start3A_719, %dma_start3A_720] : memref<32x8x16xf32, #tpu.memory_space<vmem>> -> memref<1x8x16xf32, #tpu.memory_space<vmem>>
        %dma_start3A_722 = arith.constant 0 : i32
        %dma_start3A_723 = arith.constant 0 : i32
        %dma_start3A_724 = tpu.memref_slice %arg3[%reduce_sum3A_716, %dma_start3A_722, %dma_start3A_723] : memref<125000x8x16xf32, #tpu.memory_space<hbm>> -> memref<1x8x16xf32, #tpu.memory_space<hbm>>
        %dma_start3A_725 = arith.constant 0 : i32
        %dma_start3A_726 = arith.constant 0 : i32
        %dma_start3A_727 = tpu.memref_slice %arg6[%add3A_718, %dma_start3A_725, %dma_start3A_726] : memref<32x8x16xf32, #tpu.memory_space<vmem>> -> memref<1x8x16xf32, #tpu.memory_space<vmem>>
        %dma_start3A_728 = arith.constant 0 : i32
        %dma_start3A_729 = arith.constant 0 : i32
        %dma_start3A_730 = tpu.memref_slice %arg3[%reduce_sum3A_716, %dma_start3A_728, %dma_start3A_729] : memref<125000x8x16xf32, #tpu.memory_space<hbm>> -> memref<1x8x16xf32, #tpu.memory_space<hbm>>
        tpu.enqueue_dma source(%dma_start3A_730 : memref<1x8x16xf32, #tpu.memory_space<hbm>>) target(%dma_start3A_727 : memref<1x8x16xf32, #tpu.memory_space<vmem>>) target_semaphore(%arg8 : memref<!tpu.dma_semaphore, #tpu.memory_space<semaphore_mem>>)
        %eq3A_731 = arith.constant 13 : i32
        %eq3A_732 = vector.broadcast %eq3A_731 : i32 to vector<16xi32>
        %eq3A_733 = arith.cmpi eq, %iota3A, %eq3A_732 : vector<16xi32>
        %jit3A_734 = arith.constant 0 : i32
        %broadcast_in_dim3A_735 = vector.broadcast %jit3A_734 : i32 to vector<16xi32>
        %select_n3A_736 = arith.select %eq3A_733, %shift_right_logical3A_420, %broadcast_in_dim3A_735 : vector<16xi1>, vector<16xi32>
        %reduce_sum3A_737 = arith.constant true
        %reduce_sum3A_738 = vector.broadcast %reduce_sum3A_737 : i1 to vector<16xi1>
        %reduce_sum3A_739 = tpu.scan <sum>, %select_n3A_736 masked %reduce_sum3A_738 : vector<16xi32>, vector<16xi1> -> vector<16xi32>
        %reduce_sum3A_740 = vector.extract %reduce_sum3A_739[15] : i32 from vector<16xi32>
        %add3A_741 = arith.constant 13 : i32
        %add3A_742 = arith.addi %mul3A_414, %add3A_741 : i32
        %dma_start3A_743 = arith.constant 0 : i32
        %dma_start3A_744 = arith.constant 0 : i32
        %dma_start3A_745 = tpu.memref_slice %arg6[%add3A_742, %dma_start3A_743, %dma_start3A_744] : memref<32x8x16xf32, #tpu.memory_space<vmem>> -> memref<1x8x16xf32, #tpu.memory_space<vmem>>
        %dma_start3A_746 = arith.constant 0 : i32
        %dma_start3A_747 = arith.constant 0 : i32
        %dma_start3A_748 = tpu.memref_slice %arg3[%reduce_sum3A_740, %dma_start3A_746, %dma_start3A_747] : memref<125000x8x16xf32, #tpu.memory_space<hbm>> -> memref<1x8x16xf32, #tpu.memory_space<hbm>>
        %dma_start3A_749 = arith.constant 0 : i32
        %dma_start3A_750 = arith.constant 0 : i32
        %dma_start3A_751 = tpu.memref_slice %arg6[%add3A_742, %dma_start3A_749, %dma_start3A_750] : memref<32x8x16xf32, #tpu.memory_space<vmem>> -> memref<1x8x16xf32, #tpu.memory_space<vmem>>
        %dma_start3A_752 = arith.constant 0 : i32
        %dma_start3A_753 = arith.constant 0 : i32
        %dma_start3A_754 = tpu.memref_slice %arg3[%reduce_sum3A_740, %dma_start3A_752, %dma_start3A_753] : memref<125000x8x16xf32, #tpu.memory_space<hbm>> -> memref<1x8x16xf32, #tpu.memory_space<hbm>>
        tpu.enqueue_dma source(%dma_start3A_754 : memref<1x8x16xf32, #tpu.memory_space<hbm>>) target(%dma_start3A_751 : memref<1x8x16xf32, #tpu.memory_space<vmem>>) target_semaphore(%arg8 : memref<!tpu.dma_semaphore, #tpu.memory_space<semaphore_mem>>)
        %eq3A_755 = arith.constant 14 : i32
        %eq3A_756 = vector.broadcast %eq3A_755 : i32 to vector<16xi32>
        %eq3A_757 = arith.cmpi eq, %iota3A, %eq3A_756 : vector<16xi32>
        %jit3A_758 = arith.constant 0 : i32
        %broadcast_in_dim3A_759 = vector.broadcast %jit3A_758 : i32 to vector<16xi32>
        %select_n3A_760 = arith.select %eq3A_757, %shift_right_logical3A_420, %broadcast_in_dim3A_759 : vector<16xi1>, vector<16xi32>
        %reduce_sum3A_761 = arith.constant true
        %reduce_sum3A_762 = vector.broadcast %reduce_sum3A_761 : i1 to vector<16xi1>
        %reduce_sum3A_763 = tpu.scan <sum>, %select_n3A_760 masked %reduce_sum3A_762 : vector<16xi32>, vector<16xi1> -> vector<16xi32>
        %reduce_sum3A_764 = vector.extract %reduce_sum3A_763[15] : i32 from vector<16xi32>
        %add3A_765 = arith.constant 14 : i32
        %add3A_766 = arith.addi %mul3A_414, %add3A_765 : i32
        %dma_start3A_767 = arith.constant 0 : i32
        %dma_start3A_768 = arith.constant 0 : i32
        %dma_start3A_769 = tpu.memref_slice %arg6[%add3A_766, %dma_start3A_767, %dma_start3A_768] : memref<32x8x16xf32, #tpu.memory_space<vmem>> -> memref<1x8x16xf32, #tpu.memory_space<vmem>>
        %dma_start3A_770 = arith.constant 0 : i32
        %dma_start3A_771 = arith.constant 0 : i32
        %dma_start3A_772 = tpu.memref_slice %arg3[%reduce_sum3A_764, %dma_start3A_770, %dma_start3A_771] : memref<125000x8x16xf32, #tpu.memory_space<hbm>> -> memref<1x8x16xf32, #tpu.memory_space<hbm>>
        %dma_start3A_773 = arith.constant 0 : i32
        %dma_start3A_774 = arith.constant 0 : i32
        %dma_start3A_775 = tpu.memref_slice %arg6[%add3A_766, %dma_start3A_773, %dma_start3A_774] : memref<32x8x16xf32, #tpu.memory_space<vmem>> -> memref<1x8x16xf32, #tpu.memory_space<vmem>>
        %dma_start3A_776 = arith.constant 0 : i32
        %dma_start3A_777 = arith.constant 0 : i32
        %dma_start3A_778 = tpu.memref_slice %arg3[%reduce_sum3A_764, %dma_start3A_776, %dma_start3A_777] : memref<125000x8x16xf32, #tpu.memory_space<hbm>> -> memref<1x8x16xf32, #tpu.memory_space<hbm>>
        tpu.enqueue_dma source(%dma_start3A_778 : memref<1x8x16xf32, #tpu.memory_space<hbm>>) target(%dma_start3A_775 : memref<1x8x16xf32, #tpu.memory_space<vmem>>) target_semaphore(%arg8 : memref<!tpu.dma_semaphore, #tpu.memory_space<semaphore_mem>>)
        %eq3A_779 = arith.constant 15 : i32
        %eq3A_780 = vector.broadcast %eq3A_779 : i32 to vector<16xi32>
        %eq3A_781 = arith.cmpi eq, %iota3A, %eq3A_780 : vector<16xi32>
        %jit3A_782 = arith.constant 0 : i32
        %broadcast_in_dim3A_783 = vector.broadcast %jit3A_782 : i32 to vector<16xi32>
        %select_n3A_784 = arith.select %eq3A_781, %shift_right_logical3A_420, %broadcast_in_dim3A_783 : vector<16xi1>, vector<16xi32>
        %reduce_sum3A_785 = arith.constant true
        %reduce_sum3A_786 = vector.broadcast %reduce_sum3A_785 : i1 to vector<16xi1>
        %reduce_sum3A_787 = tpu.scan <sum>, %select_n3A_784 masked %reduce_sum3A_786 : vector<16xi32>, vector<16xi1> -> vector<16xi32>
        %reduce_sum3A_788 = vector.extract %reduce_sum3A_787[15] : i32 from vector<16xi32>
        %add3A_789 = arith.constant 15 : i32
        %add3A_790 = arith.addi %mul3A_414, %add3A_789 : i32
        %dma_start3A_791 = arith.constant 0 : i32
        %dma_start3A_792 = arith.constant 0 : i32
        %dma_start3A_793 = tpu.memref_slice %arg6[%add3A_790, %dma_start3A_791, %dma_start3A_792] : memref<32x8x16xf32, #tpu.memory_space<vmem>> -> memref<1x8x16xf32, #tpu.memory_space<vmem>>
        %dma_start3A_794 = arith.constant 0 : i32
        %dma_start3A_795 = arith.constant 0 : i32
        %dma_start3A_796 = tpu.memref_slice %arg3[%reduce_sum3A_788, %dma_start3A_794, %dma_start3A_795] : memref<125000x8x16xf32, #tpu.memory_space<hbm>> -> memref<1x8x16xf32, #tpu.memory_space<hbm>>
        %dma_start3A_797 = arith.constant 0 : i32
        %dma_start3A_798 = arith.constant 0 : i32
        %dma_start3A_799 = tpu.memref_slice %arg6[%add3A_790, %dma_start3A_797, %dma_start3A_798] : memref<32x8x16xf32, #tpu.memory_space<vmem>> -> memref<1x8x16xf32, #tpu.memory_space<vmem>>
        %dma_start3A_800 = arith.constant 0 : i32
        %dma_start3A_801 = arith.constant 0 : i32
        %dma_start3A_802 = tpu.memref_slice %arg3[%reduce_sum3A_788, %dma_start3A_800, %dma_start3A_801] : memref<125000x8x16xf32, #tpu.memory_space<hbm>> -> memref<1x8x16xf32, #tpu.memory_space<hbm>>
        tpu.enqueue_dma source(%dma_start3A_802 : memref<1x8x16xf32, #tpu.memory_space<hbm>>) target(%dma_start3A_799 : memref<1x8x16xf32, #tpu.memory_space<vmem>>) target_semaphore(%arg8 : memref<!tpu.dma_semaphore, #tpu.memory_space<semaphore_mem>>)
      } else {
      }
      %jit3A_332 = arith.constant 2 : i32
      %eq3A_333 = arith.constant 0 : i32
      %eq3A_334 = arith.cmpi eq, %jit3A_332, %eq3A_333 : i32
      %jit3A_335 = arith.constant 1 : i32
      %select_n3A_336 = arith.select %eq3A_334, %jit3A_335, %jit3A_332 : i32
      %rem3A_337 = arith.remsi %scan3A_318, %select_n3A_336 : i32
      %ne3A_338 = arith.constant 0 : i32
      %ne3A_339 = arith.cmpi ne, %rem3A_337, %ne3A_338 : i32
      %lt3A_340 = arith.constant 0 : i32
      %lt3A_341 = arith.cmpi slt, %rem3A_337, %lt3A_340 : i32
      %lt3A_342 = arith.constant 0 : i32
      %lt3A_343 = arith.cmpi slt, %select_n3A_336, %lt3A_342 : i32
      %ne3A_344 = arith.xori %lt3A_341, %lt3A_343 : i1
      %and3A_345 = arith.andi %ne3A_344, %ne3A_339 : i1
      %add3A_346 = arith.addi %rem3A_337, %select_n3A_336 : i32
      %select_n3A_347 = arith.select %and3A_345, %add3A_346, %rem3A_337 : i32
      %eq3A_348 = arith.constant 1 : i32
      %eq3A_349 = arith.cmpi eq, %select_n3A_347, %eq3A_348 : i32
      %convert_element_type3A_350 = arith.extui %eq3A_349 : i1 to i32
      %cond3A_351 = arith.constant 0 : i32
      %cond3A_352 = arith.cmpi ne, %convert_element_type3A_350, %cond3A_351 : i32
      scf.if %cond3A_352 {
        %jit3A_397 = arith.constant 2 : i32
        %eq3A_398 = arith.constant 0 : i32
        %eq3A_399 = arith.cmpi eq, %jit3A_397, %eq3A_398 : i32
        %jit3A_400 = arith.constant 1 : i32
        %select_n3A_401 = arith.select %eq3A_399, %jit3A_400, %jit3A_397 : i32
        %rem3A_402 = arith.remsi %scan3A_318, %select_n3A_401 : i32
        %ne3A_403 = arith.constant 0 : i32
        %ne3A_404 = arith.cmpi ne, %rem3A_402, %ne3A_403 : i32
        %lt3A_405 = arith.constant 0 : i32
        %lt3A_406 = arith.cmpi slt, %rem3A_402, %lt3A_405 : i32
        %lt3A_407 = arith.constant 0 : i32
        %lt3A_408 = arith.cmpi slt, %select_n3A_401, %lt3A_407 : i32
        %ne3A_409 = arith.xori %lt3A_406, %lt3A_408 : i1
        %and3A_410 = arith.andi %ne3A_409, %ne3A_404 : i1
        %add3A_411 = arith.addi %rem3A_402, %select_n3A_401 : i32
        %select_n3A_412 = arith.select %and3A_410, %add3A_411, %rem3A_402 : i32
        %mul3A_413 = arith.constant 16 : i32
        %mul3A_414 = arith.muli %select_n3A_412, %mul3A_413 : i32
        %mul3A_415 = arith.constant 16 : i32
        %mul3A_416 = arith.muli %scan3A_318, %mul3A_415 : i32
        %get3A_417 = arith.index_cast %mul3A_416 : i32 to index
        %get3A_418 = tpu.vector_load %arg5[%get3A_417] {strides = array<i32>} : memref<512xi32, #tpu.memory_space<vmem>>, vector<16xi32>,
        %shift_right_logical3A = arith.constant 3 : i32
        %shift_right_logical3A_419 = vector.broadcast %shift_right_logical3A : i32 to vector<16xi32>
        %shift_right_logical3A_420 = arith.shrui %get3A_418, %shift_right_logical3A_419 : vector<16xi32>
        %eq3A_421 = arith.constant 0 : i32
        %eq3A_422 = vector.broadcast %eq3A_421 : i32 to vector<16xi32>
        %eq3A_423 = arith.cmpi eq, %iota3A, %eq3A_422 : vector<16xi32>
        %jit3A_424 = arith.constant 0 : i32
        %broadcast_in_dim3A_425 = vector.broadcast %jit3A_424 : i32 to vector<16xi32>
        %select_n3A_426 = arith.select %eq3A_423, %shift_right_logical3A_420, %broadcast_in_dim3A_425 : vector<16xi1>, vector<16xi32>
        %reduce_sum3A = arith.constant true
        %reduce_sum3A_427 = vector.broadcast %reduce_sum3A : i1 to vector<16xi1>
        %reduce_sum3A_428 = tpu.scan <sum>, %select_n3A_426 masked %reduce_sum3A_427 : vector<16xi32>, vector<16xi1> -> vector<16xi32>
        %reduce_sum3A_429 = vector.extract %reduce_sum3A_428[15] : i32 from vector<16xi32>
        %add3A_430 = arith.constant 0 : i32
        %add3A_431 = arith.addi %mul3A_414, %add3A_430 : i32
        %dma_start3A = arith.constant 0 : i32
        %dma_start3A_432 = arith.constant 0 : i32
        %dma_start3A_433 = tpu.memref_slice %arg6[%add3A_431, %dma_start3A, %dma_start3A_432] : memref<32x8x16xf32, #tpu.memory_space<vmem>> -> memref<1x8x16xf32, #tpu.memory_space<vmem>>
        %dma_start3A_434 = arith.constant 0 : i32
        %dma_start3A_435 = arith.constant 0 : i32
        %dma_start3A_436 = tpu.memref_slice %arg3[%reduce_sum3A_429, %dma_start3A_434, %dma_start3A_435] : memref<125000x8x16xf32, #tpu.memory_space<hbm>> -> memref<1x8x16xf32, #tpu.memory_space<hbm>>
        %dma_start3A_437 = arith.constant 0 : i32
        %dma_start3A_438 = arith.constant 0 : i32
        %dma_start3A_439 = tpu.memref_slice %arg6[%add3A_431, %dma_start3A_437, %dma_start3A_438] : memref<32x8x16xf32, #tpu.memory_space<vmem>> -> memref<1x8x16xf32, #tpu.memory_space<vmem>>
        %dma_start3A_440 = arith.constant 0 : i32
        %dma_start3A_441 = arith.constant 0 : i32
        %dma_start3A_442 = tpu.memref_slice %arg3[%reduce_sum3A_429, %dma_start3A_440, %dma_start3A_441] : memref<125000x8x16xf32, #tpu.memory_space<hbm>> -> memref<1x8x16xf32, #tpu.memory_space<hbm>>
        tpu.enqueue_dma source(%dma_start3A_442 : memref<1x8x16xf32, #tpu.memory_space<hbm>>) target(%dma_start3A_439 : memref<1x8x16xf32, #tpu.memory_space<vmem>>) target_semaphore(%arg9 : memref<!tpu.dma_semaphore, #tpu.memory_space<semaphore_mem>>)
        %eq3A_443 = arith.constant 1 : i32
        %eq3A_444 = vector.broadcast %eq3A_443 : i32 to vector<16xi32>
        %eq3A_445 = arith.cmpi eq, %iota3A, %eq3A_444 : vector<16xi32>
        %jit3A_446 = arith.constant 0 : i32
        %broadcast_in_dim3A_447 = vector.broadcast %jit3A_446 : i32 to vector<16xi32>
        %select_n3A_448 = arith.select %eq3A_445, %shift_right_logical3A_420, %broadcast_in_dim3A_447 : vector<16xi1>, vector<16xi32>
        %reduce_sum3A_449 = arith.constant true
        %reduce_sum3A_450 = vector.broadcast %reduce_sum3A_449 : i1 to vector<16xi1>
        %reduce_sum3A_451 = tpu.scan <sum>, %select_n3A_448 masked %reduce_sum3A_450 : vector<16xi32>, vector<16xi1> -> vector<16xi32>
        %reduce_sum3A_452 = vector.extract %reduce_sum3A_451[15] : i32 from vector<16xi32>
        %add3A_453 = arith.constant 1 : i32
        %add3A_454 = arith.addi %mul3A_414, %add3A_453 : i32
        %dma_start3A_455 = arith.constant 0 : i32
        %dma_start3A_456 = arith.constant 0 : i32
        %dma_start3A_457 = tpu.memref_slice %arg6[%add3A_454, %dma_start3A_455, %dma_start3A_456] : memref<32x8x16xf32, #tpu.memory_space<vmem>> -> memref<1x8x16xf32, #tpu.memory_space<vmem>>
        %dma_start3A_458 = arith.constant 0 : i32
        %dma_start3A_459 = arith.constant 0 : i32
        %dma_start3A_460 = tpu.memref_slice %arg3[%reduce_sum3A_452, %dma_start3A_458, %dma_start3A_459] : memref<125000x8x16xf32, #tpu.memory_space<hbm>> -> memref<1x8x16xf32, #tpu.memory_space<hbm>>
        %dma_start3A_461 = arith.constant 0 : i32
        %dma_start3A_462 = arith.constant 0 : i32
        %dma_start3A_463 = tpu.memref_slice %arg6[%add3A_454, %dma_start3A_461, %dma_start3A_462] : memref<32x8x16xf32, #tpu.memory_space<vmem>> -> memref<1x8x16xf32, #tpu.memory_space<vmem>>
        %dma_start3A_464 = arith.constant 0 : i32
        %dma_start3A_465 = arith.constant 0 : i32
        %dma_start3A_466 = tpu.memref_slice %arg3[%reduce_sum3A_452, %dma_start3A_464, %dma_start3A_465] : memref<125000x8x16xf32, #tpu.memory_space<hbm>> -> memref<1x8x16xf32, #tpu.memory_space<hbm>>
        tpu.enqueue_dma source(%dma_start3A_466 : memref<1x8x16xf32, #tpu.memory_space<hbm>>) target(%dma_start3A_463 : memref<1x8x16xf32, #tpu.memory_space<vmem>>) target_semaphore(%arg9 : memref<!tpu.dma_semaphore, #tpu.memory_space<semaphore_mem>>)
        %eq3A_467 = arith.constant 2 : i32
        %eq3A_468 = vector.broadcast %eq3A_467 : i32 to vector<16xi32>
        %eq3A_469 = arith.cmpi eq, %iota3A, %eq3A_468 : vector<16xi32>
        %jit3A_470 = arith.constant 0 : i32
        %broadcast_in_dim3A_471 = vector.broadcast %jit3A_470 : i32 to vector<16xi32>
        %select_n3A_472 = arith.select %eq3A_469, %shift_right_logical3A_420, %broadcast_in_dim3A_471 : vector<16xi1>, vector<16xi32>
        %reduce_sum3A_473 = arith.constant true
        %reduce_sum3A_474 = vector.broadcast %reduce_sum3A_473 : i1 to vector<16xi1>
        %reduce_sum3A_475 = tpu.scan <sum>, %select_n3A_472 masked %reduce_sum3A_474 : vector<16xi32>, vector<16xi1> -> vector<16xi32>
        %reduce_sum3A_476 = vector.extract %reduce_sum3A_475[15] : i32 from vector<16xi32>
        %add3A_477 = arith.constant 2 : i32
        %add3A_478 = arith.addi %mul3A_414, %add3A_477 : i32
        %dma_start3A_479 = arith.constant 0 : i32
        %dma_start3A_480 = arith.constant 0 : i32
        %dma_start3A_481 = tpu.memref_slice %arg6[%add3A_478, %dma_start3A_479, %dma_start3A_480] : memref<32x8x16xf32, #tpu.memory_space<vmem>> -> memref<1x8x16xf32, #tpu.memory_space<vmem>>
        %dma_start3A_482 = arith.constant 0 : i32
        %dma_start3A_483 = arith.constant 0 : i32
        %dma_start3A_484 = tpu.memref_slice %arg3[%reduce_sum3A_476, %dma_start3A_482, %dma_start3A_483] : memref<125000x8x16xf32, #tpu.memory_space<hbm>> -> memref<1x8x16xf32, #tpu.memory_space<hbm>>
        %dma_start3A_485 = arith.constant 0 : i32
        %dma_start3A_486 = arith.constant 0 : i32
        %dma_start3A_487 = tpu.memref_slice %arg6[%add3A_478, %dma_start3A_485, %dma_start3A_486] : memref<32x8x16xf32, #tpu.memory_space<vmem>> -> memref<1x8x16xf32, #tpu.memory_space<vmem>>
        %dma_start3A_488 = arith.constant 0 : i32
        %dma_start3A_489 = arith.constant 0 : i32
        %dma_start3A_490 = tpu.memref_slice %arg3[%reduce_sum3A_476, %dma_start3A_488, %dma_start3A_489] : memref<125000x8x16xf32, #tpu.memory_space<hbm>> -> memref<1x8x16xf32, #tpu.memory_space<hbm>>
        tpu.enqueue_dma source(%dma_start3A_490 : memref<1x8x16xf32, #tpu.memory_space<hbm>>) target(%dma_start3A_487 : memref<1x8x16xf32, #tpu.memory_space<vmem>>) target_semaphore(%arg9 : memref<!tpu.dma_semaphore, #tpu.memory_space<semaphore_mem>>)
        %eq3A_491 = arith.constant 3 : i32
        %eq3A_492 = vector.broadcast %eq3A_491 : i32 to vector<16xi32>
        %eq3A_493 = arith.cmpi eq, %iota3A, %eq3A_492 : vector<16xi32>
        %jit3A_494 = arith.constant 0 : i32
        %broadcast_in_dim3A_495 = vector.broadcast %jit3A_494 : i32 to vector<16xi32>
        %select_n3A_496 = arith.select %eq3A_493, %shift_right_logical3A_420, %broadcast_in_dim3A_495 : vector<16xi1>, vector<16xi32>
        %reduce_sum3A_497 = arith.constant true
        %reduce_sum3A_498 = vector.broadcast %reduce_sum3A_497 : i1 to vector<16xi1>
        %reduce_sum3A_499 = tpu.scan <sum>, %select_n3A_496 masked %reduce_sum3A_498 : vector<16xi32>, vector<16xi1> -> vector<16xi32>
        %reduce_sum3A_500 = vector.extract %reduce_sum3A_499[15] : i32 from vector<16xi32>
        %add3A_501 = arith.constant 3 : i32
        %add3A_502 = arith.addi %mul3A_414, %add3A_501 : i32
        %dma_start3A_503 = arith.constant 0 : i32
        %dma_start3A_504 = arith.constant 0 : i32
        %dma_start3A_505 = tpu.memref_slice %arg6[%add3A_502, %dma_start3A_503, %dma_start3A_504] : memref<32x8x16xf32, #tpu.memory_space<vmem>> -> memref<1x8x16xf32, #tpu.memory_space<vmem>>
        %dma_start3A_506 = arith.constant 0 : i32
        %dma_start3A_507 = arith.constant 0 : i32
        %dma_start3A_508 = tpu.memref_slice %arg3[%reduce_sum3A_500, %dma_start3A_506, %dma_start3A_507] : memref<125000x8x16xf32, #tpu.memory_space<hbm>> -> memref<1x8x16xf32, #tpu.memory_space<hbm>>
        %dma_start3A_509 = arith.constant 0 : i32
        %dma_start3A_510 = arith.constant 0 : i32
        %dma_start3A_511 = tpu.memref_slice %arg6[%add3A_502, %dma_start3A_509, %dma_start3A_510] : memref<32x8x16xf32, #tpu.memory_space<vmem>> -> memref<1x8x16xf32, #tpu.memory_space<vmem>>
        %dma_start3A_512 = arith.constant 0 : i32
        %dma_start3A_513 = arith.constant 0 : i32
        %dma_start3A_514 = tpu.memref_slice %arg3[%reduce_sum3A_500, %dma_start3A_512, %dma_start3A_513] : memref<125000x8x16xf32, #tpu.memory_space<hbm>> -> memref<1x8x16xf32, #tpu.memory_space<hbm>>
        tpu.enqueue_dma source(%dma_start3A_514 : memref<1x8x16xf32, #tpu.memory_space<hbm>>) target(%dma_start3A_511 : memref<1x8x16xf32, #tpu.memory_space<vmem>>) target_semaphore(%arg9 : memref<!tpu.dma_semaphore, #tpu.memory_space<semaphore_mem>>)
        %eq3A_515 = arith.constant 4 : i32
        %eq3A_516 = vector.broadcast %eq3A_515 : i32 to vector<16xi32>
        %eq3A_517 = arith.cmpi eq, %iota3A, %eq3A_516 : vector<16xi32>
        %jit3A_518 = arith.constant 0 : i32
        %broadcast_in_dim3A_519 = vector.broadcast %jit3A_518 : i32 to vector<16xi32>
        %select_n3A_520 = arith.select %eq3A_517, %shift_right_logical3A_420, %broadcast_in_dim3A_519 : vector<16xi1>, vector<16xi32>
        %reduce_sum3A_521 = arith.constant true
        %reduce_sum3A_522 = vector.broadcast %reduce_sum3A_521 : i1 to vector<16xi1>
        %reduce_sum3A_523 = tpu.scan <sum>, %select_n3A_520 masked %reduce_sum3A_522 : vector<16xi32>, vector<16xi1> -> vector<16xi32>
        %reduce_sum3A_524 = vector.extract %reduce_sum3A_523[15] : i32 from vector<16xi32>
        %add3A_525 = arith.constant 4 : i32
        %add3A_526 = arith.addi %mul3A_414, %add3A_525 : i32
        %dma_start3A_527 = arith.constant 0 : i32
        %dma_start3A_528 = arith.constant 0 : i32
        %dma_start3A_529 = tpu.memref_slice %arg6[%add3A_526, %dma_start3A_527, %dma_start3A_528] : memref<32x8x16xf32, #tpu.memory_space<vmem>> -> memref<1x8x16xf32, #tpu.memory_space<vmem>>
        %dma_start3A_530 = arith.constant 0 : i32
        %dma_start3A_531 = arith.constant 0 : i32
        %dma_start3A_532 = tpu.memref_slice %arg3[%reduce_sum3A_524, %dma_start3A_530, %dma_start3A_531] : memref<125000x8x16xf32, #tpu.memory_space<hbm>> -> memref<1x8x16xf32, #tpu.memory_space<hbm>>
        %dma_start3A_533 = arith.constant 0 : i32
        %dma_start3A_534 = arith.constant 0 : i32
        %dma_start3A_535 = tpu.memref_slice %arg6[%add3A_526, %dma_start3A_533, %dma_start3A_534] : memref<32x8x16xf32, #tpu.memory_space<vmem>> -> memref<1x8x16xf32, #tpu.memory_space<vmem>>
        %dma_start3A_536 = arith.constant 0 : i32
        %dma_start3A_537 = arith.constant 0 : i32
        %dma_start3A_538 = tpu.memref_slice %arg3[%reduce_sum3A_524, %dma_start3A_536, %dma_start3A_537] : memref<125000x8x16xf32, #tpu.memory_space<hbm>> -> memref<1x8x16xf32, #tpu.memory_space<hbm>>
        tpu.enqueue_dma source(%dma_start3A_538 : memref<1x8x16xf32, #tpu.memory_space<hbm>>) target(%dma_start3A_535 : memref<1x8x16xf32, #tpu.memory_space<vmem>>) target_semaphore(%arg9 : memref<!tpu.dma_semaphore, #tpu.memory_space<semaphore_mem>>)
        %eq3A_539 = arith.constant 5 : i32
        %eq3A_540 = vector.broadcast %eq3A_539 : i32 to vector<16xi32>
        %eq3A_541 = arith.cmpi eq, %iota3A, %eq3A_540 : vector<16xi32>
        %jit3A_542 = arith.constant 0 : i32
        %broadcast_in_dim3A_543 = vector.broadcast %jit3A_542 : i32 to vector<16xi32>
        %select_n3A_544 = arith.select %eq3A_541, %shift_right_logical3A_420, %broadcast_in_dim3A_543 : vector<16xi1>, vector<16xi32>
        %reduce_sum3A_545 = arith.constant true
        %reduce_sum3A_546 = vector.broadcast %reduce_sum3A_545 : i1 to vector<16xi1>
        %reduce_sum3A_547 = tpu.scan <sum>, %select_n3A_544 masked %reduce_sum3A_546 : vector<16xi32>, vector<16xi1> -> vector<16xi32>
        %reduce_sum3A_548 = vector.extract %reduce_sum3A_547[15] : i32 from vector<16xi32>
        %add3A_549 = arith.constant 5 : i32
        %add3A_550 = arith.addi %mul3A_414, %add3A_549 : i32
        %dma_start3A_551 = arith.constant 0 : i32
        %dma_start3A_552 = arith.constant 0 : i32
        %dma_start3A_553 = tpu.memref_slice %arg6[%add3A_550, %dma_start3A_551, %dma_start3A_552] : memref<32x8x16xf32, #tpu.memory_space<vmem>> -> memref<1x8x16xf32, #tpu.memory_space<vmem>>
        %dma_start3A_554 = arith.constant 0 : i32
        %dma_start3A_555 = arith.constant 0 : i32
        %dma_start3A_556 = tpu.memref_slice %arg3[%reduce_sum3A_548, %dma_start3A_554, %dma_start3A_555] : memref<125000x8x16xf32, #tpu.memory_space<hbm>> -> memref<1x8x16xf32, #tpu.memory_space<hbm>>
        %dma_start3A_557 = arith.constant 0 : i32
        %dma_start3A_558 = arith.constant 0 : i32
        %dma_start3A_559 = tpu.memref_slice %arg6[%add3A_550, %dma_start3A_557, %dma_start3A_558] : memref<32x8x16xf32, #tpu.memory_space<vmem>> -> memref<1x8x16xf32, #tpu.memory_space<vmem>>
        %dma_start3A_560 = arith.constant 0 : i32
        %dma_start3A_561 = arith.constant 0 : i32
        %dma_start3A_562 = tpu.memref_slice %arg3[%reduce_sum3A_548, %dma_start3A_560, %dma_start3A_561] : memref<125000x8x16xf32, #tpu.memory_space<hbm>> -> memref<1x8x16xf32, #tpu.memory_space<hbm>>
        tpu.enqueue_dma source(%dma_start3A_562 : memref<1x8x16xf32, #tpu.memory_space<hbm>>) target(%dma_start3A_559 : memref<1x8x16xf32, #tpu.memory_space<vmem>>) target_semaphore(%arg9 : memref<!tpu.dma_semaphore, #tpu.memory_space<semaphore_mem>>)
        %eq3A_563 = arith.constant 6 : i32
        %eq3A_564 = vector.broadcast %eq3A_563 : i32 to vector<16xi32>
        %eq3A_565 = arith.cmpi eq, %iota3A, %eq3A_564 : vector<16xi32>
        %jit3A_566 = arith.constant 0 : i32
        %broadcast_in_dim3A_567 = vector.broadcast %jit3A_566 : i32 to vector<16xi32>
        %select_n3A_568 = arith.select %eq3A_565, %shift_right_logical3A_420, %broadcast_in_dim3A_567 : vector<16xi1>, vector<16xi32>
        %reduce_sum3A_569 = arith.constant true
        %reduce_sum3A_570 = vector.broadcast %reduce_sum3A_569 : i1 to vector<16xi1>
        %reduce_sum3A_571 = tpu.scan <sum>, %select_n3A_568 masked %reduce_sum3A_570 : vector<16xi32>, vector<16xi1> -> vector<16xi32>
        %reduce_sum3A_572 = vector.extract %reduce_sum3A_571[15] : i32 from vector<16xi32>
        %add3A_573 = arith.constant 6 : i32
        %add3A_574 = arith.addi %mul3A_414, %add3A_573 : i32
        %dma_start3A_575 = arith.constant 0 : i32
        %dma_start3A_576 = arith.constant 0 : i32
        %dma_start3A_577 = tpu.memref_slice %arg6[%add3A_574, %dma_start3A_575, %dma_start3A_576] : memref<32x8x16xf32, #tpu.memory_space<vmem>> -> memref<1x8x16xf32, #tpu.memory_space<vmem>>
        %dma_start3A_578 = arith.constant 0 : i32
        %dma_start3A_579 = arith.constant 0 : i32
        %dma_start3A_580 = tpu.memref_slice %arg3[%reduce_sum3A_572, %dma_start3A_578, %dma_start3A_579] : memref<125000x8x16xf32, #tpu.memory_space<hbm>> -> memref<1x8x16xf32, #tpu.memory_space<hbm>>
        %dma_start3A_581 = arith.constant 0 : i32
        %dma_start3A_582 = arith.constant 0 : i32
        %dma_start3A_583 = tpu.memref_slice %arg6[%add3A_574, %dma_start3A_581, %dma_start3A_582] : memref<32x8x16xf32, #tpu.memory_space<vmem>> -> memref<1x8x16xf32, #tpu.memory_space<vmem>>
        %dma_start3A_584 = arith.constant 0 : i32
        %dma_start3A_585 = arith.constant 0 : i32
        %dma_start3A_586 = tpu.memref_slice %arg3[%reduce_sum3A_572, %dma_start3A_584, %dma_start3A_585] : memref<125000x8x16xf32, #tpu.memory_space<hbm>> -> memref<1x8x16xf32, #tpu.memory_space<hbm>>
        tpu.enqueue_dma source(%dma_start3A_586 : memref<1x8x16xf32, #tpu.memory_space<hbm>>) target(%dma_start3A_583 : memref<1x8x16xf32, #tpu.memory_space<vmem>>) target_semaphore(%arg9 : memref<!tpu.dma_semaphore, #tpu.memory_space<semaphore_mem>>)
        %eq3A_587 = arith.constant 7 : i32
        %eq3A_588 = vector.broadcast %eq3A_587 : i32 to vector<16xi32>
        %eq3A_589 = arith.cmpi eq, %iota3A, %eq3A_588 : vector<16xi32>
        %jit3A_590 = arith.constant 0 : i32
        %broadcast_in_dim3A_591 = vector.broadcast %jit3A_590 : i32 to vector<16xi32>
        %select_n3A_592 = arith.select %eq3A_589, %shift_right_logical3A_420, %broadcast_in_dim3A_591 : vector<16xi1>, vector<16xi32>
        %reduce_sum3A_593 = arith.constant true
        %reduce_sum3A_594 = vector.broadcast %reduce_sum3A_593 : i1 to vector<16xi1>
        %reduce_sum3A_595 = tpu.scan <sum>, %select_n3A_592 masked %reduce_sum3A_594 : vector<16xi32>, vector<16xi1> -> vector<16xi32>
        %reduce_sum3A_596 = vector.extract %reduce_sum3A_595[15] : i32 from vector<16xi32>
        %add3A_597 = arith.constant 7 : i32
        %add3A_598 = arith.addi %mul3A_414, %add3A_597 : i32
        %dma_start3A_599 = arith.constant 0 : i32
        %dma_start3A_600 = arith.constant 0 : i32
        %dma_start3A_601 = tpu.memref_slice %arg6[%add3A_598, %dma_start3A_599, %dma_start3A_600] : memref<32x8x16xf32, #tpu.memory_space<vmem>> -> memref<1x8x16xf32, #tpu.memory_space<vmem>>
        %dma_start3A_602 = arith.constant 0 : i32
        %dma_start3A_603 = arith.constant 0 : i32
        %dma_start3A_604 = tpu.memref_slice %arg3[%reduce_sum3A_596, %dma_start3A_602, %dma_start3A_603] : memref<125000x8x16xf32, #tpu.memory_space<hbm>> -> memref<1x8x16xf32, #tpu.memory_space<hbm>>
        %dma_start3A_605 = arith.constant 0 : i32
        %dma_start3A_606 = arith.constant 0 : i32
        %dma_start3A_607 = tpu.memref_slice %arg6[%add3A_598, %dma_start3A_605, %dma_start3A_606] : memref<32x8x16xf32, #tpu.memory_space<vmem>> -> memref<1x8x16xf32, #tpu.memory_space<vmem>>
        %dma_start3A_608 = arith.constant 0 : i32
        %dma_start3A_609 = arith.constant 0 : i32
        %dma_start3A_610 = tpu.memref_slice %arg3[%reduce_sum3A_596, %dma_start3A_608, %dma_start3A_609] : memref<125000x8x16xf32, #tpu.memory_space<hbm>> -> memref<1x8x16xf32, #tpu.memory_space<hbm>>
        tpu.enqueue_dma source(%dma_start3A_610 : memref<1x8x16xf32, #tpu.memory_space<hbm>>) target(%dma_start3A_607 : memref<1x8x16xf32, #tpu.memory_space<vmem>>) target_semaphore(%arg9 : memref<!tpu.dma_semaphore, #tpu.memory_space<semaphore_mem>>)
        %eq3A_611 = arith.constant 8 : i32
        %eq3A_612 = vector.broadcast %eq3A_611 : i32 to vector<16xi32>
        %eq3A_613 = arith.cmpi eq, %iota3A, %eq3A_612 : vector<16xi32>
        %jit3A_614 = arith.constant 0 : i32
        %broadcast_in_dim3A_615 = vector.broadcast %jit3A_614 : i32 to vector<16xi32>
        %select_n3A_616 = arith.select %eq3A_613, %shift_right_logical3A_420, %broadcast_in_dim3A_615 : vector<16xi1>, vector<16xi32>
        %reduce_sum3A_617 = arith.constant true
        %reduce_sum3A_618 = vector.broadcast %reduce_sum3A_617 : i1 to vector<16xi1>
        %reduce_sum3A_619 = tpu.scan <sum>, %select_n3A_616 masked %reduce_sum3A_618 : vector<16xi32>, vector<16xi1> -> vector<16xi32>
        %reduce_sum3A_620 = vector.extract %reduce_sum3A_619[15] : i32 from vector<16xi32>
        %add3A_621 = arith.constant 8 : i32
        %add3A_622 = arith.addi %mul3A_414, %add3A_621 : i32
        %dma_start3A_623 = arith.constant 0 : i32
        %dma_start3A_624 = arith.constant 0 : i32
        %dma_start3A_625 = tpu.memref_slice %arg6[%add3A_622, %dma_start3A_623, %dma_start3A_624] : memref<32x8x16xf32, #tpu.memory_space<vmem>> -> memref<1x8x16xf32, #tpu.memory_space<vmem>>
        %dma_start3A_626 = arith.constant 0 : i32
        %dma_start3A_627 = arith.constant 0 : i32
        %dma_start3A_628 = tpu.memref_slice %arg3[%reduce_sum3A_620, %dma_start3A_626, %dma_start3A_627] : memref<125000x8x16xf32, #tpu.memory_space<hbm>> -> memref<1x8x16xf32, #tpu.memory_space<hbm>>
        %dma_start3A_629 = arith.constant 0 : i32
        %dma_start3A_630 = arith.constant 0 : i32
        %dma_start3A_631 = tpu.memref_slice %arg6[%add3A_622, %dma_start3A_629, %dma_start3A_630] : memref<32x8x16xf32, #tpu.memory_space<vmem>> -> memref<1x8x16xf32, #tpu.memory_space<vmem>>
        %dma_start3A_632 = arith.constant 0 : i32
        %dma_start3A_633 = arith.constant 0 : i32
        %dma_start3A_634 = tpu.memref_slice %arg3[%reduce_sum3A_620, %dma_start3A_632, %dma_start3A_633] : memref<125000x8x16xf32, #tpu.memory_space<hbm>> -> memref<1x8x16xf32, #tpu.memory_space<hbm>>
        tpu.enqueue_dma source(%dma_start3A_634 : memref<1x8x16xf32, #tpu.memory_space<hbm>>) target(%dma_start3A_631 : memref<1x8x16xf32, #tpu.memory_space<vmem>>) target_semaphore(%arg9 : memref<!tpu.dma_semaphore, #tpu.memory_space<semaphore_mem>>)
        %eq3A_635 = arith.constant 9 : i32
        %eq3A_636 = vector.broadcast %eq3A_635 : i32 to vector<16xi32>
        %eq3A_637 = arith.cmpi eq, %iota3A, %eq3A_636 : vector<16xi32>
        %jit3A_638 = arith.constant 0 : i32
        %broadcast_in_dim3A_639 = vector.broadcast %jit3A_638 : i32 to vector<16xi32>
        %select_n3A_640 = arith.select %eq3A_637, %shift_right_logical3A_420, %broadcast_in_dim3A_639 : vector<16xi1>, vector<16xi32>
        %reduce_sum3A_641 = arith.constant true
        %reduce_sum3A_642 = vector.broadcast %reduce_sum3A_641 : i1 to vector<16xi1>
        %reduce_sum3A_643 = tpu.scan <sum>, %select_n3A_640 masked %reduce_sum3A_642 : vector<16xi32>, vector<16xi1> -> vector<16xi32>
        %reduce_sum3A_644 = vector.extract %reduce_sum3A_643[15] : i32 from vector<16xi32>
        %add3A_645 = arith.constant 9 : i32
        %add3A_646 = arith.addi %mul3A_414, %add3A_645 : i32
        %dma_start3A_647 = arith.constant 0 : i32
        %dma_start3A_648 = arith.constant 0 : i32
        %dma_start3A_649 = tpu.memref_slice %arg6[%add3A_646, %dma_start3A_647, %dma_start3A_648] : memref<32x8x16xf32, #tpu.memory_space<vmem>> -> memref<1x8x16xf32, #tpu.memory_space<vmem>>
        %dma_start3A_650 = arith.constant 0 : i32
        %dma_start3A_651 = arith.constant 0 : i32
        %dma_start3A_652 = tpu.memref_slice %arg3[%reduce_sum3A_644, %dma_start3A_650, %dma_start3A_651] : memref<125000x8x16xf32, #tpu.memory_space<hbm>> -> memref<1x8x16xf32, #tpu.memory_space<hbm>>
        %dma_start3A_653 = arith.constant 0 : i32
        %dma_start3A_654 = arith.constant 0 : i32
        %dma_start3A_655 = tpu.memref_slice %arg6[%add3A_646, %dma_start3A_653, %dma_start3A_654] : memref<32x8x16xf32, #tpu.memory_space<vmem>> -> memref<1x8x16xf32, #tpu.memory_space<vmem>>
        %dma_start3A_656 = arith.constant 0 : i32
        %dma_start3A_657 = arith.constant 0 : i32
        %dma_start3A_658 = tpu.memref_slice %arg3[%reduce_sum3A_644, %dma_start3A_656, %dma_start3A_657] : memref<125000x8x16xf32, #tpu.memory_space<hbm>> -> memref<1x8x16xf32, #tpu.memory_space<hbm>>
        tpu.enqueue_dma source(%dma_start3A_658 : memref<1x8x16xf32, #tpu.memory_space<hbm>>) target(%dma_start3A_655 : memref<1x8x16xf32, #tpu.memory_space<vmem>>) target_semaphore(%arg9 : memref<!tpu.dma_semaphore, #tpu.memory_space<semaphore_mem>>)
        %eq3A_659 = arith.constant 10 : i32
        %eq3A_660 = vector.broadcast %eq3A_659 : i32 to vector<16xi32>
        %eq3A_661 = arith.cmpi eq, %iota3A, %eq3A_660 : vector<16xi32>
        %jit3A_662 = arith.constant 0 : i32
        %broadcast_in_dim3A_663 = vector.broadcast %jit3A_662 : i32 to vector<16xi32>
        %select_n3A_664 = arith.select %eq3A_661, %shift_right_logical3A_420, %broadcast_in_dim3A_663 : vector<16xi1>, vector<16xi32>
        %reduce_sum3A_665 = arith.constant true
        %reduce_sum3A_666 = vector.broadcast %reduce_sum3A_665 : i1 to vector<16xi1>
        %reduce_sum3A_667 = tpu.scan <sum>, %select_n3A_664 masked %reduce_sum3A_666 : vector<16xi32>, vector<16xi1> -> vector<16xi32>
        %reduce_sum3A_668 = vector.extract %reduce_sum3A_667[15] : i32 from vector<16xi32>
        %add3A_669 = arith.constant 10 : i32
        %add3A_670 = arith.addi %mul3A_414, %add3A_669 : i32
        %dma_start3A_671 = arith.constant 0 : i32
        %dma_start3A_672 = arith.constant 0 : i32
        %dma_start3A_673 = tpu.memref_slice %arg6[%add3A_670, %dma_start3A_671, %dma_start3A_672] : memref<32x8x16xf32, #tpu.memory_space<vmem>> -> memref<1x8x16xf32, #tpu.memory_space<vmem>>
        %dma_start3A_674 = arith.constant 0 : i32
        %dma_start3A_675 = arith.constant 0 : i32
        %dma_start3A_676 = tpu.memref_slice %arg3[%reduce_sum3A_668, %dma_start3A_674, %dma_start3A_675] : memref<125000x8x16xf32, #tpu.memory_space<hbm>> -> memref<1x8x16xf32, #tpu.memory_space<hbm>>
        %dma_start3A_677 = arith.constant 0 : i32
        %dma_start3A_678 = arith.constant 0 : i32
        %dma_start3A_679 = tpu.memref_slice %arg6[%add3A_670, %dma_start3A_677, %dma_start3A_678] : memref<32x8x16xf32, #tpu.memory_space<vmem>> -> memref<1x8x16xf32, #tpu.memory_space<vmem>>
        %dma_start3A_680 = arith.constant 0 : i32
        %dma_start3A_681 = arith.constant 0 : i32
        %dma_start3A_682 = tpu.memref_slice %arg3[%reduce_sum3A_668, %dma_start3A_680, %dma_start3A_681] : memref<125000x8x16xf32, #tpu.memory_space<hbm>> -> memref<1x8x16xf32, #tpu.memory_space<hbm>>
        tpu.enqueue_dma source(%dma_start3A_682 : memref<1x8x16xf32, #tpu.memory_space<hbm>>) target(%dma_start3A_679 : memref<1x8x16xf32, #tpu.memory_space<vmem>>) target_semaphore(%arg9 : memref<!tpu.dma_semaphore, #tpu.memory_space<semaphore_mem>>)
        %eq3A_683 = arith.constant 11 : i32
        %eq3A_684 = vector.broadcast %eq3A_683 : i32 to vector<16xi32>
        %eq3A_685 = arith.cmpi eq, %iota3A, %eq3A_684 : vector<16xi32>
        %jit3A_686 = arith.constant 0 : i32
        %broadcast_in_dim3A_687 = vector.broadcast %jit3A_686 : i32 to vector<16xi32>
        %select_n3A_688 = arith.select %eq3A_685, %shift_right_logical3A_420, %broadcast_in_dim3A_687 : vector<16xi1>, vector<16xi32>
        %reduce_sum3A_689 = arith.constant true
        %reduce_sum3A_690 = vector.broadcast %reduce_sum3A_689 : i1 to vector<16xi1>
        %reduce_sum3A_691 = tpu.scan <sum>, %select_n3A_688 masked %reduce_sum3A_690 : vector<16xi32>, vector<16xi1> -> vector<16xi32>
        %reduce_sum3A_692 = vector.extract %reduce_sum3A_691[15] : i32 from vector<16xi32>
        %add3A_693 = arith.constant 11 : i32
        %add3A_694 = arith.addi %mul3A_414, %add3A_693 : i32
        %dma_start3A_695 = arith.constant 0 : i32
        %dma_start3A_696 = arith.constant 0 : i32
        %dma_start3A_697 = tpu.memref_slice %arg6[%add3A_694, %dma_start3A_695, %dma_start3A_696] : memref<32x8x16xf32, #tpu.memory_space<vmem>> -> memref<1x8x16xf32, #tpu.memory_space<vmem>>
        %dma_start3A_698 = arith.constant 0 : i32
        %dma_start3A_699 = arith.constant 0 : i32
        %dma_start3A_700 = tpu.memref_slice %arg3[%reduce_sum3A_692, %dma_start3A_698, %dma_start3A_699] : memref<125000x8x16xf32, #tpu.memory_space<hbm>> -> memref<1x8x16xf32, #tpu.memory_space<hbm>>
        %dma_start3A_701 = arith.constant 0 : i32
        %dma_start3A_702 = arith.constant 0 : i32
        %dma_start3A_703 = tpu.memref_slice %arg6[%add3A_694, %dma_start3A_701, %dma_start3A_702] : memref<32x8x16xf32, #tpu.memory_space<vmem>> -> memref<1x8x16xf32, #tpu.memory_space<vmem>>
        %dma_start3A_704 = arith.constant 0 : i32
        %dma_start3A_705 = arith.constant 0 : i32
        %dma_start3A_706 = tpu.memref_slice %arg3[%reduce_sum3A_692, %dma_start3A_704, %dma_start3A_705] : memref<125000x8x16xf32, #tpu.memory_space<hbm>> -> memref<1x8x16xf32, #tpu.memory_space<hbm>>
        tpu.enqueue_dma source(%dma_start3A_706 : memref<1x8x16xf32, #tpu.memory_space<hbm>>) target(%dma_start3A_703 : memref<1x8x16xf32, #tpu.memory_space<vmem>>) target_semaphore(%arg9 : memref<!tpu.dma_semaphore, #tpu.memory_space<semaphore_mem>>)
        %eq3A_707 = arith.constant 12 : i32
        %eq3A_708 = vector.broadcast %eq3A_707 : i32 to vector<16xi32>
        %eq3A_709 = arith.cmpi eq, %iota3A, %eq3A_708 : vector<16xi32>
        %jit3A_710 = arith.constant 0 : i32
        %broadcast_in_dim3A_711 = vector.broadcast %jit3A_710 : i32 to vector<16xi32>
        %select_n3A_712 = arith.select %eq3A_709, %shift_right_logical3A_420, %broadcast_in_dim3A_711 : vector<16xi1>, vector<16xi32>
        %reduce_sum3A_713 = arith.constant true
        %reduce_sum3A_714 = vector.broadcast %reduce_sum3A_713 : i1 to vector<16xi1>
        %reduce_sum3A_715 = tpu.scan <sum>, %select_n3A_712 masked %reduce_sum3A_714 : vector<16xi32>, vector<16xi1> -> vector<16xi32>
        %reduce_sum3A_716 = vector.extract %reduce_sum3A_715[15] : i32 from vector<16xi32>
        %add3A_717 = arith.constant 12 : i32
        %add3A_718 = arith.addi %mul3A_414, %add3A_717 : i32
        %dma_start3A_719 = arith.constant 0 : i32
        %dma_start3A_720 = arith.constant 0 : i32
        %dma_start3A_721 = tpu.memref_slice %arg6[%add3A_718, %dma_start3A_719, %dma_start3A_720] : memref<32x8x16xf32, #tpu.memory_space<vmem>> -> memref<1x8x16xf32, #tpu.memory_space<vmem>>
        %dma_start3A_722 = arith.constant 0 : i32
        %dma_start3A_723 = arith.constant 0 : i32
        %dma_start3A_724 = tpu.memref_slice %arg3[%reduce_sum3A_716, %dma_start3A_722, %dma_start3A_723] : memref<125000x8x16xf32, #tpu.memory_space<hbm>> -> memref<1x8x16xf32, #tpu.memory_space<hbm>>
        %dma_start3A_725 = arith.constant 0 : i32
        %dma_start3A_726 = arith.constant 0 : i32
        %dma_start3A_727 = tpu.memref_slice %arg6[%add3A_718, %dma_start3A_725, %dma_start3A_726] : memref<32x8x16xf32, #tpu.memory_space<vmem>> -> memref<1x8x16xf32, #tpu.memory_space<vmem>>
        %dma_start3A_728 = arith.constant 0 : i32
        %dma_start3A_729 = arith.constant 0 : i32
        %dma_start3A_730 = tpu.memref_slice %arg3[%reduce_sum3A_716, %dma_start3A_728, %dma_start3A_729] : memref<125000x8x16xf32, #tpu.memory_space<hbm>> -> memref<1x8x16xf32, #tpu.memory_space<hbm>>
        tpu.enqueue_dma source(%dma_start3A_730 : memref<1x8x16xf32, #tpu.memory_space<hbm>>) target(%dma_start3A_727 : memref<1x8x16xf32, #tpu.memory_space<vmem>>) target_semaphore(%arg9 : memref<!tpu.dma_semaphore, #tpu.memory_space<semaphore_mem>>)
        %eq3A_731 = arith.constant 13 : i32
        %eq3A_732 = vector.broadcast %eq3A_731 : i32 to vector<16xi32>
        %eq3A_733 = arith.cmpi eq, %iota3A, %eq3A_732 : vector<16xi32>
        %jit3A_734 = arith.constant 0 : i32
        %broadcast_in_dim3A_735 = vector.broadcast %jit3A_734 : i32 to vector<16xi32>
        %select_n3A_736 = arith.select %eq3A_733, %shift_right_logical3A_420, %broadcast_in_dim3A_735 : vector<16xi1>, vector<16xi32>
        %reduce_sum3A_737 = arith.constant true
        %reduce_sum3A_738 = vector.broadcast %reduce_sum3A_737 : i1 to vector<16xi1>
        %reduce_sum3A_739 = tpu.scan <sum>, %select_n3A_736 masked %reduce_sum3A_738 : vector<16xi32>, vector<16xi1> -> vector<16xi32>
        %reduce_sum3A_740 = vector.extract %reduce_sum3A_739[15] : i32 from vector<16xi32>
        %add3A_741 = arith.constant 13 : i32
        %add3A_742 = arith.addi %mul3A_414, %add3A_741 : i32
        %dma_start3A_743 = arith.constant 0 : i32
        %dma_start3A_744 = arith.constant 0 : i32
        %dma_start3A_745 = tpu.memref_slice %arg6[%add3A_742, %dma_start3A_743, %dma_start3A_744] : memref<32x8x16xf32, #tpu.memory_space<vmem>> -> memref<1x8x16xf32, #tpu.memory_space<vmem>>
        %dma_start3A_746 = arith.constant 0 : i32
        %dma_start3A_747 = arith.constant 0 : i32
        %dma_start3A_748 = tpu.memref_slice %arg3[%reduce_sum3A_740, %dma_start3A_746, %dma_start3A_747] : memref<125000x8x16xf32, #tpu.memory_space<hbm>> -> memref<1x8x16xf32, #tpu.memory_space<hbm>>
        %dma_start3A_749 = arith.constant 0 : i32
        %dma_start3A_750 = arith.constant 0 : i32
        %dma_start3A_751 = tpu.memref_slice %arg6[%add3A_742, %dma_start3A_749, %dma_start3A_750] : memref<32x8x16xf32, #tpu.memory_space<vmem>> -> memref<1x8x16xf32, #tpu.memory_space<vmem>>
        %dma_start3A_752 = arith.constant 0 : i32
        %dma_start3A_753 = arith.constant 0 : i32
        %dma_start3A_754 = tpu.memref_slice %arg3[%reduce_sum3A_740, %dma_start3A_752, %dma_start3A_753] : memref<125000x8x16xf32, #tpu.memory_space<hbm>> -> memref<1x8x16xf32, #tpu.memory_space<hbm>>
        tpu.enqueue_dma source(%dma_start3A_754 : memref<1x8x16xf32, #tpu.memory_space<hbm>>) target(%dma_start3A_751 : memref<1x8x16xf32, #tpu.memory_space<vmem>>) target_semaphore(%arg9 : memref<!tpu.dma_semaphore, #tpu.memory_space<semaphore_mem>>)
        %eq3A_755 = arith.constant 14 : i32
        %eq3A_756 = vector.broadcast %eq3A_755 : i32 to vector<16xi32>
        %eq3A_757 = arith.cmpi eq, %iota3A, %eq3A_756 : vector<16xi32>
        %jit3A_758 = arith.constant 0 : i32
        %broadcast_in_dim3A_759 = vector.broadcast %jit3A_758 : i32 to vector<16xi32>
        %select_n3A_760 = arith.select %eq3A_757, %shift_right_logical3A_420, %broadcast_in_dim3A_759 : vector<16xi1>, vector<16xi32>
        %reduce_sum3A_761 = arith.constant true
        %reduce_sum3A_762 = vector.broadcast %reduce_sum3A_761 : i1 to vector<16xi1>
        %reduce_sum3A_763 = tpu.scan <sum>, %select_n3A_760 masked %reduce_sum3A_762 : vector<16xi32>, vector<16xi1> -> vector<16xi32>
        %reduce_sum3A_764 = vector.extract %reduce_sum3A_763[15] : i32 from vector<16xi32>
        %add3A_765 = arith.constant 14 : i32
        %add3A_766 = arith.addi %mul3A_414, %add3A_765 : i32
        %dma_start3A_767 = arith.constant 0 : i32
        %dma_start3A_768 = arith.constant 0 : i32
        %dma_start3A_769 = tpu.memref_slice %arg6[%add3A_766, %dma_start3A_767, %dma_start3A_768] : memref<32x8x16xf32, #tpu.memory_space<vmem>> -> memref<1x8x16xf32, #tpu.memory_space<vmem>>
        %dma_start3A_770 = arith.constant 0 : i32
        %dma_start3A_771 = arith.constant 0 : i32
        %dma_start3A_772 = tpu.memref_slice %arg3[%reduce_sum3A_764, %dma_start3A_770, %dma_start3A_771] : memref<125000x8x16xf32, #tpu.memory_space<hbm>> -> memref<1x8x16xf32, #tpu.memory_space<hbm>>
        %dma_start3A_773 = arith.constant 0 : i32
        %dma_start3A_774 = arith.constant 0 : i32
        %dma_start3A_775 = tpu.memref_slice %arg6[%add3A_766, %dma_start3A_773, %dma_start3A_774] : memref<32x8x16xf32, #tpu.memory_space<vmem>> -> memref<1x8x16xf32, #tpu.memory_space<vmem>>
        %dma_start3A_776 = arith.constant 0 : i32
        %dma_start3A_777 = arith.constant 0 : i32
        %dma_start3A_778 = tpu.memref_slice %arg3[%reduce_sum3A_764, %dma_start3A_776, %dma_start3A_777] : memref<125000x8x16xf32, #tpu.memory_space<hbm>> -> memref<1x8x16xf32, #tpu.memory_space<hbm>>
        tpu.enqueue_dma source(%dma_start3A_778 : memref<1x8x16xf32, #tpu.memory_space<hbm>>) target(%dma_start3A_775 : memref<1x8x16xf32, #tpu.memory_space<vmem>>) target_semaphore(%arg9 : memref<!tpu.dma_semaphore, #tpu.memory_space<semaphore_mem>>)
        %eq3A_779 = arith.constant 15 : i32
        %eq3A_780 = vector.broadcast %eq3A_779 : i32 to vector<16xi32>
        %eq3A_781 = arith.cmpi eq, %iota3A, %eq3A_780 : vector<16xi32>
        %jit3A_782 = arith.constant 0 : i32
        %broadcast_in_dim3A_783 = vector.broadcast %jit3A_782 : i32 to vector<16xi32>
        %select_n3A_784 = arith.select %eq3A_781, %shift_right_logical3A_420, %broadcast_in_dim3A_783 : vector<16xi1>, vector<16xi32>
        %reduce_sum3A_785 = arith.constant true
        %reduce_sum3A_786 = vector.broadcast %reduce_sum3A_785 : i1 to vector<16xi1>
        %reduce_sum3A_787 = tpu.scan <sum>, %select_n3A_784 masked %reduce_sum3A_786 : vector<16xi32>, vector<16xi1> -> vector<16xi32>
        %reduce_sum3A_788 = vector.extract %reduce_sum3A_787[15] : i32 from vector<16xi32>
        %add3A_789 = arith.constant 15 : i32
        %add3A_790 = arith.addi %mul3A_414, %add3A_789 : i32
        %dma_start3A_791 = arith.constant 0 : i32
        %dma_start3A_792 = arith.constant 0 : i32
        %dma_start3A_793 = tpu.memref_slice %arg6[%add3A_790, %dma_start3A_791, %dma_start3A_792] : memref<32x8x16xf32, #tpu.memory_space<vmem>> -> memref<1x8x16xf32, #tpu.memory_space<vmem>>
        %dma_start3A_794 = arith.constant 0 : i32
        %dma_start3A_795 = arith.constant 0 : i32
        %dma_start3A_796 = tpu.memref_slice %arg3[%reduce_sum3A_788, %dma_start3A_794, %dma_start3A_795] : memref<125000x8x16xf32, #tpu.memory_space<hbm>> -> memref<1x8x16xf32, #tpu.memory_space<hbm>>
        %dma_start3A_797 = arith.constant 0 : i32
        %dma_start3A_798 = arith.constant 0 : i32
        %dma_start3A_799 = tpu.memref_slice %arg6[%add3A_790, %dma_start3A_797, %dma_start3A_798] : memref<32x8x16xf32, #tpu.memory_space<vmem>> -> memref<1x8x16xf32, #tpu.memory_space<vmem>>
        %dma_start3A_800 = arith.constant 0 : i32
        %dma_start3A_801 = arith.constant 0 : i32
        %dma_start3A_802 = tpu.memref_slice %arg3[%reduce_sum3A_788, %dma_start3A_800, %dma_start3A_801] : memref<125000x8x16xf32, #tpu.memory_space<hbm>> -> memref<1x8x16xf32, #tpu.memory_space<hbm>>
        tpu.enqueue_dma source(%dma_start3A_802 : memref<1x8x16xf32, #tpu.memory_space<hbm>>) target(%dma_start3A_799 : memref<1x8x16xf32, #tpu.memory_space<vmem>>) target_semaphore(%arg9 : memref<!tpu.dma_semaphore, #tpu.memory_space<semaphore_mem>>)
      } else {
      }
      %jit3A_353 = arith.constant 2 : i32
      %eq3A_354 = arith.constant 0 : i32
      %eq3A_355 = arith.cmpi eq, %jit3A_353, %eq3A_354 : i32
      %jit3A_356 = arith.constant 1 : i32
      %select_n3A_357 = arith.select %eq3A_355, %jit3A_356, %jit3A_353 : i32
      %rem3A_358 = arith.remsi %scan3A_318, %select_n3A_357 : i32
      %ne3A_359 = arith.constant 0 : i32
      %ne3A_360 = arith.cmpi ne, %rem3A_358, %ne3A_359 : i32
      %lt3A_361 = arith.constant 0 : i32
      %lt3A_362 = arith.cmpi slt, %rem3A_358, %lt3A_361 : i32
      %lt3A_363 = arith.constant 0 : i32
      %lt3A_364 = arith.cmpi slt, %select_n3A_357, %lt3A_363 : i32
      %ne3A_365 = arith.xori %lt3A_362, %lt3A_364 : i1
      %and3A_366 = arith.andi %ne3A_365, %ne3A_360 : i1
      %add3A_367 = arith.addi %rem3A_358, %select_n3A_357 : i32
      %select_n3A_368 = arith.select %and3A_366, %add3A_367, %rem3A_358 : i32
      %eq3A_369 = arith.constant 1 : i32
      %eq3A_370 = arith.cmpi eq, %select_n3A_368, %eq3A_369 : i32
      %convert_element_type3A_371 = arith.extui %eq3A_370 : i1 to i32
      %cond3A_372 = arith.constant 0 : i32
      %cond3A_373 = arith.cmpi ne, %convert_element_type3A_371, %cond3A_372 : i32
      scf.if %cond3A_373 {
        %dma_wait3A_397 = arith.constant 0 : i32
        %dma_wait3A_398 = arith.constant 0 : i32
        %dma_wait3A_399 = arith.constant 0 : i32
        %dma_wait3A_400 = tpu.memref_slice %arg6[%dma_wait3A_397, %dma_wait3A_398, %dma_wait3A_399] : memref<32x8x16xf32, #tpu.memory_space<vmem>> -> memref<1x8x16xf32, #tpu.memory_space<vmem>>
        %dma_wait3A_401 = arith.constant 0 : i32
        %dma_wait3A_402 = arith.constant 0 : i32
        %dma_wait3A_403 = arith.constant 0 : i32
        %dma_wait3A_404 = tpu.memref_slice %arg3[%dma_wait3A_401, %dma_wait3A_402, %dma_wait3A_403] : memref<125000x8x16xf32, #tpu.memory_space<hbm>> -> memref<1x8x16xf32, #tpu.memory_space<hbm>>
        %dma_wait3A_405 = arith.constant 0 : i32
        %dma_wait3A_406 = arith.constant 0 : i32
        %dma_wait3A_407 = arith.constant 0 : i32
        %dma_wait3A_408 = tpu.memref_slice %arg6[%dma_wait3A_405, %dma_wait3A_406, %dma_wait3A_407] : memref<32x8x16xf32, #tpu.memory_space<vmem>> -> memref<1x8x16xf32, #tpu.memory_space<vmem>>
        %dma_wait3A_409 = arith.constant 0 : i32
        %dma_wait3A_410 = arith.constant 0 : i32
        %dma_wait3A_411 = arith.constant 0 : i32
        %dma_wait3A_412 = tpu.memref_slice %arg3[%dma_wait3A_409, %dma_wait3A_410, %dma_wait3A_411] : memref<125000x8x16xf32, #tpu.memory_space<hbm>> -> memref<1x8x16xf32, #tpu.memory_space<hbm>>
        tpu.wait_dma2 semaphore(%arg8 : memref<!tpu.dma_semaphore, #tpu.memory_space<semaphore_mem>>) src(%dma_wait3A_412 : memref<1x8x16xf32, #tpu.memory_space<hbm>>) dst(%dma_wait3A_408 : memref<1x8x16xf32, #tpu.memory_space<vmem>>)
        %dma_wait3A_413 = arith.constant 0 : i32
        %dma_wait3A_414 = arith.constant 0 : i32
        %dma_wait3A_415 = arith.constant 0 : i32
        %dma_wait3A_416 = tpu.memref_slice %arg6[%dma_wait3A_413, %dma_wait3A_414, %dma_wait3A_415] : memref<32x8x16xf32, #tpu.memory_space<vmem>> -> memref<1x8x16xf32, #tpu.memory_space<vmem>>
        %dma_wait3A_417 = arith.constant 0 : i32
        %dma_wait3A_418 = arith.constant 0 : i32
        %dma_wait3A_419 = arith.constant 0 : i32
        %dma_wait3A_420 = tpu.memref_slice %arg3[%dma_wait3A_417, %dma_wait3A_418, %dma_wait3A_419] : memref<125000x8x16xf32, #tpu.memory_space<hbm>> -> memref<1x8x16xf32, #tpu.memory_space<hbm>>
        %dma_wait3A_421 = arith.constant 0 : i32
        %dma_wait3A_422 = arith.constant 0 : i32
        %dma_wait3A_423 = arith.constant 0 : i32
        %dma_wait3A_424 = tpu.memref_slice %arg6[%dma_wait3A_421, %dma_wait3A_422, %dma_wait3A_423] : memref<32x8x16xf32, #tpu.memory_space<vmem>> -> memref<1x8x16xf32, #tpu.memory_space<vmem>>
        %dma_wait3A_425 = arith.constant 0 : i32
        %dma_wait3A_426 = arith.constant 0 : i32
        %dma_wait3A_427 = arith.constant 0 : i32
        %dma_wait3A_428 = tpu.memref_slice %arg3[%dma_wait3A_425, %dma_wait3A_426, %dma_wait3A_427] : memref<125000x8x16xf32, #tpu.memory_space<hbm>> -> memref<1x8x16xf32, #tpu.memory_space<hbm>>
        tpu.wait_dma2 semaphore(%arg8 : memref<!tpu.dma_semaphore, #tpu.memory_space<semaphore_mem>>) src(%dma_wait3A_428 : memref<1x8x16xf32, #tpu.memory_space<hbm>>) dst(%dma_wait3A_424 : memref<1x8x16xf32, #tpu.memory_space<vmem>>)
        %dma_wait3A_429 = arith.constant 0 : i32
        %dma_wait3A_430 = arith.constant 0 : i32
        %dma_wait3A_431 = arith.constant 0 : i32
        %dma_wait3A_432 = tpu.memref_slice %arg6[%dma_wait3A_429, %dma_wait3A_430, %dma_wait3A_431] : memref<32x8x16xf32, #tpu.memory_space<vmem>> -> memref<1x8x16xf32, #tpu.memory_space<vmem>>
        %dma_wait3A_433 = arith.constant 0 : i32
        %dma_wait3A_434 = arith.constant 0 : i32
        %dma_wait3A_435 = arith.constant 0 : i32
        %dma_wait3A_436 = tpu.memref_slice %arg3[%dma_wait3A_433, %dma_wait3A_434, %dma_wait3A_435] : memref<125000x8x16xf32, #tpu.memory_space<hbm>> -> memref<1x8x16xf32, #tpu.memory_space<hbm>>
        %dma_wait3A_437 = arith.constant 0 : i32
        %dma_wait3A_438 = arith.constant 0 : i32
        %dma_wait3A_439 = arith.constant 0 : i32
        %dma_wait3A_440 = tpu.memref_slice %arg6[%dma_wait3A_437, %dma_wait3A_438, %dma_wait3A_439] : memref<32x8x16xf32, #tpu.memory_space<vmem>> -> memref<1x8x16xf32, #tpu.memory_space<vmem>>
        %dma_wait3A_441 = arith.constant 0 : i32
        %dma_wait3A_442 = arith.constant 0 : i32
        %dma_wait3A_443 = arith.constant 0 : i32
        %dma_wait3A_444 = tpu.memref_slice %arg3[%dma_wait3A_441, %dma_wait3A_442, %dma_wait3A_443] : memref<125000x8x16xf32, #tpu.memory_space<hbm>> -> memref<1x8x16xf32, #tpu.memory_space<hbm>>
        tpu.wait_dma2 semaphore(%arg8 : memref<!tpu.dma_semaphore, #tpu.memory_space<semaphore_mem>>) src(%dma_wait3A_444 : memref<1x8x16xf32, #tpu.memory_space<hbm>>) dst(%dma_wait3A_440 : memref<1x8x16xf32, #tpu.memory_space<vmem>>)
        %dma_wait3A_445 = arith.constant 0 : i32
        %dma_wait3A_446 = arith.constant 0 : i32
        %dma_wait3A_447 = arith.constant 0 : i32
        %dma_wait3A_448 = tpu.memref_slice %arg6[%dma_wait3A_445, %dma_wait3A_446, %dma_wait3A_447] : memref<32x8x16xf32, #tpu.memory_space<vmem>> -> memref<1x8x16xf32, #tpu.memory_space<vmem>>
        %dma_wait3A_449 = arith.constant 0 : i32
        %dma_wait3A_450 = arith.constant 0 : i32
        %dma_wait3A_451 = arith.constant 0 : i32
        %dma_wait3A_452 = tpu.memref_slice %arg3[%dma_wait3A_449, %dma_wait3A_450, %dma_wait3A_451] : memref<125000x8x16xf32, #tpu.memory_space<hbm>> -> memref<1x8x16xf32, #tpu.memory_space<hbm>>
        %dma_wait3A_453 = arith.constant 0 : i32
        %dma_wait3A_454 = arith.constant 0 : i32
        %dma_wait3A_455 = arith.constant 0 : i32
        %dma_wait3A_456 = tpu.memref_slice %arg6[%dma_wait3A_453, %dma_wait3A_454, %dma_wait3A_455] : memref<32x8x16xf32, #tpu.memory_space<vmem>> -> memref<1x8x16xf32, #tpu.memory_space<vmem>>
        %dma_wait3A_457 = arith.constant 0 : i32
        %dma_wait3A_458 = arith.constant 0 : i32
        %dma_wait3A_459 = arith.constant 0 : i32
        %dma_wait3A_460 = tpu.memref_slice %arg3[%dma_wait3A_457, %dma_wait3A_458, %dma_wait3A_459] : memref<125000x8x16xf32, #tpu.memory_space<hbm>> -> memref<1x8x16xf32, #tpu.memory_space<hbm>>
        tpu.wait_dma2 semaphore(%arg8 : memref<!tpu.dma_semaphore, #tpu.memory_space<semaphore_mem>>) src(%dma_wait3A_460 : memref<1x8x16xf32, #tpu.memory_space<hbm>>) dst(%dma_wait3A_456 : memref<1x8x16xf32, #tpu.memory_space<vmem>>)
        %dma_wait3A_461 = arith.constant 0 : i32
        %dma_wait3A_462 = arith.constant 0 : i32
        %dma_wait3A_463 = arith.constant 0 : i32
        %dma_wait3A_464 = tpu.memref_slice %arg6[%dma_wait3A_461, %dma_wait3A_462, %dma_wait3A_463] : memref<32x8x16xf32, #tpu.memory_space<vmem>> -> memref<1x8x16xf32, #tpu.memory_space<vmem>>
        %dma_wait3A_465 = arith.constant 0 : i32
        %dma_wait3A_466 = arith.constant 0 : i32
        %dma_wait3A_467 = arith.constant 0 : i32
        %dma_wait3A_468 = tpu.memref_slice %arg3[%dma_wait3A_465, %dma_wait3A_466, %dma_wait3A_467] : memref<125000x8x16xf32, #tpu.memory_space<hbm>> -> memref<1x8x16xf32, #tpu.memory_space<hbm>>
        %dma_wait3A_469 = arith.constant 0 : i32
        %dma_wait3A_470 = arith.constant 0 : i32
        %dma_wait3A_471 = arith.constant 0 : i32
        %dma_wait3A_472 = tpu.memref_slice %arg6[%dma_wait3A_469, %dma_wait3A_470, %dma_wait3A_471] : memref<32x8x16xf32, #tpu.memory_space<vmem>> -> memref<1x8x16xf32, #tpu.memory_space<vmem>>
        %dma_wait3A_473 = arith.constant 0 : i32
        %dma_wait3A_474 = arith.constant 0 : i32
        %dma_wait3A_475 = arith.constant 0 : i32
        %dma_wait3A_476 = tpu.memref_slice %arg3[%dma_wait3A_473, %dma_wait3A_474, %dma_wait3A_475] : memref<125000x8x16xf32, #tpu.memory_space<hbm>> -> memref<1x8x16xf32, #tpu.memory_space<hbm>>
        tpu.wait_dma2 semaphore(%arg8 : memref<!tpu.dma_semaphore, #tpu.memory_space<semaphore_mem>>) src(%dma_wait3A_476 : memref<1x8x16xf32, #tpu.memory_space<hbm>>) dst(%dma_wait3A_472 : memref<1x8x16xf32, #tpu.memory_space<vmem>>)
        %dma_wait3A_477 = arith.constant 0 : i32
        %dma_wait3A_478 = arith.constant 0 : i32
        %dma_wait3A_479 = arith.constant 0 : i32
        %dma_wait3A_480 = tpu.memref_slice %arg6[%dma_wait3A_477, %dma_wait3A_478, %dma_wait3A_479] : memref<32x8x16xf32, #tpu.memory_space<vmem>> -> memref<1x8x16xf32, #tpu.memory_space<vmem>>
        %dma_wait3A_481 = arith.constant 0 : i32
        %dma_wait3A_482 = arith.constant 0 : i32
        %dma_wait3A_483 = arith.constant 0 : i32
        %dma_wait3A_484 = tpu.memref_slice %arg3[%dma_wait3A_481, %dma_wait3A_482, %dma_wait3A_483] : memref<125000x8x16xf32, #tpu.memory_space<hbm>> -> memref<1x8x16xf32, #tpu.memory_space<hbm>>
        %dma_wait3A_485 = arith.constant 0 : i32
        %dma_wait3A_486 = arith.constant 0 : i32
        %dma_wait3A_487 = arith.constant 0 : i32
        %dma_wait3A_488 = tpu.memref_slice %arg6[%dma_wait3A_485, %dma_wait3A_486, %dma_wait3A_487] : memref<32x8x16xf32, #tpu.memory_space<vmem>> -> memref<1x8x16xf32, #tpu.memory_space<vmem>>
        %dma_wait3A_489 = arith.constant 0 : i32
        %dma_wait3A_490 = arith.constant 0 : i32
        %dma_wait3A_491 = arith.constant 0 : i32
        %dma_wait3A_492 = tpu.memref_slice %arg3[%dma_wait3A_489, %dma_wait3A_490, %dma_wait3A_491] : memref<125000x8x16xf32, #tpu.memory_space<hbm>> -> memref<1x8x16xf32, #tpu.memory_space<hbm>>
        tpu.wait_dma2 semaphore(%arg8 : memref<!tpu.dma_semaphore, #tpu.memory_space<semaphore_mem>>) src(%dma_wait3A_492 : memref<1x8x16xf32, #tpu.memory_space<hbm>>) dst(%dma_wait3A_488 : memref<1x8x16xf32, #tpu.memory_space<vmem>>)
        %dma_wait3A_493 = arith.constant 0 : i32
        %dma_wait3A_494 = arith.constant 0 : i32
        %dma_wait3A_495 = arith.constant 0 : i32
        %dma_wait3A_496 = tpu.memref_slice %arg6[%dma_wait3A_493, %dma_wait3A_494, %dma_wait3A_495] : memref<32x8x16xf32, #tpu.memory_space<vmem>> -> memref<1x8x16xf32, #tpu.memory_space<vmem>>
        %dma_wait3A_497 = arith.constant 0 : i32
        %dma_wait3A_498 = arith.constant 0 : i32
        %dma_wait3A_499 = arith.constant 0 : i32
        %dma_wait3A_500 = tpu.memref_slice %arg3[%dma_wait3A_497, %dma_wait3A_498, %dma_wait3A_499] : memref<125000x8x16xf32, #tpu.memory_space<hbm>> -> memref<1x8x16xf32, #tpu.memory_space<hbm>>
        %dma_wait3A_501 = arith.constant 0 : i32
        %dma_wait3A_502 = arith.constant 0 : i32
        %dma_wait3A_503 = arith.constant 0 : i32
        %dma_wait3A_504 = tpu.memref_slice %arg6[%dma_wait3A_501, %dma_wait3A_502, %dma_wait3A_503] : memref<32x8x16xf32, #tpu.memory_space<vmem>> -> memref<1x8x16xf32, #tpu.memory_space<vmem>>
        %dma_wait3A_505 = arith.constant 0 : i32
        %dma_wait3A_506 = arith.constant 0 : i32
        %dma_wait3A_507 = arith.constant 0 : i32
        %dma_wait3A_508 = tpu.memref_slice %arg3[%dma_wait3A_505, %dma_wait3A_506, %dma_wait3A_507] : memref<125000x8x16xf32, #tpu.memory_space<hbm>> -> memref<1x8x16xf32, #tpu.memory_space<hbm>>
        tpu.wait_dma2 semaphore(%arg8 : memref<!tpu.dma_semaphore, #tpu.memory_space<semaphore_mem>>) src(%dma_wait3A_508 : memref<1x8x16xf32, #tpu.memory_space<hbm>>) dst(%dma_wait3A_504 : memref<1x8x16xf32, #tpu.memory_space<vmem>>)
        %dma_wait3A_509 = arith.constant 0 : i32
        %dma_wait3A_510 = arith.constant 0 : i32
        %dma_wait3A_511 = arith.constant 0 : i32
        %dma_wait3A_512 = tpu.memref_slice %arg6[%dma_wait3A_509, %dma_wait3A_510, %dma_wait3A_511] : memref<32x8x16xf32, #tpu.memory_space<vmem>> -> memref<1x8x16xf32, #tpu.memory_space<vmem>>
        %dma_wait3A_513 = arith.constant 0 : i32
        %dma_wait3A_514 = arith.constant 0 : i32
        %dma_wait3A_515 = arith.constant 0 : i32
        %dma_wait3A_516 = tpu.memref_slice %arg3[%dma_wait3A_513, %dma_wait3A_514, %dma_wait3A_515] : memref<125000x8x16xf32, #tpu.memory_space<hbm>> -> memref<1x8x16xf32, #tpu.memory_space<hbm>>
        %dma_wait3A_517 = arith.constant 0 : i32
        %dma_wait3A_518 = arith.constant 0 : i32
        %dma_wait3A_519 = arith.constant 0 : i32
        %dma_wait3A_520 = tpu.memref_slice %arg6[%dma_wait3A_517, %dma_wait3A_518, %dma_wait3A_519] : memref<32x8x16xf32, #tpu.memory_space<vmem>> -> memref<1x8x16xf32, #tpu.memory_space<vmem>>
        %dma_wait3A_521 = arith.constant 0 : i32
        %dma_wait3A_522 = arith.constant 0 : i32
        %dma_wait3A_523 = arith.constant 0 : i32
        %dma_wait3A_524 = tpu.memref_slice %arg3[%dma_wait3A_521, %dma_wait3A_522, %dma_wait3A_523] : memref<125000x8x16xf32, #tpu.memory_space<hbm>> -> memref<1x8x16xf32, #tpu.memory_space<hbm>>
        tpu.wait_dma2 semaphore(%arg8 : memref<!tpu.dma_semaphore, #tpu.memory_space<semaphore_mem>>) src(%dma_wait3A_524 : memref<1x8x16xf32, #tpu.memory_space<hbm>>) dst(%dma_wait3A_520 : memref<1x8x16xf32, #tpu.memory_space<vmem>>)
        %dma_wait3A_525 = arith.constant 0 : i32
        %dma_wait3A_526 = arith.constant 0 : i32
        %dma_wait3A_527 = arith.constant 0 : i32
        %dma_wait3A_528 = tpu.memref_slice %arg6[%dma_wait3A_525, %dma_wait3A_526, %dma_wait3A_527] : memref<32x8x16xf32, #tpu.memory_space<vmem>> -> memref<1x8x16xf32, #tpu.memory_space<vmem>>
        %dma_wait3A_529 = arith.constant 0 : i32
        %dma_wait3A_530 = arith.constant 0 : i32
        %dma_wait3A_531 = arith.constant 0 : i32
        %dma_wait3A_532 = tpu.memref_slice %arg3[%dma_wait3A_529, %dma_wait3A_530, %dma_wait3A_531] : memref<125000x8x16xf32, #tpu.memory_space<hbm>> -> memref<1x8x16xf32, #tpu.memory_space<hbm>>
        %dma_wait3A_533 = arith.constant 0 : i32
        %dma_wait3A_534 = arith.constant 0 : i32
        %dma_wait3A_535 = arith.constant 0 : i32
        %dma_wait3A_536 = tpu.memref_slice %arg6[%dma_wait3A_533, %dma_wait3A_534, %dma_wait3A_535] : memref<32x8x16xf32, #tpu.memory_space<vmem>> -> memref<1x8x16xf32, #tpu.memory_space<vmem>>
        %dma_wait3A_537 = arith.constant 0 : i32
        %dma_wait3A_538 = arith.constant 0 : i32
        %dma_wait3A_539 = arith.constant 0 : i32
        %dma_wait3A_540 = tpu.memref_slice %arg3[%dma_wait3A_537, %dma_wait3A_538, %dma_wait3A_539] : memref<125000x8x16xf32, #tpu.memory_space<hbm>> -> memref<1x8x16xf32, #tpu.memory_space<hbm>>
        tpu.wait_dma2 semaphore(%arg8 : memref<!tpu.dma_semaphore, #tpu.memory_space<semaphore_mem>>) src(%dma_wait3A_540 : memref<1x8x16xf32, #tpu.memory_space<hbm>>) dst(%dma_wait3A_536 : memref<1x8x16xf32, #tpu.memory_space<vmem>>)
        %dma_wait3A_541 = arith.constant 0 : i32
        %dma_wait3A_542 = arith.constant 0 : i32
        %dma_wait3A_543 = arith.constant 0 : i32
        %dma_wait3A_544 = tpu.memref_slice %arg6[%dma_wait3A_541, %dma_wait3A_542, %dma_wait3A_543] : memref<32x8x16xf32, #tpu.memory_space<vmem>> -> memref<1x8x16xf32, #tpu.memory_space<vmem>>
        %dma_wait3A_545 = arith.constant 0 : i32
        %dma_wait3A_546 = arith.constant 0 : i32
        %dma_wait3A_547 = arith.constant 0 : i32
        %dma_wait3A_548 = tpu.memref_slice %arg3[%dma_wait3A_545, %dma_wait3A_546, %dma_wait3A_547] : memref<125000x8x16xf32, #tpu.memory_space<hbm>> -> memref<1x8x16xf32, #tpu.memory_space<hbm>>
        %dma_wait3A_549 = arith.constant 0 : i32
        %dma_wait3A_550 = arith.constant 0 : i32
        %dma_wait3A_551 = arith.constant 0 : i32
        %dma_wait3A_552 = tpu.memref_slice %arg6[%dma_wait3A_549, %dma_wait3A_550, %dma_wait3A_551] : memref<32x8x16xf32, #tpu.memory_space<vmem>> -> memref<1x8x16xf32, #tpu.memory_space<vmem>>
        %dma_wait3A_553 = arith.constant 0 : i32
        %dma_wait3A_554 = arith.constant 0 : i32
        %dma_wait3A_555 = arith.constant 0 : i32
        %dma_wait3A_556 = tpu.memref_slice %arg3[%dma_wait3A_553, %dma_wait3A_554, %dma_wait3A_555] : memref<125000x8x16xf32, #tpu.memory_space<hbm>> -> memref<1x8x16xf32, #tpu.memory_space<hbm>>
        tpu.wait_dma2 semaphore(%arg8 : memref<!tpu.dma_semaphore, #tpu.memory_space<semaphore_mem>>) src(%dma_wait3A_556 : memref<1x8x16xf32, #tpu.memory_space<hbm>>) dst(%dma_wait3A_552 : memref<1x8x16xf32, #tpu.memory_space<vmem>>)
        %dma_wait3A_557 = arith.constant 0 : i32
        %dma_wait3A_558 = arith.constant 0 : i32
        %dma_wait3A_559 = arith.constant 0 : i32
        %dma_wait3A_560 = tpu.memref_slice %arg6[%dma_wait3A_557, %dma_wait3A_558, %dma_wait3A_559] : memref<32x8x16xf32, #tpu.memory_space<vmem>> -> memref<1x8x16xf32, #tpu.memory_space<vmem>>
        %dma_wait3A_561 = arith.constant 0 : i32
        %dma_wait3A_562 = arith.constant 0 : i32
        %dma_wait3A_563 = arith.constant 0 : i32
        %dma_wait3A_564 = tpu.memref_slice %arg3[%dma_wait3A_561, %dma_wait3A_562, %dma_wait3A_563] : memref<125000x8x16xf32, #tpu.memory_space<hbm>> -> memref<1x8x16xf32, #tpu.memory_space<hbm>>
        %dma_wait3A_565 = arith.constant 0 : i32
        %dma_wait3A_566 = arith.constant 0 : i32
        %dma_wait3A_567 = arith.constant 0 : i32
        %dma_wait3A_568 = tpu.memref_slice %arg6[%dma_wait3A_565, %dma_wait3A_566, %dma_wait3A_567] : memref<32x8x16xf32, #tpu.memory_space<vmem>> -> memref<1x8x16xf32, #tpu.memory_space<vmem>>
        %dma_wait3A_569 = arith.constant 0 : i32
        %dma_wait3A_570 = arith.constant 0 : i32
        %dma_wait3A_571 = arith.constant 0 : i32
        %dma_wait3A_572 = tpu.memref_slice %arg3[%dma_wait3A_569, %dma_wait3A_570, %dma_wait3A_571] : memref<125000x8x16xf32, #tpu.memory_space<hbm>> -> memref<1x8x16xf32, #tpu.memory_space<hbm>>
        tpu.wait_dma2 semaphore(%arg8 : memref<!tpu.dma_semaphore, #tpu.memory_space<semaphore_mem>>) src(%dma_wait3A_572 : memref<1x8x16xf32, #tpu.memory_space<hbm>>) dst(%dma_wait3A_568 : memref<1x8x16xf32, #tpu.memory_space<vmem>>)
        %dma_wait3A_573 = arith.constant 0 : i32
        %dma_wait3A_574 = arith.constant 0 : i32
        %dma_wait3A_575 = arith.constant 0 : i32
        %dma_wait3A_576 = tpu.memref_slice %arg6[%dma_wait3A_573, %dma_wait3A_574, %dma_wait3A_575] : memref<32x8x16xf32, #tpu.memory_space<vmem>> -> memref<1x8x16xf32, #tpu.memory_space<vmem>>
        %dma_wait3A_577 = arith.constant 0 : i32
        %dma_wait3A_578 = arith.constant 0 : i32
        %dma_wait3A_579 = arith.constant 0 : i32
        %dma_wait3A_580 = tpu.memref_slice %arg3[%dma_wait3A_577, %dma_wait3A_578, %dma_wait3A_579] : memref<125000x8x16xf32, #tpu.memory_space<hbm>> -> memref<1x8x16xf32, #tpu.memory_space<hbm>>
        %dma_wait3A_581 = arith.constant 0 : i32
        %dma_wait3A_582 = arith.constant 0 : i32
        %dma_wait3A_583 = arith.constant 0 : i32
        %dma_wait3A_584 = tpu.memref_slice %arg6[%dma_wait3A_581, %dma_wait3A_582, %dma_wait3A_583] : memref<32x8x16xf32, #tpu.memory_space<vmem>> -> memref<1x8x16xf32, #tpu.memory_space<vmem>>
        %dma_wait3A_585 = arith.constant 0 : i32
        %dma_wait3A_586 = arith.constant 0 : i32
        %dma_wait3A_587 = arith.constant 0 : i32
        %dma_wait3A_588 = tpu.memref_slice %arg3[%dma_wait3A_585, %dma_wait3A_586, %dma_wait3A_587] : memref<125000x8x16xf32, #tpu.memory_space<hbm>> -> memref<1x8x16xf32, #tpu.memory_space<hbm>>
        tpu.wait_dma2 semaphore(%arg8 : memref<!tpu.dma_semaphore, #tpu.memory_space<semaphore_mem>>) src(%dma_wait3A_588 : memref<1x8x16xf32, #tpu.memory_space<hbm>>) dst(%dma_wait3A_584 : memref<1x8x16xf32, #tpu.memory_space<vmem>>)
        %dma_wait3A_589 = arith.constant 0 : i32
        %dma_wait3A_590 = arith.constant 0 : i32
        %dma_wait3A_591 = arith.constant 0 : i32
        %dma_wait3A_592 = tpu.memref_slice %arg6[%dma_wait3A_589, %dma_wait3A_590, %dma_wait3A_591] : memref<32x8x16xf32, #tpu.memory_space<vmem>> -> memref<1x8x16xf32, #tpu.memory_space<vmem>>
        %dma_wait3A_593 = arith.constant 0 : i32
        %dma_wait3A_594 = arith.constant 0 : i32
        %dma_wait3A_595 = arith.constant 0 : i32
        %dma_wait3A_596 = tpu.memref_slice %arg3[%dma_wait3A_593, %dma_wait3A_594, %dma_wait3A_595] : memref<125000x8x16xf32, #tpu.memory_space<hbm>> -> memref<1x8x16xf32, #tpu.memory_space<hbm>>
        %dma_wait3A_597 = arith.constant 0 : i32
        %dma_wait3A_598 = arith.constant 0 : i32
        %dma_wait3A_599 = arith.constant 0 : i32
        %dma_wait3A_600 = tpu.memref_slice %arg6[%dma_wait3A_597, %dma_wait3A_598, %dma_wait3A_599] : memref<32x8x16xf32, #tpu.memory_space<vmem>> -> memref<1x8x16xf32, #tpu.memory_space<vmem>>
        %dma_wait3A_601 = arith.constant 0 : i32
        %dma_wait3A_602 = arith.constant 0 : i32
        %dma_wait3A_603 = arith.constant 0 : i32
        %dma_wait3A_604 = tpu.memref_slice %arg3[%dma_wait3A_601, %dma_wait3A_602, %dma_wait3A_603] : memref<125000x8x16xf32, #tpu.memory_space<hbm>> -> memref<1x8x16xf32, #tpu.memory_space<hbm>>
        tpu.wait_dma2 semaphore(%arg8 : memref<!tpu.dma_semaphore, #tpu.memory_space<semaphore_mem>>) src(%dma_wait3A_604 : memref<1x8x16xf32, #tpu.memory_space<hbm>>) dst(%dma_wait3A_600 : memref<1x8x16xf32, #tpu.memory_space<vmem>>)
        %dma_wait3A_605 = arith.constant 0 : i32
        %dma_wait3A_606 = arith.constant 0 : i32
        %dma_wait3A_607 = arith.constant 0 : i32
        %dma_wait3A_608 = tpu.memref_slice %arg6[%dma_wait3A_605, %dma_wait3A_606, %dma_wait3A_607] : memref<32x8x16xf32, #tpu.memory_space<vmem>> -> memref<1x8x16xf32, #tpu.memory_space<vmem>>
        %dma_wait3A_609 = arith.constant 0 : i32
        %dma_wait3A_610 = arith.constant 0 : i32
        %dma_wait3A_611 = arith.constant 0 : i32
        %dma_wait3A_612 = tpu.memref_slice %arg3[%dma_wait3A_609, %dma_wait3A_610, %dma_wait3A_611] : memref<125000x8x16xf32, #tpu.memory_space<hbm>> -> memref<1x8x16xf32, #tpu.memory_space<hbm>>
        %dma_wait3A_613 = arith.constant 0 : i32
        %dma_wait3A_614 = arith.constant 0 : i32
        %dma_wait3A_615 = arith.constant 0 : i32
        %dma_wait3A_616 = tpu.memref_slice %arg6[%dma_wait3A_613, %dma_wait3A_614, %dma_wait3A_615] : memref<32x8x16xf32, #tpu.memory_space<vmem>> -> memref<1x8x16xf32, #tpu.memory_space<vmem>>
        %dma_wait3A_617 = arith.constant 0 : i32
        %dma_wait3A_618 = arith.constant 0 : i32
        %dma_wait3A_619 = arith.constant 0 : i32
        %dma_wait3A_620 = tpu.memref_slice %arg3[%dma_wait3A_617, %dma_wait3A_618, %dma_wait3A_619] : memref<125000x8x16xf32, #tpu.memory_space<hbm>> -> memref<1x8x16xf32, #tpu.memory_space<hbm>>
        tpu.wait_dma2 semaphore(%arg8 : memref<!tpu.dma_semaphore, #tpu.memory_space<semaphore_mem>>) src(%dma_wait3A_620 : memref<1x8x16xf32, #tpu.memory_space<hbm>>) dst(%dma_wait3A_616 : memref<1x8x16xf32, #tpu.memory_space<vmem>>)
        %dma_wait3A_621 = arith.constant 0 : i32
        %dma_wait3A_622 = arith.constant 0 : i32
        %dma_wait3A_623 = arith.constant 0 : i32
        %dma_wait3A_624 = tpu.memref_slice %arg6[%dma_wait3A_621, %dma_wait3A_622, %dma_wait3A_623] : memref<32x8x16xf32, #tpu.memory_space<vmem>> -> memref<1x8x16xf32, #tpu.memory_space<vmem>>
        %dma_wait3A_625 = arith.constant 0 : i32
        %dma_wait3A_626 = arith.constant 0 : i32
        %dma_wait3A_627 = arith.constant 0 : i32
        %dma_wait3A_628 = tpu.memref_slice %arg3[%dma_wait3A_625, %dma_wait3A_626, %dma_wait3A_627] : memref<125000x8x16xf32, #tpu.memory_space<hbm>> -> memref<1x8x16xf32, #tpu.memory_space<hbm>>
        %dma_wait3A_629 = arith.constant 0 : i32
        %dma_wait3A_630 = arith.constant 0 : i32
        %dma_wait3A_631 = arith.constant 0 : i32
        %dma_wait3A_632 = tpu.memref_slice %arg6[%dma_wait3A_629, %dma_wait3A_630, %dma_wait3A_631] : memref<32x8x16xf32, #tpu.memory_space<vmem>> -> memref<1x8x16xf32, #tpu.memory_space<vmem>>
        %dma_wait3A_633 = arith.constant 0 : i32
        %dma_wait3A_634 = arith.constant 0 : i32
        %dma_wait3A_635 = arith.constant 0 : i32
        %dma_wait3A_636 = tpu.memref_slice %arg3[%dma_wait3A_633, %dma_wait3A_634, %dma_wait3A_635] : memref<125000x8x16xf32, #tpu.memory_space<hbm>> -> memref<1x8x16xf32, #tpu.memory_space<hbm>>
        tpu.wait_dma2 semaphore(%arg8 : memref<!tpu.dma_semaphore, #tpu.memory_space<semaphore_mem>>) src(%dma_wait3A_636 : memref<1x8x16xf32, #tpu.memory_space<hbm>>) dst(%dma_wait3A_632 : memref<1x8x16xf32, #tpu.memory_space<vmem>>)
        %dma_wait3A_637 = arith.constant 0 : i32
        %dma_wait3A_638 = arith.constant 0 : i32
        %dma_wait3A_639 = arith.constant 0 : i32
        %dma_wait3A_640 = tpu.memref_slice %arg6[%dma_wait3A_637, %dma_wait3A_638, %dma_wait3A_639] : memref<32x8x16xf32, #tpu.memory_space<vmem>> -> memref<1x8x16xf32, #tpu.memory_space<vmem>>
        %dma_wait3A_641 = arith.constant 0 : i32
        %dma_wait3A_642 = arith.constant 0 : i32
        %dma_wait3A_643 = arith.constant 0 : i32
        %dma_wait3A_644 = tpu.memref_slice %arg3[%dma_wait3A_641, %dma_wait3A_642, %dma_wait3A_643] : memref<125000x8x16xf32, #tpu.memory_space<hbm>> -> memref<1x8x16xf32, #tpu.memory_space<hbm>>
        %dma_wait3A_645 = arith.constant 0 : i32
        %dma_wait3A_646 = arith.constant 0 : i32
        %dma_wait3A_647 = arith.constant 0 : i32
        %dma_wait3A_648 = tpu.memref_slice %arg6[%dma_wait3A_645, %dma_wait3A_646, %dma_wait3A_647] : memref<32x8x16xf32, #tpu.memory_space<vmem>> -> memref<1x8x16xf32, #tpu.memory_space<vmem>>
        %dma_wait3A_649 = arith.constant 0 : i32
        %dma_wait3A_650 = arith.constant 0 : i32
        %dma_wait3A_651 = arith.constant 0 : i32
        %dma_wait3A_652 = tpu.memref_slice %arg3[%dma_wait3A_649, %dma_wait3A_650, %dma_wait3A_651] : memref<125000x8x16xf32, #tpu.memory_space<hbm>> -> memref<1x8x16xf32, #tpu.memory_space<hbm>>
        tpu.wait_dma2 semaphore(%arg8 : memref<!tpu.dma_semaphore, #tpu.memory_space<semaphore_mem>>) src(%dma_wait3A_652 : memref<1x8x16xf32, #tpu.memory_space<hbm>>) dst(%dma_wait3A_648 : memref<1x8x16xf32, #tpu.memory_space<vmem>>)
        %sub3A = arith.constant 1 : i32
        %sub3A_653 = arith.subi %scan3A_318, %sub3A : i32
        %jit3A_654 = arith.constant 2 : i32
        %eq3A_655 = arith.constant 0 : i32
        %eq3A_656 = arith.cmpi eq, %jit3A_654, %eq3A_655 : i32
        %jit3A_657 = arith.constant 1 : i32
        %select_n3A_658 = arith.select %eq3A_656, %jit3A_657, %jit3A_654 : i32
        %rem3A_659 = arith.remsi %sub3A_653, %select_n3A_658 : i32
        %ne3A_660 = arith.constant 0 : i32
        %ne3A_661 = arith.cmpi ne, %rem3A_659, %ne3A_660 : i32
        %lt3A_662 = arith.constant 0 : i32
        %lt3A_663 = arith.cmpi slt, %rem3A_659, %lt3A_662 : i32
        %lt3A_664 = arith.constant 0 : i32
        %lt3A_665 = arith.cmpi slt, %select_n3A_658, %lt3A_664 : i32
        %ne3A_666 = arith.xori %lt3A_663, %lt3A_665 : i1
        %and3A_667 = arith.andi %ne3A_666, %ne3A_661 : i1
        %add3A_668 = arith.addi %rem3A_659, %select_n3A_658 : i32
        %select_n3A_669 = arith.select %and3A_667, %add3A_668, %rem3A_659 : i32
        %mul3A_670 = arith.constant 16 : i32
        %mul3A_671 = arith.muli %select_n3A_669, %mul3A_670 : i32
        %mul3A_672 = arith.constant 16 : i32
        %mul3A_673 = arith.muli %sub3A_653, %mul3A_672 : i32
        %get3A_674 = arith.index_cast %mul3A_673 : i32 to index
        %get3A_675 = tpu.vector_load %arg5[%get3A_674] {strides = array<i32>} : memref<512xi32, #tpu.memory_space<vmem>>, vector<16xi32>,
        %and3A_676 = arith.constant 7 : i32
        %and3A_677 = vector.broadcast %and3A_676 : i32 to vector<16xi32>
        %and3A_678 = arith.andi %get3A_675, %and3A_677 : vector<16xi32>
        %add3A_679 = vector.broadcast %mul3A_671 : i32 to vector<16xi32>
        %add3A_680 = arith.addi %add3A_679, %iota3A : vector<16xi32>
        %mul3A_681 = arith.constant 16 : i32
        %mul3A_682 = arith.muli %sub3A_653, %mul3A_681 : i32
        %add3A_683 = vector.broadcast %mul3A_682 : i32 to vector<16xi32>
        %add3A_684 = arith.addi %add3A_683, %iota3A : vector<16xi32>
        %broadcast_in_dim3A_685 = arith.constant 0 : i32
        %broadcast_in_dim3A_686 = vector.broadcast %broadcast_in_dim3A_685 : i32 to vector<16xi32>
        %gather3A_687 = tpu.vector_load_idx %arg6[%add3A_680, %and3A_678, %broadcast_in_dim3A_686] : memref<32x8x16xf32, #tpu.memory_space<vmem>>[vector<16xi32>, vector<16xi32>, vector<16xi32>], vector<16xf32>,
        tpu.vector_store_idx %arg7[%add3A_684, %broadcast_in_dim3A_686], %gather3A_687 : memref<512x16xf32, #tpu.memory_space<vmem>>[vector<16xi32>, vector<16xi32>], vector<16xf32>,
        %broadcast_in_dim3A_688 = arith.constant 1 : i32
        %broadcast_in_dim3A_689 = vector.broadcast %broadcast_in_dim3A_688 : i32 to vector<16xi32>
        %gather3A_690 = tpu.vector_load_idx %arg6[%add3A_680, %and3A_678, %broadcast_in_dim3A_689] : memref<32x8x16xf32, #tpu.memory_space<vmem>>[vector<16xi32>, vector<16xi32>, vector<16xi32>], vector<16xf32>,
        tpu.vector_store_idx %arg7[%add3A_684, %broadcast_in_dim3A_689], %gather3A_690 : memref<512x16xf32, #tpu.memory_space<vmem>>[vector<16xi32>, vector<16xi32>], vector<16xf32>,
        %broadcast_in_dim3A_691 = arith.constant 2 : i32
        %broadcast_in_dim3A_692 = vector.broadcast %broadcast_in_dim3A_691 : i32 to vector<16xi32>
        %gather3A_693 = tpu.vector_load_idx %arg6[%add3A_680, %and3A_678, %broadcast_in_dim3A_692] : memref<32x8x16xf32, #tpu.memory_space<vmem>>[vector<16xi32>, vector<16xi32>, vector<16xi32>], vector<16xf32>,
        tpu.vector_store_idx %arg7[%add3A_684, %broadcast_in_dim3A_692], %gather3A_693 : memref<512x16xf32, #tpu.memory_space<vmem>>[vector<16xi32>, vector<16xi32>], vector<16xf32>,
        %broadcast_in_dim3A_694 = arith.constant 3 : i32
        %broadcast_in_dim3A_695 = vector.broadcast %broadcast_in_dim3A_694 : i32 to vector<16xi32>
        %gather3A_696 = tpu.vector_load_idx %arg6[%add3A_680, %and3A_678, %broadcast_in_dim3A_695] : memref<32x8x16xf32, #tpu.memory_space<vmem>>[vector<16xi32>, vector<16xi32>, vector<16xi32>], vector<16xf32>,
        tpu.vector_store_idx %arg7[%add3A_684, %broadcast_in_dim3A_695], %gather3A_696 : memref<512x16xf32, #tpu.memory_space<vmem>>[vector<16xi32>, vector<16xi32>], vector<16xf32>,
        %broadcast_in_dim3A_697 = arith.constant 4 : i32
        %broadcast_in_dim3A_698 = vector.broadcast %broadcast_in_dim3A_697 : i32 to vector<16xi32>
        %gather3A_699 = tpu.vector_load_idx %arg6[%add3A_680, %and3A_678, %broadcast_in_dim3A_698] : memref<32x8x16xf32, #tpu.memory_space<vmem>>[vector<16xi32>, vector<16xi32>, vector<16xi32>], vector<16xf32>,
        tpu.vector_store_idx %arg7[%add3A_684, %broadcast_in_dim3A_698], %gather3A_699 : memref<512x16xf32, #tpu.memory_space<vmem>>[vector<16xi32>, vector<16xi32>], vector<16xf32>,
        %broadcast_in_dim3A_700 = arith.constant 5 : i32
        %broadcast_in_dim3A_701 = vector.broadcast %broadcast_in_dim3A_700 : i32 to vector<16xi32>
        %gather3A_702 = tpu.vector_load_idx %arg6[%add3A_680, %and3A_678, %broadcast_in_dim3A_701] : memref<32x8x16xf32, #tpu.memory_space<vmem>>[vector<16xi32>, vector<16xi32>, vector<16xi32>], vector<16xf32>,
        tpu.vector_store_idx %arg7[%add3A_684, %broadcast_in_dim3A_701], %gather3A_702 : memref<512x16xf32, #tpu.memory_space<vmem>>[vector<16xi32>, vector<16xi32>], vector<16xf32>,
        %broadcast_in_dim3A_703 = arith.constant 6 : i32
        %broadcast_in_dim3A_704 = vector.broadcast %broadcast_in_dim3A_703 : i32 to vector<16xi32>
        %gather3A_705 = tpu.vector_load_idx %arg6[%add3A_680, %and3A_678, %broadcast_in_dim3A_704] : memref<32x8x16xf32, #tpu.memory_space<vmem>>[vector<16xi32>, vector<16xi32>, vector<16xi32>], vector<16xf32>,
        tpu.vector_store_idx %arg7[%add3A_684, %broadcast_in_dim3A_704], %gather3A_705 : memref<512x16xf32, #tpu.memory_space<vmem>>[vector<16xi32>, vector<16xi32>], vector<16xf32>,
        %broadcast_in_dim3A_706 = arith.constant 7 : i32
        %broadcast_in_dim3A_707 = vector.broadcast %broadcast_in_dim3A_706 : i32 to vector<16xi32>
        %gather3A_708 = tpu.vector_load_idx %arg6[%add3A_680, %and3A_678, %broadcast_in_dim3A_707] : memref<32x8x16xf32, #tpu.memory_space<vmem>>[vector<16xi32>, vector<16xi32>, vector<16xi32>], vector<16xf32>,
        tpu.vector_store_idx %arg7[%add3A_684, %broadcast_in_dim3A_707], %gather3A_708 : memref<512x16xf32, #tpu.memory_space<vmem>>[vector<16xi32>, vector<16xi32>], vector<16xf32>,
        %broadcast_in_dim3A_709 = arith.constant 8 : i32
        %broadcast_in_dim3A_710 = vector.broadcast %broadcast_in_dim3A_709 : i32 to vector<16xi32>
        %gather3A_711 = tpu.vector_load_idx %arg6[%add3A_680, %and3A_678, %broadcast_in_dim3A_710] : memref<32x8x16xf32, #tpu.memory_space<vmem>>[vector<16xi32>, vector<16xi32>, vector<16xi32>], vector<16xf32>,
        tpu.vector_store_idx %arg7[%add3A_684, %broadcast_in_dim3A_710], %gather3A_711 : memref<512x16xf32, #tpu.memory_space<vmem>>[vector<16xi32>, vector<16xi32>], vector<16xf32>,
        %broadcast_in_dim3A_712 = arith.constant 9 : i32
        %broadcast_in_dim3A_713 = vector.broadcast %broadcast_in_dim3A_712 : i32 to vector<16xi32>
        %gather3A_714 = tpu.vector_load_idx %arg6[%add3A_680, %and3A_678, %broadcast_in_dim3A_713] : memref<32x8x16xf32, #tpu.memory_space<vmem>>[vector<16xi32>, vector<16xi32>, vector<16xi32>], vector<16xf32>,
        tpu.vector_store_idx %arg7[%add3A_684, %broadcast_in_dim3A_713], %gather3A_714 : memref<512x16xf32, #tpu.memory_space<vmem>>[vector<16xi32>, vector<16xi32>], vector<16xf32>,
        %broadcast_in_dim3A_715 = arith.constant 10 : i32
        %broadcast_in_dim3A_716 = vector.broadcast %broadcast_in_dim3A_715 : i32 to vector<16xi32>
        %gather3A_717 = tpu.vector_load_idx %arg6[%add3A_680, %and3A_678, %broadcast_in_dim3A_716] : memref<32x8x16xf32, #tpu.memory_space<vmem>>[vector<16xi32>, vector<16xi32>, vector<16xi32>], vector<16xf32>,
        tpu.vector_store_idx %arg7[%add3A_684, %broadcast_in_dim3A_716], %gather3A_717 : memref<512x16xf32, #tpu.memory_space<vmem>>[vector<16xi32>, vector<16xi32>], vector<16xf32>,
        %broadcast_in_dim3A_718 = arith.constant 11 : i32
        %broadcast_in_dim3A_719 = vector.broadcast %broadcast_in_dim3A_718 : i32 to vector<16xi32>
        %gather3A_720 = tpu.vector_load_idx %arg6[%add3A_680, %and3A_678, %broadcast_in_dim3A_719] : memref<32x8x16xf32, #tpu.memory_space<vmem>>[vector<16xi32>, vector<16xi32>, vector<16xi32>], vector<16xf32>,
        tpu.vector_store_idx %arg7[%add3A_684, %broadcast_in_dim3A_719], %gather3A_720 : memref<512x16xf32, #tpu.memory_space<vmem>>[vector<16xi32>, vector<16xi32>], vector<16xf32>,
        %broadcast_in_dim3A_721 = arith.constant 12 : i32
        %broadcast_in_dim3A_722 = vector.broadcast %broadcast_in_dim3A_721 : i32 to vector<16xi32>
        %gather3A_723 = tpu.vector_load_idx %arg6[%add3A_680, %and3A_678, %broadcast_in_dim3A_722] : memref<32x8x16xf32, #tpu.memory_space<vmem>>[vector<16xi32>, vector<16xi32>, vector<16xi32>], vector<16xf32>,
        tpu.vector_store_idx %arg7[%add3A_684, %broadcast_in_dim3A_722], %gather3A_723 : memref<512x16xf32, #tpu.memory_space<vmem>>[vector<16xi32>, vector<16xi32>], vector<16xf32>,
        %broadcast_in_dim3A_724 = arith.constant 13 : i32
        %broadcast_in_dim3A_725 = vector.broadcast %broadcast_in_dim3A_724 : i32 to vector<16xi32>
        %gather3A_726 = tpu.vector_load_idx %arg6[%add3A_680, %and3A_678, %broadcast_in_dim3A_725] : memref<32x8x16xf32, #tpu.memory_space<vmem>>[vector<16xi32>, vector<16xi32>, vector<16xi32>], vector<16xf32>,
        tpu.vector_store_idx %arg7[%add3A_684, %broadcast_in_dim3A_725], %gather3A_726 : memref<512x16xf32, #tpu.memory_space<vmem>>[vector<16xi32>, vector<16xi32>], vector<16xf32>,
        %broadcast_in_dim3A_727 = arith.constant 14 : i32
        %broadcast_in_dim3A_728 = vector.broadcast %broadcast_in_dim3A_727 : i32 to vector<16xi32>
        %gather3A_729 = tpu.vector_load_idx %arg6[%add3A_680, %and3A_678, %broadcast_in_dim3A_728] : memref<32x8x16xf32, #tpu.memory_space<vmem>>[vector<16xi32>, vector<16xi32>, vector<16xi32>], vector<16xf32>,
        tpu.vector_store_idx %arg7[%add3A_684, %broadcast_in_dim3A_728], %gather3A_729 : memref<512x16xf32, #tpu.memory_space<vmem>>[vector<16xi32>, vector<16xi32>], vector<16xf32>,
        %broadcast_in_dim3A_730 = arith.constant 15 : i32
        %broadcast_in_dim3A_731 = vector.broadcast %broadcast_in_dim3A_730 : i32 to vector<16xi32>
        %gather3A_732 = tpu.vector_load_idx %arg6[%add3A_680, %and3A_678, %broadcast_in_dim3A_731] : memref<32x8x16xf32, #tpu.memory_space<vmem>>[vector<16xi32>, vector<16xi32>, vector<16xi32>], vector<16xf32>,
        tpu.vector_store_idx %arg7[%add3A_684, %broadcast_in_dim3A_731], %gather3A_732 : memref<512x16xf32, #tpu.memory_space<vmem>>[vector<16xi32>, vector<16xi32>], vector<16xf32>,
      } else {
      }
      %jit3A_374 = arith.constant 2 : i32
      %eq3A_375 = arith.constant 0 : i32
      %eq3A_376 = arith.cmpi eq, %jit3A_374, %eq3A_375 : i32
      %jit3A_377 = arith.constant 1 : i32
      %select_n3A_378 = arith.select %eq3A_376, %jit3A_377, %jit3A_374 : i32
      %rem3A_379 = arith.remsi %scan3A_318, %select_n3A_378 : i32
      %ne3A_380 = arith.constant 0 : i32
      %ne3A_381 = arith.cmpi ne, %rem3A_379, %ne3A_380 : i32
      %lt3A_382 = arith.constant 0 : i32
      %lt3A_383 = arith.cmpi slt, %rem3A_379, %lt3A_382 : i32
      %lt3A_384 = arith.constant 0 : i32
      %lt3A_385 = arith.cmpi slt, %select_n3A_378, %lt3A_384 : i32
      %ne3A_386 = arith.xori %lt3A_383, %lt3A_385 : i1
      %and3A_387 = arith.andi %ne3A_386, %ne3A_381 : i1
      %add3A_388 = arith.addi %rem3A_379, %select_n3A_378 : i32
      %select_n3A_389 = arith.select %and3A_387, %add3A_388, %rem3A_379 : i32
      %eq3A_390 = arith.constant 0 : i32
      %eq3A_391 = arith.cmpi eq, %select_n3A_389, %eq3A_390 : i32
      %gt3A = arith.constant 0 : i32
      %gt3A_392 = arith.cmpi sgt, %scan3A_318, %gt3A : i32
      %and3A_393 = arith.andi %eq3A_391, %gt3A_392 : i1
      %convert_element_type3A_394 = arith.extui %and3A_393 : i1 to i32
      %cond3A_395 = arith.constant 0 : i32
      %cond3A_396 = arith.cmpi ne, %convert_element_type3A_394, %cond3A_395 : i32
      scf.if %cond3A_396 {
        %dma_wait3A_397 = arith.constant 0 : i32
        %dma_wait3A_398 = arith.constant 0 : i32
        %dma_wait3A_399 = arith.constant 0 : i32
        %dma_wait3A_400 = tpu.memref_slice %arg6[%dma_wait3A_397, %dma_wait3A_398, %dma_wait3A_399] : memref<32x8x16xf32, #tpu.memory_space<vmem>> -> memref<1x8x16xf32, #tpu.memory_space<vmem>>
        %dma_wait3A_401 = arith.constant 0 : i32
        %dma_wait3A_402 = arith.constant 0 : i32
        %dma_wait3A_403 = arith.constant 0 : i32
        %dma_wait3A_404 = tpu.memref_slice %arg3[%dma_wait3A_401, %dma_wait3A_402, %dma_wait3A_403] : memref<125000x8x16xf32, #tpu.memory_space<hbm>> -> memref<1x8x16xf32, #tpu.memory_space<hbm>>
        %dma_wait3A_405 = arith.constant 0 : i32
        %dma_wait3A_406 = arith.constant 0 : i32
        %dma_wait3A_407 = arith.constant 0 : i32
        %dma_wait3A_408 = tpu.memref_slice %arg6[%dma_wait3A_405, %dma_wait3A_406, %dma_wait3A_407] : memref<32x8x16xf32, #tpu.memory_space<vmem>> -> memref<1x8x16xf32, #tpu.memory_space<vmem>>
        %dma_wait3A_409 = arith.constant 0 : i32
        %dma_wait3A_410 = arith.constant 0 : i32
        %dma_wait3A_411 = arith.constant 0 : i32
        %dma_wait3A_412 = tpu.memref_slice %arg3[%dma_wait3A_409, %dma_wait3A_410, %dma_wait3A_411] : memref<125000x8x16xf32, #tpu.memory_space<hbm>> -> memref<1x8x16xf32, #tpu.memory_space<hbm>>
        tpu.wait_dma2 semaphore(%arg9 : memref<!tpu.dma_semaphore, #tpu.memory_space<semaphore_mem>>) src(%dma_wait3A_412 : memref<1x8x16xf32, #tpu.memory_space<hbm>>) dst(%dma_wait3A_408 : memref<1x8x16xf32, #tpu.memory_space<vmem>>)
        %dma_wait3A_413 = arith.constant 0 : i32
        %dma_wait3A_414 = arith.constant 0 : i32
        %dma_wait3A_415 = arith.constant 0 : i32
        %dma_wait3A_416 = tpu.memref_slice %arg6[%dma_wait3A_413, %dma_wait3A_414, %dma_wait3A_415] : memref<32x8x16xf32, #tpu.memory_space<vmem>> -> memref<1x8x16xf32, #tpu.memory_space<vmem>>
        %dma_wait3A_417 = arith.constant 0 : i32
        %dma_wait3A_418 = arith.constant 0 : i32
        %dma_wait3A_419 = arith.constant 0 : i32
        %dma_wait3A_420 = tpu.memref_slice %arg3[%dma_wait3A_417, %dma_wait3A_418, %dma_wait3A_419] : memref<125000x8x16xf32, #tpu.memory_space<hbm>> -> memref<1x8x16xf32, #tpu.memory_space<hbm>>
        %dma_wait3A_421 = arith.constant 0 : i32
        %dma_wait3A_422 = arith.constant 0 : i32
        %dma_wait3A_423 = arith.constant 0 : i32
        %dma_wait3A_424 = tpu.memref_slice %arg6[%dma_wait3A_421, %dma_wait3A_422, %dma_wait3A_423] : memref<32x8x16xf32, #tpu.memory_space<vmem>> -> memref<1x8x16xf32, #tpu.memory_space<vmem>>
        %dma_wait3A_425 = arith.constant 0 : i32
        %dma_wait3A_426 = arith.constant 0 : i32
        %dma_wait3A_427 = arith.constant 0 : i32
        %dma_wait3A_428 = tpu.memref_slice %arg3[%dma_wait3A_425, %dma_wait3A_426, %dma_wait3A_427] : memref<125000x8x16xf32, #tpu.memory_space<hbm>> -> memref<1x8x16xf32, #tpu.memory_space<hbm>>
        tpu.wait_dma2 semaphore(%arg9 : memref<!tpu.dma_semaphore, #tpu.memory_space<semaphore_mem>>) src(%dma_wait3A_428 : memref<1x8x16xf32, #tpu.memory_space<hbm>>) dst(%dma_wait3A_424 : memref<1x8x16xf32, #tpu.memory_space<vmem>>)
        %dma_wait3A_429 = arith.constant 0 : i32
        %dma_wait3A_430 = arith.constant 0 : i32
        %dma_wait3A_431 = arith.constant 0 : i32
        %dma_wait3A_432 = tpu.memref_slice %arg6[%dma_wait3A_429, %dma_wait3A_430, %dma_wait3A_431] : memref<32x8x16xf32, #tpu.memory_space<vmem>> -> memref<1x8x16xf32, #tpu.memory_space<vmem>>
        %dma_wait3A_433 = arith.constant 0 : i32
        %dma_wait3A_434 = arith.constant 0 : i32
        %dma_wait3A_435 = arith.constant 0 : i32
        %dma_wait3A_436 = tpu.memref_slice %arg3[%dma_wait3A_433, %dma_wait3A_434, %dma_wait3A_435] : memref<125000x8x16xf32, #tpu.memory_space<hbm>> -> memref<1x8x16xf32, #tpu.memory_space<hbm>>
        %dma_wait3A_437 = arith.constant 0 : i32
        %dma_wait3A_438 = arith.constant 0 : i32
        %dma_wait3A_439 = arith.constant 0 : i32
        %dma_wait3A_440 = tpu.memref_slice %arg6[%dma_wait3A_437, %dma_wait3A_438, %dma_wait3A_439] : memref<32x8x16xf32, #tpu.memory_space<vmem>> -> memref<1x8x16xf32, #tpu.memory_space<vmem>>
        %dma_wait3A_441 = arith.constant 0 : i32
        %dma_wait3A_442 = arith.constant 0 : i32
        %dma_wait3A_443 = arith.constant 0 : i32
        %dma_wait3A_444 = tpu.memref_slice %arg3[%dma_wait3A_441, %dma_wait3A_442, %dma_wait3A_443] : memref<125000x8x16xf32, #tpu.memory_space<hbm>> -> memref<1x8x16xf32, #tpu.memory_space<hbm>>
        tpu.wait_dma2 semaphore(%arg9 : memref<!tpu.dma_semaphore, #tpu.memory_space<semaphore_mem>>) src(%dma_wait3A_444 : memref<1x8x16xf32, #tpu.memory_space<hbm>>) dst(%dma_wait3A_440 : memref<1x8x16xf32, #tpu.memory_space<vmem>>)
        %dma_wait3A_445 = arith.constant 0 : i32
        %dma_wait3A_446 = arith.constant 0 : i32
        %dma_wait3A_447 = arith.constant 0 : i32
        %dma_wait3A_448 = tpu.memref_slice %arg6[%dma_wait3A_445, %dma_wait3A_446, %dma_wait3A_447] : memref<32x8x16xf32, #tpu.memory_space<vmem>> -> memref<1x8x16xf32, #tpu.memory_space<vmem>>
        %dma_wait3A_449 = arith.constant 0 : i32
        %dma_wait3A_450 = arith.constant 0 : i32
        %dma_wait3A_451 = arith.constant 0 : i32
        %dma_wait3A_452 = tpu.memref_slice %arg3[%dma_wait3A_449, %dma_wait3A_450, %dma_wait3A_451] : memref<125000x8x16xf32, #tpu.memory_space<hbm>> -> memref<1x8x16xf32, #tpu.memory_space<hbm>>
        %dma_wait3A_453 = arith.constant 0 : i32
        %dma_wait3A_454 = arith.constant 0 : i32
        %dma_wait3A_455 = arith.constant 0 : i32
        %dma_wait3A_456 = tpu.memref_slice %arg6[%dma_wait3A_453, %dma_wait3A_454, %dma_wait3A_455] : memref<32x8x16xf32, #tpu.memory_space<vmem>> -> memref<1x8x16xf32, #tpu.memory_space<vmem>>
        %dma_wait3A_457 = arith.constant 0 : i32
        %dma_wait3A_458 = arith.constant 0 : i32
        %dma_wait3A_459 = arith.constant 0 : i32
        %dma_wait3A_460 = tpu.memref_slice %arg3[%dma_wait3A_457, %dma_wait3A_458, %dma_wait3A_459] : memref<125000x8x16xf32, #tpu.memory_space<hbm>> -> memref<1x8x16xf32, #tpu.memory_space<hbm>>
        tpu.wait_dma2 semaphore(%arg9 : memref<!tpu.dma_semaphore, #tpu.memory_space<semaphore_mem>>) src(%dma_wait3A_460 : memref<1x8x16xf32, #tpu.memory_space<hbm>>) dst(%dma_wait3A_456 : memref<1x8x16xf32, #tpu.memory_space<vmem>>)
        %dma_wait3A_461 = arith.constant 0 : i32
        %dma_wait3A_462 = arith.constant 0 : i32
        %dma_wait3A_463 = arith.constant 0 : i32
        %dma_wait3A_464 = tpu.memref_slice %arg6[%dma_wait3A_461, %dma_wait3A_462, %dma_wait3A_463] : memref<32x8x16xf32, #tpu.memory_space<vmem>> -> memref<1x8x16xf32, #tpu.memory_space<vmem>>
        %dma_wait3A_465 = arith.constant 0 : i32
        %dma_wait3A_466 = arith.constant 0 : i32
        %dma_wait3A_467 = arith.constant 0 : i32
        %dma_wait3A_468 = tpu.memref_slice %arg3[%dma_wait3A_465, %dma_wait3A_466, %dma_wait3A_467] : memref<125000x8x16xf32, #tpu.memory_space<hbm>> -> memref<1x8x16xf32, #tpu.memory_space<hbm>>
        %dma_wait3A_469 = arith.constant 0 : i32
        %dma_wait3A_470 = arith.constant 0 : i32
        %dma_wait3A_471 = arith.constant 0 : i32
        %dma_wait3A_472 = tpu.memref_slice %arg6[%dma_wait3A_469, %dma_wait3A_470, %dma_wait3A_471] : memref<32x8x16xf32, #tpu.memory_space<vmem>> -> memref<1x8x16xf32, #tpu.memory_space<vmem>>
        %dma_wait3A_473 = arith.constant 0 : i32
        %dma_wait3A_474 = arith.constant 0 : i32
        %dma_wait3A_475 = arith.constant 0 : i32
        %dma_wait3A_476 = tpu.memref_slice %arg3[%dma_wait3A_473, %dma_wait3A_474, %dma_wait3A_475] : memref<125000x8x16xf32, #tpu.memory_space<hbm>> -> memref<1x8x16xf32, #tpu.memory_space<hbm>>
        tpu.wait_dma2 semaphore(%arg9 : memref<!tpu.dma_semaphore, #tpu.memory_space<semaphore_mem>>) src(%dma_wait3A_476 : memref<1x8x16xf32, #tpu.memory_space<hbm>>) dst(%dma_wait3A_472 : memref<1x8x16xf32, #tpu.memory_space<vmem>>)
        %dma_wait3A_477 = arith.constant 0 : i32
        %dma_wait3A_478 = arith.constant 0 : i32
        %dma_wait3A_479 = arith.constant 0 : i32
        %dma_wait3A_480 = tpu.memref_slice %arg6[%dma_wait3A_477, %dma_wait3A_478, %dma_wait3A_479] : memref<32x8x16xf32, #tpu.memory_space<vmem>> -> memref<1x8x16xf32, #tpu.memory_space<vmem>>
        %dma_wait3A_481 = arith.constant 0 : i32
        %dma_wait3A_482 = arith.constant 0 : i32
        %dma_wait3A_483 = arith.constant 0 : i32
        %dma_wait3A_484 = tpu.memref_slice %arg3[%dma_wait3A_481, %dma_wait3A_482, %dma_wait3A_483] : memref<125000x8x16xf32, #tpu.memory_space<hbm>> -> memref<1x8x16xf32, #tpu.memory_space<hbm>>
        %dma_wait3A_485 = arith.constant 0 : i32
        %dma_wait3A_486 = arith.constant 0 : i32
        %dma_wait3A_487 = arith.constant 0 : i32
        %dma_wait3A_488 = tpu.memref_slice %arg6[%dma_wait3A_485, %dma_wait3A_486, %dma_wait3A_487] : memref<32x8x16xf32, #tpu.memory_space<vmem>> -> memref<1x8x16xf32, #tpu.memory_space<vmem>>
        %dma_wait3A_489 = arith.constant 0 : i32
        %dma_wait3A_490 = arith.constant 0 : i32
        %dma_wait3A_491 = arith.constant 0 : i32
        %dma_wait3A_492 = tpu.memref_slice %arg3[%dma_wait3A_489, %dma_wait3A_490, %dma_wait3A_491] : memref<125000x8x16xf32, #tpu.memory_space<hbm>> -> memref<1x8x16xf32, #tpu.memory_space<hbm>>
        tpu.wait_dma2 semaphore(%arg9 : memref<!tpu.dma_semaphore, #tpu.memory_space<semaphore_mem>>) src(%dma_wait3A_492 : memref<1x8x16xf32, #tpu.memory_space<hbm>>) dst(%dma_wait3A_488 : memref<1x8x16xf32, #tpu.memory_space<vmem>>)
        %dma_wait3A_493 = arith.constant 0 : i32
        %dma_wait3A_494 = arith.constant 0 : i32
        %dma_wait3A_495 = arith.constant 0 : i32
        %dma_wait3A_496 = tpu.memref_slice %arg6[%dma_wait3A_493, %dma_wait3A_494, %dma_wait3A_495] : memref<32x8x16xf32, #tpu.memory_space<vmem>> -> memref<1x8x16xf32, #tpu.memory_space<vmem>>
        %dma_wait3A_497 = arith.constant 0 : i32
        %dma_wait3A_498 = arith.constant 0 : i32
        %dma_wait3A_499 = arith.constant 0 : i32
        %dma_wait3A_500 = tpu.memref_slice %arg3[%dma_wait3A_497, %dma_wait3A_498, %dma_wait3A_499] : memref<125000x8x16xf32, #tpu.memory_space<hbm>> -> memref<1x8x16xf32, #tpu.memory_space<hbm>>
        %dma_wait3A_501 = arith.constant 0 : i32
        %dma_wait3A_502 = arith.constant 0 : i32
        %dma_wait3A_503 = arith.constant 0 : i32
        %dma_wait3A_504 = tpu.memref_slice %arg6[%dma_wait3A_501, %dma_wait3A_502, %dma_wait3A_503] : memref<32x8x16xf32, #tpu.memory_space<vmem>> -> memref<1x8x16xf32, #tpu.memory_space<vmem>>
        %dma_wait3A_505 = arith.constant 0 : i32
        %dma_wait3A_506 = arith.constant 0 : i32
        %dma_wait3A_507 = arith.constant 0 : i32
        %dma_wait3A_508 = tpu.memref_slice %arg3[%dma_wait3A_505, %dma_wait3A_506, %dma_wait3A_507] : memref<125000x8x16xf32, #tpu.memory_space<hbm>> -> memref<1x8x16xf32, #tpu.memory_space<hbm>>
        tpu.wait_dma2 semaphore(%arg9 : memref<!tpu.dma_semaphore, #tpu.memory_space<semaphore_mem>>) src(%dma_wait3A_508 : memref<1x8x16xf32, #tpu.memory_space<hbm>>) dst(%dma_wait3A_504 : memref<1x8x16xf32, #tpu.memory_space<vmem>>)
        %dma_wait3A_509 = arith.constant 0 : i32
        %dma_wait3A_510 = arith.constant 0 : i32
        %dma_wait3A_511 = arith.constant 0 : i32
        %dma_wait3A_512 = tpu.memref_slice %arg6[%dma_wait3A_509, %dma_wait3A_510, %dma_wait3A_511] : memref<32x8x16xf32, #tpu.memory_space<vmem>> -> memref<1x8x16xf32, #tpu.memory_space<vmem>>
        %dma_wait3A_513 = arith.constant 0 : i32
        %dma_wait3A_514 = arith.constant 0 : i32
        %dma_wait3A_515 = arith.constant 0 : i32
        %dma_wait3A_516 = tpu.memref_slice %arg3[%dma_wait3A_513, %dma_wait3A_514, %dma_wait3A_515] : memref<125000x8x16xf32, #tpu.memory_space<hbm>> -> memref<1x8x16xf32, #tpu.memory_space<hbm>>
        %dma_wait3A_517 = arith.constant 0 : i32
        %dma_wait3A_518 = arith.constant 0 : i32
        %dma_wait3A_519 = arith.constant 0 : i32
        %dma_wait3A_520 = tpu.memref_slice %arg6[%dma_wait3A_517, %dma_wait3A_518, %dma_wait3A_519] : memref<32x8x16xf32, #tpu.memory_space<vmem>> -> memref<1x8x16xf32, #tpu.memory_space<vmem>>
        %dma_wait3A_521 = arith.constant 0 : i32
        %dma_wait3A_522 = arith.constant 0 : i32
        %dma_wait3A_523 = arith.constant 0 : i32
        %dma_wait3A_524 = tpu.memref_slice %arg3[%dma_wait3A_521, %dma_wait3A_522, %dma_wait3A_523] : memref<125000x8x16xf32, #tpu.memory_space<hbm>> -> memref<1x8x16xf32, #tpu.memory_space<hbm>>
        tpu.wait_dma2 semaphore(%arg9 : memref<!tpu.dma_semaphore, #tpu.memory_space<semaphore_mem>>) src(%dma_wait3A_524 : memref<1x8x16xf32, #tpu.memory_space<hbm>>) dst(%dma_wait3A_520 : memref<1x8x16xf32, #tpu.memory_space<vmem>>)
        %dma_wait3A_525 = arith.constant 0 : i32
        %dma_wait3A_526 = arith.constant 0 : i32
        %dma_wait3A_527 = arith.constant 0 : i32
        %dma_wait3A_528 = tpu.memref_slice %arg6[%dma_wait3A_525, %dma_wait3A_526, %dma_wait3A_527] : memref<32x8x16xf32, #tpu.memory_space<vmem>> -> memref<1x8x16xf32, #tpu.memory_space<vmem>>
        %dma_wait3A_529 = arith.constant 0 : i32
        %dma_wait3A_530 = arith.constant 0 : i32
        %dma_wait3A_531 = arith.constant 0 : i32
        %dma_wait3A_532 = tpu.memref_slice %arg3[%dma_wait3A_529, %dma_wait3A_530, %dma_wait3A_531] : memref<125000x8x16xf32, #tpu.memory_space<hbm>> -> memref<1x8x16xf32, #tpu.memory_space<hbm>>
        %dma_wait3A_533 = arith.constant 0 : i32
        %dma_wait3A_534 = arith.constant 0 : i32
        %dma_wait3A_535 = arith.constant 0 : i32
        %dma_wait3A_536 = tpu.memref_slice %arg6[%dma_wait3A_533, %dma_wait3A_534, %dma_wait3A_535] : memref<32x8x16xf32, #tpu.memory_space<vmem>> -> memref<1x8x16xf32, #tpu.memory_space<vmem>>
        %dma_wait3A_537 = arith.constant 0 : i32
        %dma_wait3A_538 = arith.constant 0 : i32
        %dma_wait3A_539 = arith.constant 0 : i32
        %dma_wait3A_540 = tpu.memref_slice %arg3[%dma_wait3A_537, %dma_wait3A_538, %dma_wait3A_539] : memref<125000x8x16xf32, #tpu.memory_space<hbm>> -> memref<1x8x16xf32, #tpu.memory_space<hbm>>
        tpu.wait_dma2 semaphore(%arg9 : memref<!tpu.dma_semaphore, #tpu.memory_space<semaphore_mem>>) src(%dma_wait3A_540 : memref<1x8x16xf32, #tpu.memory_space<hbm>>) dst(%dma_wait3A_536 : memref<1x8x16xf32, #tpu.memory_space<vmem>>)
        %dma_wait3A_541 = arith.constant 0 : i32
        %dma_wait3A_542 = arith.constant 0 : i32
        %dma_wait3A_543 = arith.constant 0 : i32
        %dma_wait3A_544 = tpu.memref_slice %arg6[%dma_wait3A_541, %dma_wait3A_542, %dma_wait3A_543] : memref<32x8x16xf32, #tpu.memory_space<vmem>> -> memref<1x8x16xf32, #tpu.memory_space<vmem>>
        %dma_wait3A_545 = arith.constant 0 : i32
        %dma_wait3A_546 = arith.constant 0 : i32
        %dma_wait3A_547 = arith.constant 0 : i32
        %dma_wait3A_548 = tpu.memref_slice %arg3[%dma_wait3A_545, %dma_wait3A_546, %dma_wait3A_547] : memref<125000x8x16xf32, #tpu.memory_space<hbm>> -> memref<1x8x16xf32, #tpu.memory_space<hbm>>
        %dma_wait3A_549 = arith.constant 0 : i32
        %dma_wait3A_550 = arith.constant 0 : i32
        %dma_wait3A_551 = arith.constant 0 : i32
        %dma_wait3A_552 = tpu.memref_slice %arg6[%dma_wait3A_549, %dma_wait3A_550, %dma_wait3A_551] : memref<32x8x16xf32, #tpu.memory_space<vmem>> -> memref<1x8x16xf32, #tpu.memory_space<vmem>>
        %dma_wait3A_553 = arith.constant 0 : i32
        %dma_wait3A_554 = arith.constant 0 : i32
        %dma_wait3A_555 = arith.constant 0 : i32
        %dma_wait3A_556 = tpu.memref_slice %arg3[%dma_wait3A_553, %dma_wait3A_554, %dma_wait3A_555] : memref<125000x8x16xf32, #tpu.memory_space<hbm>> -> memref<1x8x16xf32, #tpu.memory_space<hbm>>
        tpu.wait_dma2 semaphore(%arg9 : memref<!tpu.dma_semaphore, #tpu.memory_space<semaphore_mem>>) src(%dma_wait3A_556 : memref<1x8x16xf32, #tpu.memory_space<hbm>>) dst(%dma_wait3A_552 : memref<1x8x16xf32, #tpu.memory_space<vmem>>)
        %dma_wait3A_557 = arith.constant 0 : i32
        %dma_wait3A_558 = arith.constant 0 : i32
        %dma_wait3A_559 = arith.constant 0 : i32
        %dma_wait3A_560 = tpu.memref_slice %arg6[%dma_wait3A_557, %dma_wait3A_558, %dma_wait3A_559] : memref<32x8x16xf32, #tpu.memory_space<vmem>> -> memref<1x8x16xf32, #tpu.memory_space<vmem>>
        %dma_wait3A_561 = arith.constant 0 : i32
        %dma_wait3A_562 = arith.constant 0 : i32
        %dma_wait3A_563 = arith.constant 0 : i32
        %dma_wait3A_564 = tpu.memref_slice %arg3[%dma_wait3A_561, %dma_wait3A_562, %dma_wait3A_563] : memref<125000x8x16xf32, #tpu.memory_space<hbm>> -> memref<1x8x16xf32, #tpu.memory_space<hbm>>
        %dma_wait3A_565 = arith.constant 0 : i32
        %dma_wait3A_566 = arith.constant 0 : i32
        %dma_wait3A_567 = arith.constant 0 : i32
        %dma_wait3A_568 = tpu.memref_slice %arg6[%dma_wait3A_565, %dma_wait3A_566, %dma_wait3A_567] : memref<32x8x16xf32, #tpu.memory_space<vmem>> -> memref<1x8x16xf32, #tpu.memory_space<vmem>>
        %dma_wait3A_569 = arith.constant 0 : i32
        %dma_wait3A_570 = arith.constant 0 : i32
        %dma_wait3A_571 = arith.constant 0 : i32
        %dma_wait3A_572 = tpu.memref_slice %arg3[%dma_wait3A_569, %dma_wait3A_570, %dma_wait3A_571] : memref<125000x8x16xf32, #tpu.memory_space<hbm>> -> memref<1x8x16xf32, #tpu.memory_space<hbm>>
        tpu.wait_dma2 semaphore(%arg9 : memref<!tpu.dma_semaphore, #tpu.memory_space<semaphore_mem>>) src(%dma_wait3A_572 : memref<1x8x16xf32, #tpu.memory_space<hbm>>) dst(%dma_wait3A_568 : memref<1x8x16xf32, #tpu.memory_space<vmem>>)
        %dma_wait3A_573 = arith.constant 0 : i32
        %dma_wait3A_574 = arith.constant 0 : i32
        %dma_wait3A_575 = arith.constant 0 : i32
        %dma_wait3A_576 = tpu.memref_slice %arg6[%dma_wait3A_573, %dma_wait3A_574, %dma_wait3A_575] : memref<32x8x16xf32, #tpu.memory_space<vmem>> -> memref<1x8x16xf32, #tpu.memory_space<vmem>>
        %dma_wait3A_577 = arith.constant 0 : i32
        %dma_wait3A_578 = arith.constant 0 : i32
        %dma_wait3A_579 = arith.constant 0 : i32
        %dma_wait3A_580 = tpu.memref_slice %arg3[%dma_wait3A_577, %dma_wait3A_578, %dma_wait3A_579] : memref<125000x8x16xf32, #tpu.memory_space<hbm>> -> memref<1x8x16xf32, #tpu.memory_space<hbm>>
        %dma_wait3A_581 = arith.constant 0 : i32
        %dma_wait3A_582 = arith.constant 0 : i32
        %dma_wait3A_583 = arith.constant 0 : i32
        %dma_wait3A_584 = tpu.memref_slice %arg6[%dma_wait3A_581, %dma_wait3A_582, %dma_wait3A_583] : memref<32x8x16xf32, #tpu.memory_space<vmem>> -> memref<1x8x16xf32, #tpu.memory_space<vmem>>
        %dma_wait3A_585 = arith.constant 0 : i32
        %dma_wait3A_586 = arith.constant 0 : i32
        %dma_wait3A_587 = arith.constant 0 : i32
        %dma_wait3A_588 = tpu.memref_slice %arg3[%dma_wait3A_585, %dma_wait3A_586, %dma_wait3A_587] : memref<125000x8x16xf32, #tpu.memory_space<hbm>> -> memref<1x8x16xf32, #tpu.memory_space<hbm>>
        tpu.wait_dma2 semaphore(%arg9 : memref<!tpu.dma_semaphore, #tpu.memory_space<semaphore_mem>>) src(%dma_wait3A_588 : memref<1x8x16xf32, #tpu.memory_space<hbm>>) dst(%dma_wait3A_584 : memref<1x8x16xf32, #tpu.memory_space<vmem>>)
        %dma_wait3A_589 = arith.constant 0 : i32
        %dma_wait3A_590 = arith.constant 0 : i32
        %dma_wait3A_591 = arith.constant 0 : i32
        %dma_wait3A_592 = tpu.memref_slice %arg6[%dma_wait3A_589, %dma_wait3A_590, %dma_wait3A_591] : memref<32x8x16xf32, #tpu.memory_space<vmem>> -> memref<1x8x16xf32, #tpu.memory_space<vmem>>
        %dma_wait3A_593 = arith.constant 0 : i32
        %dma_wait3A_594 = arith.constant 0 : i32
        %dma_wait3A_595 = arith.constant 0 : i32
        %dma_wait3A_596 = tpu.memref_slice %arg3[%dma_wait3A_593, %dma_wait3A_594, %dma_wait3A_595] : memref<125000x8x16xf32, #tpu.memory_space<hbm>> -> memref<1x8x16xf32, #tpu.memory_space<hbm>>
        %dma_wait3A_597 = arith.constant 0 : i32
        %dma_wait3A_598 = arith.constant 0 : i32
        %dma_wait3A_599 = arith.constant 0 : i32
        %dma_wait3A_600 = tpu.memref_slice %arg6[%dma_wait3A_597, %dma_wait3A_598, %dma_wait3A_599] : memref<32x8x16xf32, #tpu.memory_space<vmem>> -> memref<1x8x16xf32, #tpu.memory_space<vmem>>
        %dma_wait3A_601 = arith.constant 0 : i32
        %dma_wait3A_602 = arith.constant 0 : i32
        %dma_wait3A_603 = arith.constant 0 : i32
        %dma_wait3A_604 = tpu.memref_slice %arg3[%dma_wait3A_601, %dma_wait3A_602, %dma_wait3A_603] : memref<125000x8x16xf32, #tpu.memory_space<hbm>> -> memref<1x8x16xf32, #tpu.memory_space<hbm>>
        tpu.wait_dma2 semaphore(%arg9 : memref<!tpu.dma_semaphore, #tpu.memory_space<semaphore_mem>>) src(%dma_wait3A_604 : memref<1x8x16xf32, #tpu.memory_space<hbm>>) dst(%dma_wait3A_600 : memref<1x8x16xf32, #tpu.memory_space<vmem>>)
        %dma_wait3A_605 = arith.constant 0 : i32
        %dma_wait3A_606 = arith.constant 0 : i32
        %dma_wait3A_607 = arith.constant 0 : i32
        %dma_wait3A_608 = tpu.memref_slice %arg6[%dma_wait3A_605, %dma_wait3A_606, %dma_wait3A_607] : memref<32x8x16xf32, #tpu.memory_space<vmem>> -> memref<1x8x16xf32, #tpu.memory_space<vmem>>
        %dma_wait3A_609 = arith.constant 0 : i32
        %dma_wait3A_610 = arith.constant 0 : i32
        %dma_wait3A_611 = arith.constant 0 : i32
        %dma_wait3A_612 = tpu.memref_slice %arg3[%dma_wait3A_609, %dma_wait3A_610, %dma_wait3A_611] : memref<125000x8x16xf32, #tpu.memory_space<hbm>> -> memref<1x8x16xf32, #tpu.memory_space<hbm>>
        %dma_wait3A_613 = arith.constant 0 : i32
        %dma_wait3A_614 = arith.constant 0 : i32
        %dma_wait3A_615 = arith.constant 0 : i32
        %dma_wait3A_616 = tpu.memref_slice %arg6[%dma_wait3A_613, %dma_wait3A_614, %dma_wait3A_615] : memref<32x8x16xf32, #tpu.memory_space<vmem>> -> memref<1x8x16xf32, #tpu.memory_space<vmem>>
        %dma_wait3A_617 = arith.constant 0 : i32
        %dma_wait3A_618 = arith.constant 0 : i32
        %dma_wait3A_619 = arith.constant 0 : i32
        %dma_wait3A_620 = tpu.memref_slice %arg3[%dma_wait3A_617, %dma_wait3A_618, %dma_wait3A_619] : memref<125000x8x16xf32, #tpu.memory_space<hbm>> -> memref<1x8x16xf32, #tpu.memory_space<hbm>>
        tpu.wait_dma2 semaphore(%arg9 : memref<!tpu.dma_semaphore, #tpu.memory_space<semaphore_mem>>) src(%dma_wait3A_620 : memref<1x8x16xf32, #tpu.memory_space<hbm>>) dst(%dma_wait3A_616 : memref<1x8x16xf32, #tpu.memory_space<vmem>>)
        %dma_wait3A_621 = arith.constant 0 : i32
        %dma_wait3A_622 = arith.constant 0 : i32
        %dma_wait3A_623 = arith.constant 0 : i32
        %dma_wait3A_624 = tpu.memref_slice %arg6[%dma_wait3A_621, %dma_wait3A_622, %dma_wait3A_623] : memref<32x8x16xf32, #tpu.memory_space<vmem>> -> memref<1x8x16xf32, #tpu.memory_space<vmem>>
        %dma_wait3A_625 = arith.constant 0 : i32
        %dma_wait3A_626 = arith.constant 0 : i32
        %dma_wait3A_627 = arith.constant 0 : i32
        %dma_wait3A_628 = tpu.memref_slice %arg3[%dma_wait3A_625, %dma_wait3A_626, %dma_wait3A_627] : memref<125000x8x16xf32, #tpu.memory_space<hbm>> -> memref<1x8x16xf32, #tpu.memory_space<hbm>>
        %dma_wait3A_629 = arith.constant 0 : i32
        %dma_wait3A_630 = arith.constant 0 : i32
        %dma_wait3A_631 = arith.constant 0 : i32
        %dma_wait3A_632 = tpu.memref_slice %arg6[%dma_wait3A_629, %dma_wait3A_630, %dma_wait3A_631] : memref<32x8x16xf32, #tpu.memory_space<vmem>> -> memref<1x8x16xf32, #tpu.memory_space<vmem>>
        %dma_wait3A_633 = arith.constant 0 : i32
        %dma_wait3A_634 = arith.constant 0 : i32
        %dma_wait3A_635 = arith.constant 0 : i32
        %dma_wait3A_636 = tpu.memref_slice %arg3[%dma_wait3A_633, %dma_wait3A_634, %dma_wait3A_635] : memref<125000x8x16xf32, #tpu.memory_space<hbm>> -> memref<1x8x16xf32, #tpu.memory_space<hbm>>
        tpu.wait_dma2 semaphore(%arg9 : memref<!tpu.dma_semaphore, #tpu.memory_space<semaphore_mem>>) src(%dma_wait3A_636 : memref<1x8x16xf32, #tpu.memory_space<hbm>>) dst(%dma_wait3A_632 : memref<1x8x16xf32, #tpu.memory_space<vmem>>)
        %dma_wait3A_637 = arith.constant 0 : i32
        %dma_wait3A_638 = arith.constant 0 : i32
        %dma_wait3A_639 = arith.constant 0 : i32
        %dma_wait3A_640 = tpu.memref_slice %arg6[%dma_wait3A_637, %dma_wait3A_638, %dma_wait3A_639] : memref<32x8x16xf32, #tpu.memory_space<vmem>> -> memref<1x8x16xf32, #tpu.memory_space<vmem>>
        %dma_wait3A_641 = arith.constant 0 : i32
        %dma_wait3A_642 = arith.constant 0 : i32
        %dma_wait3A_643 = arith.constant 0 : i32
        %dma_wait3A_644 = tpu.memref_slice %arg3[%dma_wait3A_641, %dma_wait3A_642, %dma_wait3A_643] : memref<125000x8x16xf32, #tpu.memory_space<hbm>> -> memref<1x8x16xf32, #tpu.memory_space<hbm>>
        %dma_wait3A_645 = arith.constant 0 : i32
        %dma_wait3A_646 = arith.constant 0 : i32
        %dma_wait3A_647 = arith.constant 0 : i32
        %dma_wait3A_648 = tpu.memref_slice %arg6[%dma_wait3A_645, %dma_wait3A_646, %dma_wait3A_647] : memref<32x8x16xf32, #tpu.memory_space<vmem>> -> memref<1x8x16xf32, #tpu.memory_space<vmem>>
        %dma_wait3A_649 = arith.constant 0 : i32
        %dma_wait3A_650 = arith.constant 0 : i32
        %dma_wait3A_651 = arith.constant 0 : i32
        %dma_wait3A_652 = tpu.memref_slice %arg3[%dma_wait3A_649, %dma_wait3A_650, %dma_wait3A_651] : memref<125000x8x16xf32, #tpu.memory_space<hbm>> -> memref<1x8x16xf32, #tpu.memory_space<hbm>>
        tpu.wait_dma2 semaphore(%arg9 : memref<!tpu.dma_semaphore, #tpu.memory_space<semaphore_mem>>) src(%dma_wait3A_652 : memref<1x8x16xf32, #tpu.memory_space<hbm>>) dst(%dma_wait3A_648 : memref<1x8x16xf32, #tpu.memory_space<vmem>>)
        %sub3A = arith.constant 1 : i32
        %sub3A_653 = arith.subi %scan3A_318, %sub3A : i32
        %jit3A_654 = arith.constant 2 : i32
        %eq3A_655 = arith.constant 0 : i32
        %eq3A_656 = arith.cmpi eq, %jit3A_654, %eq3A_655 : i32
        %jit3A_657 = arith.constant 1 : i32
        %select_n3A_658 = arith.select %eq3A_656, %jit3A_657, %jit3A_654 : i32
        %rem3A_659 = arith.remsi %sub3A_653, %select_n3A_658 : i32
        %ne3A_660 = arith.constant 0 : i32
        %ne3A_661 = arith.cmpi ne, %rem3A_659, %ne3A_660 : i32
        %lt3A_662 = arith.constant 0 : i32
        %lt3A_663 = arith.cmpi slt, %rem3A_659, %lt3A_662 : i32
        %lt3A_664 = arith.constant 0 : i32
        %lt3A_665 = arith.cmpi slt, %select_n3A_658, %lt3A_664 : i32
        %ne3A_666 = arith.xori %lt3A_663, %lt3A_665 : i1
        %and3A_667 = arith.andi %ne3A_666, %ne3A_661 : i1
        %add3A_668 = arith.addi %rem3A_659, %select_n3A_658 : i32
        %select_n3A_669 = arith.select %and3A_667, %add3A_668, %rem3A_659 : i32
        %mul3A_670 = arith.constant 16 : i32
        %mul3A_671 = arith.muli %select_n3A_669, %mul3A_670 : i32
        %mul3A_672 = arith.constant 16 : i32
        %mul3A_673 = arith.muli %sub3A_653, %mul3A_672 : i32
        %get3A_674 = arith.index_cast %mul3A_673 : i32 to index
        %get3A_675 = tpu.vector_load %arg5[%get3A_674] {strides = array<i32>} : memref<512xi32, #tpu.memory_space<vmem>>, vector<16xi32>,
        %and3A_676 = arith.constant 7 : i32
        %and3A_677 = vector.broadcast %and3A_676 : i32 to vector<16xi32>
        %and3A_678 = arith.andi %get3A_675, %and3A_677 : vector<16xi32>
        %add3A_679 = vector.broadcast %mul3A_671 : i32 to vector<16xi32>
        %add3A_680 = arith.addi %add3A_679, %iota3A : vector<16xi32>
        %mul3A_681 = arith.constant 16 : i32
        %mul3A_682 = arith.muli %sub3A_653, %mul3A_681 : i32
        %add3A_683 = vector.broadcast %mul3A_682 : i32 to vector<16xi32>
        %add3A_684 = arith.addi %add3A_683, %iota3A : vector<16xi32>
        %broadcast_in_dim3A_685 = arith.constant 0 : i32
        %broadcast_in_dim3A_686 = vector.broadcast %broadcast_in_dim3A_685 : i32 to vector<16xi32>
        %gather3A_687 = tpu.vector_load_idx %arg6[%add3A_680, %and3A_678, %broadcast_in_dim3A_686] : memref<32x8x16xf32, #tpu.memory_space<vmem>>[vector<16xi32>, vector<16xi32>, vector<16xi32>], vector<16xf32>,
        tpu.vector_store_idx %arg7[%add3A_684, %broadcast_in_dim3A_686], %gather3A_687 : memref<512x16xf32, #tpu.memory_space<vmem>>[vector<16xi32>, vector<16xi32>], vector<16xf32>,
        %broadcast_in_dim3A_688 = arith.constant 1 : i32
        %broadcast_in_dim3A_689 = vector.broadcast %broadcast_in_dim3A_688 : i32 to vector<16xi32>
        %gather3A_690 = tpu.vector_load_idx %arg6[%add3A_680, %and3A_678, %broadcast_in_dim3A_689] : memref<32x8x16xf32, #tpu.memory_space<vmem>>[vector<16xi32>, vector<16xi32>, vector<16xi32>], vector<16xf32>,
        tpu.vector_store_idx %arg7[%add3A_684, %broadcast_in_dim3A_689], %gather3A_690 : memref<512x16xf32, #tpu.memory_space<vmem>>[vector<16xi32>, vector<16xi32>], vector<16xf32>,
        %broadcast_in_dim3A_691 = arith.constant 2 : i32
        %broadcast_in_dim3A_692 = vector.broadcast %broadcast_in_dim3A_691 : i32 to vector<16xi32>
        %gather3A_693 = tpu.vector_load_idx %arg6[%add3A_680, %and3A_678, %broadcast_in_dim3A_692] : memref<32x8x16xf32, #tpu.memory_space<vmem>>[vector<16xi32>, vector<16xi32>, vector<16xi32>], vector<16xf32>,
        tpu.vector_store_idx %arg7[%add3A_684, %broadcast_in_dim3A_692], %gather3A_693 : memref<512x16xf32, #tpu.memory_space<vmem>>[vector<16xi32>, vector<16xi32>], vector<16xf32>,
        %broadcast_in_dim3A_694 = arith.constant 3 : i32
        %broadcast_in_dim3A_695 = vector.broadcast %broadcast_in_dim3A_694 : i32 to vector<16xi32>
        %gather3A_696 = tpu.vector_load_idx %arg6[%add3A_680, %and3A_678, %broadcast_in_dim3A_695] : memref<32x8x16xf32, #tpu.memory_space<vmem>>[vector<16xi32>, vector<16xi32>, vector<16xi32>], vector<16xf32>,
        tpu.vector_store_idx %arg7[%add3A_684, %broadcast_in_dim3A_695], %gather3A_696 : memref<512x16xf32, #tpu.memory_space<vmem>>[vector<16xi32>, vector<16xi32>], vector<16xf32>,
        %broadcast_in_dim3A_697 = arith.constant 4 : i32
        %broadcast_in_dim3A_698 = vector.broadcast %broadcast_in_dim3A_697 : i32 to vector<16xi32>
        %gather3A_699 = tpu.vector_load_idx %arg6[%add3A_680, %and3A_678, %broadcast_in_dim3A_698] : memref<32x8x16xf32, #tpu.memory_space<vmem>>[vector<16xi32>, vector<16xi32>, vector<16xi32>], vector<16xf32>,
        tpu.vector_store_idx %arg7[%add3A_684, %broadcast_in_dim3A_698], %gather3A_699 : memref<512x16xf32, #tpu.memory_space<vmem>>[vector<16xi32>, vector<16xi32>], vector<16xf32>,
        %broadcast_in_dim3A_700 = arith.constant 5 : i32
        %broadcast_in_dim3A_701 = vector.broadcast %broadcast_in_dim3A_700 : i32 to vector<16xi32>
        %gather3A_702 = tpu.vector_load_idx %arg6[%add3A_680, %and3A_678, %broadcast_in_dim3A_701] : memref<32x8x16xf32, #tpu.memory_space<vmem>>[vector<16xi32>, vector<16xi32>, vector<16xi32>], vector<16xf32>,
        tpu.vector_store_idx %arg7[%add3A_684, %broadcast_in_dim3A_701], %gather3A_702 : memref<512x16xf32, #tpu.memory_space<vmem>>[vector<16xi32>, vector<16xi32>], vector<16xf32>,
        %broadcast_in_dim3A_703 = arith.constant 6 : i32
        %broadcast_in_dim3A_704 = vector.broadcast %broadcast_in_dim3A_703 : i32 to vector<16xi32>
        %gather3A_705 = tpu.vector_load_idx %arg6[%add3A_680, %and3A_678, %broadcast_in_dim3A_704] : memref<32x8x16xf32, #tpu.memory_space<vmem>>[vector<16xi32>, vector<16xi32>, vector<16xi32>], vector<16xf32>,
        tpu.vector_store_idx %arg7[%add3A_684, %broadcast_in_dim3A_704], %gather3A_705 : memref<512x16xf32, #tpu.memory_space<vmem>>[vector<16xi32>, vector<16xi32>], vector<16xf32>,
        %broadcast_in_dim3A_706 = arith.constant 7 : i32
        %broadcast_in_dim3A_707 = vector.broadcast %broadcast_in_dim3A_706 : i32 to vector<16xi32>
        %gather3A_708 = tpu.vector_load_idx %arg6[%add3A_680, %and3A_678, %broadcast_in_dim3A_707] : memref<32x8x16xf32, #tpu.memory_space<vmem>>[vector<16xi32>, vector<16xi32>, vector<16xi32>], vector<16xf32>,
        tpu.vector_store_idx %arg7[%add3A_684, %broadcast_in_dim3A_707], %gather3A_708 : memref<512x16xf32, #tpu.memory_space<vmem>>[vector<16xi32>, vector<16xi32>], vector<16xf32>,
        %broadcast_in_dim3A_709 = arith.constant 8 : i32
        %broadcast_in_dim3A_710 = vector.broadcast %broadcast_in_dim3A_709 : i32 to vector<16xi32>
        %gather3A_711 = tpu.vector_load_idx %arg6[%add3A_680, %and3A_678, %broadcast_in_dim3A_710] : memref<32x8x16xf32, #tpu.memory_space<vmem>>[vector<16xi32>, vector<16xi32>, vector<16xi32>], vector<16xf32>,
        tpu.vector_store_idx %arg7[%add3A_684, %broadcast_in_dim3A_710], %gather3A_711 : memref<512x16xf32, #tpu.memory_space<vmem>>[vector<16xi32>, vector<16xi32>], vector<16xf32>,
        %broadcast_in_dim3A_712 = arith.constant 9 : i32
        %broadcast_in_dim3A_713 = vector.broadcast %broadcast_in_dim3A_712 : i32 to vector<16xi32>
        %gather3A_714 = tpu.vector_load_idx %arg6[%add3A_680, %and3A_678, %broadcast_in_dim3A_713] : memref<32x8x16xf32, #tpu.memory_space<vmem>>[vector<16xi32>, vector<16xi32>, vector<16xi32>], vector<16xf32>,
        tpu.vector_store_idx %arg7[%add3A_684, %broadcast_in_dim3A_713], %gather3A_714 : memref<512x16xf32, #tpu.memory_space<vmem>>[vector<16xi32>, vector<16xi32>], vector<16xf32>,
        %broadcast_in_dim3A_715 = arith.constant 10 : i32
        %broadcast_in_dim3A_716 = vector.broadcast %broadcast_in_dim3A_715 : i32 to vector<16xi32>
        %gather3A_717 = tpu.vector_load_idx %arg6[%add3A_680, %and3A_678, %broadcast_in_dim3A_716] : memref<32x8x16xf32, #tpu.memory_space<vmem>>[vector<16xi32>, vector<16xi32>, vector<16xi32>], vector<16xf32>,
        tpu.vector_store_idx %arg7[%add3A_684, %broadcast_in_dim3A_716], %gather3A_717 : memref<512x16xf32, #tpu.memory_space<vmem>>[vector<16xi32>, vector<16xi32>], vector<16xf32>,
        %broadcast_in_dim3A_718 = arith.constant 11 : i32
        %broadcast_in_dim3A_719 = vector.broadcast %broadcast_in_dim3A_718 : i32 to vector<16xi32>
        %gather3A_720 = tpu.vector_load_idx %arg6[%add3A_680, %and3A_678, %broadcast_in_dim3A_719] : memref<32x8x16xf32, #tpu.memory_space<vmem>>[vector<16xi32>, vector<16xi32>, vector<16xi32>], vector<16xf32>,
        tpu.vector_store_idx %arg7[%add3A_684, %broadcast_in_dim3A_719], %gather3A_720 : memref<512x16xf32, #tpu.memory_space<vmem>>[vector<16xi32>, vector<16xi32>], vector<16xf32>,
        %broadcast_in_dim3A_721 = arith.constant 12 : i32
        %broadcast_in_dim3A_722 = vector.broadcast %broadcast_in_dim3A_721 : i32 to vector<16xi32>
        %gather3A_723 = tpu.vector_load_idx %arg6[%add3A_680, %and3A_678, %broadcast_in_dim3A_722] : memref<32x8x16xf32, #tpu.memory_space<vmem>>[vector<16xi32>, vector<16xi32>, vector<16xi32>], vector<16xf32>,
        tpu.vector_store_idx %arg7[%add3A_684, %broadcast_in_dim3A_722], %gather3A_723 : memref<512x16xf32, #tpu.memory_space<vmem>>[vector<16xi32>, vector<16xi32>], vector<16xf32>,
        %broadcast_in_dim3A_724 = arith.constant 13 : i32
        %broadcast_in_dim3A_725 = vector.broadcast %broadcast_in_dim3A_724 : i32 to vector<16xi32>
        %gather3A_726 = tpu.vector_load_idx %arg6[%add3A_680, %and3A_678, %broadcast_in_dim3A_725] : memref<32x8x16xf32, #tpu.memory_space<vmem>>[vector<16xi32>, vector<16xi32>, vector<16xi32>], vector<16xf32>,
        tpu.vector_store_idx %arg7[%add3A_684, %broadcast_in_dim3A_725], %gather3A_726 : memref<512x16xf32, #tpu.memory_space<vmem>>[vector<16xi32>, vector<16xi32>], vector<16xf32>,
        %broadcast_in_dim3A_727 = arith.constant 14 : i32
        %broadcast_in_dim3A_728 = vector.broadcast %broadcast_in_dim3A_727 : i32 to vector<16xi32>
        %gather3A_729 = tpu.vector_load_idx %arg6[%add3A_680, %and3A_678, %broadcast_in_dim3A_728] : memref<32x8x16xf32, #tpu.memory_space<vmem>>[vector<16xi32>, vector<16xi32>, vector<16xi32>], vector<16xf32>,
        tpu.vector_store_idx %arg7[%add3A_684, %broadcast_in_dim3A_728], %gather3A_729 : memref<512x16xf32, #tpu.memory_space<vmem>>[vector<16xi32>, vector<16xi32>], vector<16xf32>,
        %broadcast_in_dim3A_730 = arith.constant 15 : i32
        %broadcast_in_dim3A_731 = vector.broadcast %broadcast_in_dim3A_730 : i32 to vector<16xi32>
        %gather3A_732 = tpu.vector_load_idx %arg6[%add3A_680, %and3A_678, %broadcast_in_dim3A_731] : memref<32x8x16xf32, #tpu.memory_space<vmem>>[vector<16xi32>, vector<16xi32>, vector<16xi32>], vector<16xf32>,
        tpu.vector_store_idx %arg7[%add3A_684, %broadcast_in_dim3A_731], %gather3A_732 : memref<512x16xf32, #tpu.memory_space<vmem>>[vector<16xi32>, vector<16xi32>], vector<16xf32>,
      } else {
      }
    }
    %scan3A_7 = arith.constant 32 : i32
    %dma_wait3A = arith.constant 0 : i32
    %dma_wait3A_8 = arith.constant 0 : i32
    %dma_wait3A_9 = arith.constant 0 : i32
    %dma_wait3A_10 = tpu.memref_slice %arg6[%dma_wait3A, %dma_wait3A_8, %dma_wait3A_9] : memref<32x8x16xf32, #tpu.memory_space<vmem>> -> memref<1x8x16xf32, #tpu.memory_space<vmem>>
    %dma_wait3A_11 = arith.constant 0 : i32
    %dma_wait3A_12 = arith.constant 0 : i32
    %dma_wait3A_13 = arith.constant 0 : i32
    %dma_wait3A_14 = tpu.memref_slice %arg3[%dma_wait3A_11, %dma_wait3A_12, %dma_wait3A_13] : memref<125000x8x16xf32, #tpu.memory_space<hbm>> -> memref<1x8x16xf32, #tpu.memory_space<hbm>>
    %dma_wait3A_15 = arith.constant 0 : i32
    %dma_wait3A_16 = arith.constant 0 : i32
    %dma_wait3A_17 = arith.constant 0 : i32
    %dma_wait3A_18 = tpu.memref_slice %arg6[%dma_wait3A_15, %dma_wait3A_16, %dma_wait3A_17] : memref<32x8x16xf32, #tpu.memory_space<vmem>> -> memref<1x8x16xf32, #tpu.memory_space<vmem>>
    %dma_wait3A_19 = arith.constant 0 : i32
    %dma_wait3A_20 = arith.constant 0 : i32
    %dma_wait3A_21 = arith.constant 0 : i32
    %dma_wait3A_22 = tpu.memref_slice %arg3[%dma_wait3A_19, %dma_wait3A_20, %dma_wait3A_21] : memref<125000x8x16xf32, #tpu.memory_space<hbm>> -> memref<1x8x16xf32, #tpu.memory_space<hbm>>
    tpu.wait_dma2 semaphore(%arg9 : memref<!tpu.dma_semaphore, #tpu.memory_space<semaphore_mem>>) src(%dma_wait3A_22 : memref<1x8x16xf32, #tpu.memory_space<hbm>>) dst(%dma_wait3A_18 : memref<1x8x16xf32, #tpu.memory_space<vmem>>)
    %dma_wait3A_23 = arith.constant 0 : i32
    %dma_wait3A_24 = arith.constant 0 : i32
    %dma_wait3A_25 = arith.constant 0 : i32
    %dma_wait3A_26 = tpu.memref_slice %arg6[%dma_wait3A_23, %dma_wait3A_24, %dma_wait3A_25] : memref<32x8x16xf32, #tpu.memory_space<vmem>> -> memref<1x8x16xf32, #tpu.memory_space<vmem>>
    %dma_wait3A_27 = arith.constant 0 : i32
    %dma_wait3A_28 = arith.constant 0 : i32
    %dma_wait3A_29 = arith.constant 0 : i32
    %dma_wait3A_30 = tpu.memref_slice %arg3[%dma_wait3A_27, %dma_wait3A_28, %dma_wait3A_29] : memref<125000x8x16xf32, #tpu.memory_space<hbm>> -> memref<1x8x16xf32, #tpu.memory_space<hbm>>
    %dma_wait3A_31 = arith.constant 0 : i32
    %dma_wait3A_32 = arith.constant 0 : i32
    %dma_wait3A_33 = arith.constant 0 : i32
    %dma_wait3A_34 = tpu.memref_slice %arg6[%dma_wait3A_31, %dma_wait3A_32, %dma_wait3A_33] : memref<32x8x16xf32, #tpu.memory_space<vmem>> -> memref<1x8x16xf32, #tpu.memory_space<vmem>>
    %dma_wait3A_35 = arith.constant 0 : i32
    %dma_wait3A_36 = arith.constant 0 : i32
    %dma_wait3A_37 = arith.constant 0 : i32
    %dma_wait3A_38 = tpu.memref_slice %arg3[%dma_wait3A_35, %dma_wait3A_36, %dma_wait3A_37] : memref<125000x8x16xf32, #tpu.memory_space<hbm>> -> memref<1x8x16xf32, #tpu.memory_space<hbm>>
    tpu.wait_dma2 semaphore(%arg9 : memref<!tpu.dma_semaphore, #tpu.memory_space<semaphore_mem>>) src(%dma_wait3A_38 : memref<1x8x16xf32, #tpu.memory_space<hbm>>) dst(%dma_wait3A_34 : memref<1x8x16xf32, #tpu.memory_space<vmem>>)
    %dma_wait3A_39 = arith.constant 0 : i32
    %dma_wait3A_40 = arith.constant 0 : i32
    %dma_wait3A_41 = arith.constant 0 : i32
    %dma_wait3A_42 = tpu.memref_slice %arg6[%dma_wait3A_39, %dma_wait3A_40, %dma_wait3A_41] : memref<32x8x16xf32, #tpu.memory_space<vmem>> -> memref<1x8x16xf32, #tpu.memory_space<vmem>>
    %dma_wait3A_43 = arith.constant 0 : i32
    %dma_wait3A_44 = arith.constant 0 : i32
    %dma_wait3A_45 = arith.constant 0 : i32
    %dma_wait3A_46 = tpu.memref_slice %arg3[%dma_wait3A_43, %dma_wait3A_44, %dma_wait3A_45] : memref<125000x8x16xf32, #tpu.memory_space<hbm>> -> memref<1x8x16xf32, #tpu.memory_space<hbm>>
    %dma_wait3A_47 = arith.constant 0 : i32
    %dma_wait3A_48 = arith.constant 0 : i32
    %dma_wait3A_49 = arith.constant 0 : i32
    %dma_wait3A_50 = tpu.memref_slice %arg6[%dma_wait3A_47, %dma_wait3A_48, %dma_wait3A_49] : memref<32x8x16xf32, #tpu.memory_space<vmem>> -> memref<1x8x16xf32, #tpu.memory_space<vmem>>
    %dma_wait3A_51 = arith.constant 0 : i32
    %dma_wait3A_52 = arith.constant 0 : i32
    %dma_wait3A_53 = arith.constant 0 : i32
    %dma_wait3A_54 = tpu.memref_slice %arg3[%dma_wait3A_51, %dma_wait3A_52, %dma_wait3A_53] : memref<125000x8x16xf32, #tpu.memory_space<hbm>> -> memref<1x8x16xf32, #tpu.memory_space<hbm>>
    tpu.wait_dma2 semaphore(%arg9 : memref<!tpu.dma_semaphore, #tpu.memory_space<semaphore_mem>>) src(%dma_wait3A_54 : memref<1x8x16xf32, #tpu.memory_space<hbm>>) dst(%dma_wait3A_50 : memref<1x8x16xf32, #tpu.memory_space<vmem>>)
    %dma_wait3A_55 = arith.constant 0 : i32
    %dma_wait3A_56 = arith.constant 0 : i32
    %dma_wait3A_57 = arith.constant 0 : i32
    %dma_wait3A_58 = tpu.memref_slice %arg6[%dma_wait3A_55, %dma_wait3A_56, %dma_wait3A_57] : memref<32x8x16xf32, #tpu.memory_space<vmem>> -> memref<1x8x16xf32, #tpu.memory_space<vmem>>
    %dma_wait3A_59 = arith.constant 0 : i32
    %dma_wait3A_60 = arith.constant 0 : i32
    %dma_wait3A_61 = arith.constant 0 : i32
    %dma_wait3A_62 = tpu.memref_slice %arg3[%dma_wait3A_59, %dma_wait3A_60, %dma_wait3A_61] : memref<125000x8x16xf32, #tpu.memory_space<hbm>> -> memref<1x8x16xf32, #tpu.memory_space<hbm>>
    %dma_wait3A_63 = arith.constant 0 : i32
    %dma_wait3A_64 = arith.constant 0 : i32
    %dma_wait3A_65 = arith.constant 0 : i32
    %dma_wait3A_66 = tpu.memref_slice %arg6[%dma_wait3A_63, %dma_wait3A_64, %dma_wait3A_65] : memref<32x8x16xf32, #tpu.memory_space<vmem>> -> memref<1x8x16xf32, #tpu.memory_space<vmem>>
    %dma_wait3A_67 = arith.constant 0 : i32
    %dma_wait3A_68 = arith.constant 0 : i32
    %dma_wait3A_69 = arith.constant 0 : i32
    %dma_wait3A_70 = tpu.memref_slice %arg3[%dma_wait3A_67, %dma_wait3A_68, %dma_wait3A_69] : memref<125000x8x16xf32, #tpu.memory_space<hbm>> -> memref<1x8x16xf32, #tpu.memory_space<hbm>>
    tpu.wait_dma2 semaphore(%arg9 : memref<!tpu.dma_semaphore, #tpu.memory_space<semaphore_mem>>) src(%dma_wait3A_70 : memref<1x8x16xf32, #tpu.memory_space<hbm>>) dst(%dma_wait3A_66 : memref<1x8x16xf32, #tpu.memory_space<vmem>>)
    %dma_wait3A_71 = arith.constant 0 : i32
    %dma_wait3A_72 = arith.constant 0 : i32
    %dma_wait3A_73 = arith.constant 0 : i32
    %dma_wait3A_74 = tpu.memref_slice %arg6[%dma_wait3A_71, %dma_wait3A_72, %dma_wait3A_73] : memref<32x8x16xf32, #tpu.memory_space<vmem>> -> memref<1x8x16xf32, #tpu.memory_space<vmem>>
    %dma_wait3A_75 = arith.constant 0 : i32
    %dma_wait3A_76 = arith.constant 0 : i32
    %dma_wait3A_77 = arith.constant 0 : i32
    %dma_wait3A_78 = tpu.memref_slice %arg3[%dma_wait3A_75, %dma_wait3A_76, %dma_wait3A_77] : memref<125000x8x16xf32, #tpu.memory_space<hbm>> -> memref<1x8x16xf32, #tpu.memory_space<hbm>>
    %dma_wait3A_79 = arith.constant 0 : i32
    %dma_wait3A_80 = arith.constant 0 : i32
    %dma_wait3A_81 = arith.constant 0 : i32
    %dma_wait3A_82 = tpu.memref_slice %arg6[%dma_wait3A_79, %dma_wait3A_80, %dma_wait3A_81] : memref<32x8x16xf32, #tpu.memory_space<vmem>> -> memref<1x8x16xf32, #tpu.memory_space<vmem>>
    %dma_wait3A_83 = arith.constant 0 : i32
    %dma_wait3A_84 = arith.constant 0 : i32
    %dma_wait3A_85 = arith.constant 0 : i32
    %dma_wait3A_86 = tpu.memref_slice %arg3[%dma_wait3A_83, %dma_wait3A_84, %dma_wait3A_85] : memref<125000x8x16xf32, #tpu.memory_space<hbm>> -> memref<1x8x16xf32, #tpu.memory_space<hbm>>
    tpu.wait_dma2 semaphore(%arg9 : memref<!tpu.dma_semaphore, #tpu.memory_space<semaphore_mem>>) src(%dma_wait3A_86 : memref<1x8x16xf32, #tpu.memory_space<hbm>>) dst(%dma_wait3A_82 : memref<1x8x16xf32, #tpu.memory_space<vmem>>)
    %dma_wait3A_87 = arith.constant 0 : i32
    %dma_wait3A_88 = arith.constant 0 : i32
    %dma_wait3A_89 = arith.constant 0 : i32
    %dma_wait3A_90 = tpu.memref_slice %arg6[%dma_wait3A_87, %dma_wait3A_88, %dma_wait3A_89] : memref<32x8x16xf32, #tpu.memory_space<vmem>> -> memref<1x8x16xf32, #tpu.memory_space<vmem>>
    %dma_wait3A_91 = arith.constant 0 : i32
    %dma_wait3A_92 = arith.constant 0 : i32
    %dma_wait3A_93 = arith.constant 0 : i32
    %dma_wait3A_94 = tpu.memref_slice %arg3[%dma_wait3A_91, %dma_wait3A_92, %dma_wait3A_93] : memref<125000x8x16xf32, #tpu.memory_space<hbm>> -> memref<1x8x16xf32, #tpu.memory_space<hbm>>
    %dma_wait3A_95 = arith.constant 0 : i32
    %dma_wait3A_96 = arith.constant 0 : i32
    %dma_wait3A_97 = arith.constant 0 : i32
    %dma_wait3A_98 = tpu.memref_slice %arg6[%dma_wait3A_95, %dma_wait3A_96, %dma_wait3A_97] : memref<32x8x16xf32, #tpu.memory_space<vmem>> -> memref<1x8x16xf32, #tpu.memory_space<vmem>>
    %dma_wait3A_99 = arith.constant 0 : i32
    %dma_wait3A_100 = arith.constant 0 : i32
    %dma_wait3A_101 = arith.constant 0 : i32
    %dma_wait3A_102 = tpu.memref_slice %arg3[%dma_wait3A_99, %dma_wait3A_100, %dma_wait3A_101] : memref<125000x8x16xf32, #tpu.memory_space<hbm>> -> memref<1x8x16xf32, #tpu.memory_space<hbm>>
    tpu.wait_dma2 semaphore(%arg9 : memref<!tpu.dma_semaphore, #tpu.memory_space<semaphore_mem>>) src(%dma_wait3A_102 : memref<1x8x16xf32, #tpu.memory_space<hbm>>) dst(%dma_wait3A_98 : memref<1x8x16xf32, #tpu.memory_space<vmem>>)
    %dma_wait3A_103 = arith.constant 0 : i32
    %dma_wait3A_104 = arith.constant 0 : i32
    %dma_wait3A_105 = arith.constant 0 : i32
    %dma_wait3A_106 = tpu.memref_slice %arg6[%dma_wait3A_103, %dma_wait3A_104, %dma_wait3A_105] : memref<32x8x16xf32, #tpu.memory_space<vmem>> -> memref<1x8x16xf32, #tpu.memory_space<vmem>>
    %dma_wait3A_107 = arith.constant 0 : i32
    %dma_wait3A_108 = arith.constant 0 : i32
    %dma_wait3A_109 = arith.constant 0 : i32
    %dma_wait3A_110 = tpu.memref_slice %arg3[%dma_wait3A_107, %dma_wait3A_108, %dma_wait3A_109] : memref<125000x8x16xf32, #tpu.memory_space<hbm>> -> memref<1x8x16xf32, #tpu.memory_space<hbm>>
    %dma_wait3A_111 = arith.constant 0 : i32
    %dma_wait3A_112 = arith.constant 0 : i32
    %dma_wait3A_113 = arith.constant 0 : i32
    %dma_wait3A_114 = tpu.memref_slice %arg6[%dma_wait3A_111, %dma_wait3A_112, %dma_wait3A_113] : memref<32x8x16xf32, #tpu.memory_space<vmem>> -> memref<1x8x16xf32, #tpu.memory_space<vmem>>
    %dma_wait3A_115 = arith.constant 0 : i32
    %dma_wait3A_116 = arith.constant 0 : i32
    %dma_wait3A_117 = arith.constant 0 : i32
    %dma_wait3A_118 = tpu.memref_slice %arg3[%dma_wait3A_115, %dma_wait3A_116, %dma_wait3A_117] : memref<125000x8x16xf32, #tpu.memory_space<hbm>> -> memref<1x8x16xf32, #tpu.memory_space<hbm>>
    tpu.wait_dma2 semaphore(%arg9 : memref<!tpu.dma_semaphore, #tpu.memory_space<semaphore_mem>>) src(%dma_wait3A_118 : memref<1x8x16xf32, #tpu.memory_space<hbm>>) dst(%dma_wait3A_114 : memref<1x8x16xf32, #tpu.memory_space<vmem>>)
    %dma_wait3A_119 = arith.constant 0 : i32
    %dma_wait3A_120 = arith.constant 0 : i32
    %dma_wait3A_121 = arith.constant 0 : i32
    %dma_wait3A_122 = tpu.memref_slice %arg6[%dma_wait3A_119, %dma_wait3A_120, %dma_wait3A_121] : memref<32x8x16xf32, #tpu.memory_space<vmem>> -> memref<1x8x16xf32, #tpu.memory_space<vmem>>
    %dma_wait3A_123 = arith.constant 0 : i32
    %dma_wait3A_124 = arith.constant 0 : i32
    %dma_wait3A_125 = arith.constant 0 : i32
    %dma_wait3A_126 = tpu.memref_slice %arg3[%dma_wait3A_123, %dma_wait3A_124, %dma_wait3A_125] : memref<125000x8x16xf32, #tpu.memory_space<hbm>> -> memref<1x8x16xf32, #tpu.memory_space<hbm>>
    %dma_wait3A_127 = arith.constant 0 : i32
    %dma_wait3A_128 = arith.constant 0 : i32
    %dma_wait3A_129 = arith.constant 0 : i32
    %dma_wait3A_130 = tpu.memref_slice %arg6[%dma_wait3A_127, %dma_wait3A_128, %dma_wait3A_129] : memref<32x8x16xf32, #tpu.memory_space<vmem>> -> memref<1x8x16xf32, #tpu.memory_space<vmem>>
    %dma_wait3A_131 = arith.constant 0 : i32
    %dma_wait3A_132 = arith.constant 0 : i32
    %dma_wait3A_133 = arith.constant 0 : i32
    %dma_wait3A_134 = tpu.memref_slice %arg3[%dma_wait3A_131, %dma_wait3A_132, %dma_wait3A_133] : memref<125000x8x16xf32, #tpu.memory_space<hbm>> -> memref<1x8x16xf32, #tpu.memory_space<hbm>>
    tpu.wait_dma2 semaphore(%arg9 : memref<!tpu.dma_semaphore, #tpu.memory_space<semaphore_mem>>) src(%dma_wait3A_134 : memref<1x8x16xf32, #tpu.memory_space<hbm>>) dst(%dma_wait3A_130 : memref<1x8x16xf32, #tpu.memory_space<vmem>>)
    %dma_wait3A_135 = arith.constant 0 : i32
    %dma_wait3A_136 = arith.constant 0 : i32
    %dma_wait3A_137 = arith.constant 0 : i32
    %dma_wait3A_138 = tpu.memref_slice %arg6[%dma_wait3A_135, %dma_wait3A_136, %dma_wait3A_137] : memref<32x8x16xf32, #tpu.memory_space<vmem>> -> memref<1x8x16xf32, #tpu.memory_space<vmem>>
    %dma_wait3A_139 = arith.constant 0 : i32
    %dma_wait3A_140 = arith.constant 0 : i32
    %dma_wait3A_141 = arith.constant 0 : i32
    %dma_wait3A_142 = tpu.memref_slice %arg3[%dma_wait3A_139, %dma_wait3A_140, %dma_wait3A_141] : memref<125000x8x16xf32, #tpu.memory_space<hbm>> -> memref<1x8x16xf32, #tpu.memory_space<hbm>>
    %dma_wait3A_143 = arith.constant 0 : i32
    %dma_wait3A_144 = arith.constant 0 : i32
    %dma_wait3A_145 = arith.constant 0 : i32
    %dma_wait3A_146 = tpu.memref_slice %arg6[%dma_wait3A_143, %dma_wait3A_144, %dma_wait3A_145] : memref<32x8x16xf32, #tpu.memory_space<vmem>> -> memref<1x8x16xf32, #tpu.memory_space<vmem>>
    %dma_wait3A_147 = arith.constant 0 : i32
    %dma_wait3A_148 = arith.constant 0 : i32
    %dma_wait3A_149 = arith.constant 0 : i32
    %dma_wait3A_150 = tpu.memref_slice %arg3[%dma_wait3A_147, %dma_wait3A_148, %dma_wait3A_149] : memref<125000x8x16xf32, #tpu.memory_space<hbm>> -> memref<1x8x16xf32, #tpu.memory_space<hbm>>
    tpu.wait_dma2 semaphore(%arg9 : memref<!tpu.dma_semaphore, #tpu.memory_space<semaphore_mem>>) src(%dma_wait3A_150 : memref<1x8x16xf32, #tpu.memory_space<hbm>>) dst(%dma_wait3A_146 : memref<1x8x16xf32, #tpu.memory_space<vmem>>)
    %dma_wait3A_151 = arith.constant 0 : i32
    %dma_wait3A_152 = arith.constant 0 : i32
    %dma_wait3A_153 = arith.constant 0 : i32
    %dma_wait3A_154 = tpu.memref_slice %arg6[%dma_wait3A_151, %dma_wait3A_152, %dma_wait3A_153] : memref<32x8x16xf32, #tpu.memory_space<vmem>> -> memref<1x8x16xf32, #tpu.memory_space<vmem>>
    %dma_wait3A_155 = arith.constant 0 : i32
    %dma_wait3A_156 = arith.constant 0 : i32
    %dma_wait3A_157 = arith.constant 0 : i32
    %dma_wait3A_158 = tpu.memref_slice %arg3[%dma_wait3A_155, %dma_wait3A_156, %dma_wait3A_157] : memref<125000x8x16xf32, #tpu.memory_space<hbm>> -> memref<1x8x16xf32, #tpu.memory_space<hbm>>
    %dma_wait3A_159 = arith.constant 0 : i32
    %dma_wait3A_160 = arith.constant 0 : i32
    %dma_wait3A_161 = arith.constant 0 : i32
    %dma_wait3A_162 = tpu.memref_slice %arg6[%dma_wait3A_159, %dma_wait3A_160, %dma_wait3A_161] : memref<32x8x16xf32, #tpu.memory_space<vmem>> -> memref<1x8x16xf32, #tpu.memory_space<vmem>>
    %dma_wait3A_163 = arith.constant 0 : i32
    %dma_wait3A_164 = arith.constant 0 : i32
    %dma_wait3A_165 = arith.constant 0 : i32
    %dma_wait3A_166 = tpu.memref_slice %arg3[%dma_wait3A_163, %dma_wait3A_164, %dma_wait3A_165] : memref<125000x8x16xf32, #tpu.memory_space<hbm>> -> memref<1x8x16xf32, #tpu.memory_space<hbm>>
    tpu.wait_dma2 semaphore(%arg9 : memref<!tpu.dma_semaphore, #tpu.memory_space<semaphore_mem>>) src(%dma_wait3A_166 : memref<1x8x16xf32, #tpu.memory_space<hbm>>) dst(%dma_wait3A_162 : memref<1x8x16xf32, #tpu.memory_space<vmem>>)
    %dma_wait3A_167 = arith.constant 0 : i32
    %dma_wait3A_168 = arith.constant 0 : i32
    %dma_wait3A_169 = arith.constant 0 : i32
    %dma_wait3A_170 = tpu.memref_slice %arg6[%dma_wait3A_167, %dma_wait3A_168, %dma_wait3A_169] : memref<32x8x16xf32, #tpu.memory_space<vmem>> -> memref<1x8x16xf32, #tpu.memory_space<vmem>>
    %dma_wait3A_171 = arith.constant 0 : i32
    %dma_wait3A_172 = arith.constant 0 : i32
    %dma_wait3A_173 = arith.constant 0 : i32
    %dma_wait3A_174 = tpu.memref_slice %arg3[%dma_wait3A_171, %dma_wait3A_172, %dma_wait3A_173] : memref<125000x8x16xf32, #tpu.memory_space<hbm>> -> memref<1x8x16xf32, #tpu.memory_space<hbm>>
    %dma_wait3A_175 = arith.constant 0 : i32
    %dma_wait3A_176 = arith.constant 0 : i32
    %dma_wait3A_177 = arith.constant 0 : i32
    %dma_wait3A_178 = tpu.memref_slice %arg6[%dma_wait3A_175, %dma_wait3A_176, %dma_wait3A_177] : memref<32x8x16xf32, #tpu.memory_space<vmem>> -> memref<1x8x16xf32, #tpu.memory_space<vmem>>
    %dma_wait3A_179 = arith.constant 0 : i32
    %dma_wait3A_180 = arith.constant 0 : i32
    %dma_wait3A_181 = arith.constant 0 : i32
    %dma_wait3A_182 = tpu.memref_slice %arg3[%dma_wait3A_179, %dma_wait3A_180, %dma_wait3A_181] : memref<125000x8x16xf32, #tpu.memory_space<hbm>> -> memref<1x8x16xf32, #tpu.memory_space<hbm>>
    tpu.wait_dma2 semaphore(%arg9 : memref<!tpu.dma_semaphore, #tpu.memory_space<semaphore_mem>>) src(%dma_wait3A_182 : memref<1x8x16xf32, #tpu.memory_space<hbm>>) dst(%dma_wait3A_178 : memref<1x8x16xf32, #tpu.memory_space<vmem>>)
    %dma_wait3A_183 = arith.constant 0 : i32
    %dma_wait3A_184 = arith.constant 0 : i32
    %dma_wait3A_185 = arith.constant 0 : i32
    %dma_wait3A_186 = tpu.memref_slice %arg6[%dma_wait3A_183, %dma_wait3A_184, %dma_wait3A_185] : memref<32x8x16xf32, #tpu.memory_space<vmem>> -> memref<1x8x16xf32, #tpu.memory_space<vmem>>
    %dma_wait3A_187 = arith.constant 0 : i32
    %dma_wait3A_188 = arith.constant 0 : i32
    %dma_wait3A_189 = arith.constant 0 : i32
    %dma_wait3A_190 = tpu.memref_slice %arg3[%dma_wait3A_187, %dma_wait3A_188, %dma_wait3A_189] : memref<125000x8x16xf32, #tpu.memory_space<hbm>> -> memref<1x8x16xf32, #tpu.memory_space<hbm>>
    %dma_wait3A_191 = arith.constant 0 : i32
    %dma_wait3A_192 = arith.constant 0 : i32
    %dma_wait3A_193 = arith.constant 0 : i32
    %dma_wait3A_194 = tpu.memref_slice %arg6[%dma_wait3A_191, %dma_wait3A_192, %dma_wait3A_193] : memref<32x8x16xf32, #tpu.memory_space<vmem>> -> memref<1x8x16xf32, #tpu.memory_space<vmem>>
    %dma_wait3A_195 = arith.constant 0 : i32
    %dma_wait3A_196 = arith.constant 0 : i32
    %dma_wait3A_197 = arith.constant 0 : i32
    %dma_wait3A_198 = tpu.memref_slice %arg3[%dma_wait3A_195, %dma_wait3A_196, %dma_wait3A_197] : memref<125000x8x16xf32, #tpu.memory_space<hbm>> -> memref<1x8x16xf32, #tpu.memory_space<hbm>>
    tpu.wait_dma2 semaphore(%arg9 : memref<!tpu.dma_semaphore, #tpu.memory_space<semaphore_mem>>) src(%dma_wait3A_198 : memref<1x8x16xf32, #tpu.memory_space<hbm>>) dst(%dma_wait3A_194 : memref<1x8x16xf32, #tpu.memory_space<vmem>>)
    %dma_wait3A_199 = arith.constant 0 : i32
    %dma_wait3A_200 = arith.constant 0 : i32
    %dma_wait3A_201 = arith.constant 0 : i32
    %dma_wait3A_202 = tpu.memref_slice %arg6[%dma_wait3A_199, %dma_wait3A_200, %dma_wait3A_201] : memref<32x8x16xf32, #tpu.memory_space<vmem>> -> memref<1x8x16xf32, #tpu.memory_space<vmem>>
    %dma_wait3A_203 = arith.constant 0 : i32
    %dma_wait3A_204 = arith.constant 0 : i32
    %dma_wait3A_205 = arith.constant 0 : i32
    %dma_wait3A_206 = tpu.memref_slice %arg3[%dma_wait3A_203, %dma_wait3A_204, %dma_wait3A_205] : memref<125000x8x16xf32, #tpu.memory_space<hbm>> -> memref<1x8x16xf32, #tpu.memory_space<hbm>>
    %dma_wait3A_207 = arith.constant 0 : i32
    %dma_wait3A_208 = arith.constant 0 : i32
    %dma_wait3A_209 = arith.constant 0 : i32
    %dma_wait3A_210 = tpu.memref_slice %arg6[%dma_wait3A_207, %dma_wait3A_208, %dma_wait3A_209] : memref<32x8x16xf32, #tpu.memory_space<vmem>> -> memref<1x8x16xf32, #tpu.memory_space<vmem>>
    %dma_wait3A_211 = arith.constant 0 : i32
    %dma_wait3A_212 = arith.constant 0 : i32
    %dma_wait3A_213 = arith.constant 0 : i32
    %dma_wait3A_214 = tpu.memref_slice %arg3[%dma_wait3A_211, %dma_wait3A_212, %dma_wait3A_213] : memref<125000x8x16xf32, #tpu.memory_space<hbm>> -> memref<1x8x16xf32, #tpu.memory_space<hbm>>
    tpu.wait_dma2 semaphore(%arg9 : memref<!tpu.dma_semaphore, #tpu.memory_space<semaphore_mem>>) src(%dma_wait3A_214 : memref<1x8x16xf32, #tpu.memory_space<hbm>>) dst(%dma_wait3A_210 : memref<1x8x16xf32, #tpu.memory_space<vmem>>)
    %dma_wait3A_215 = arith.constant 0 : i32
    %dma_wait3A_216 = arith.constant 0 : i32
    %dma_wait3A_217 = arith.constant 0 : i32
    %dma_wait3A_218 = tpu.memref_slice %arg6[%dma_wait3A_215, %dma_wait3A_216, %dma_wait3A_217] : memref<32x8x16xf32, #tpu.memory_space<vmem>> -> memref<1x8x16xf32, #tpu.memory_space<vmem>>
    %dma_wait3A_219 = arith.constant 0 : i32
    %dma_wait3A_220 = arith.constant 0 : i32
    %dma_wait3A_221 = arith.constant 0 : i32
    %dma_wait3A_222 = tpu.memref_slice %arg3[%dma_wait3A_219, %dma_wait3A_220, %dma_wait3A_221] : memref<125000x8x16xf32, #tpu.memory_space<hbm>> -> memref<1x8x16xf32, #tpu.memory_space<hbm>>
    %dma_wait3A_223 = arith.constant 0 : i32
    %dma_wait3A_224 = arith.constant 0 : i32
    %dma_wait3A_225 = arith.constant 0 : i32
    %dma_wait3A_226 = tpu.memref_slice %arg6[%dma_wait3A_223, %dma_wait3A_224, %dma_wait3A_225] : memref<32x8x16xf32, #tpu.memory_space<vmem>> -> memref<1x8x16xf32, #tpu.memory_space<vmem>>
    %dma_wait3A_227 = arith.constant 0 : i32
    %dma_wait3A_228 = arith.constant 0 : i32
    %dma_wait3A_229 = arith.constant 0 : i32
    %dma_wait3A_230 = tpu.memref_slice %arg3[%dma_wait3A_227, %dma_wait3A_228, %dma_wait3A_229] : memref<125000x8x16xf32, #tpu.memory_space<hbm>> -> memref<1x8x16xf32, #tpu.memory_space<hbm>>
    tpu.wait_dma2 semaphore(%arg9 : memref<!tpu.dma_semaphore, #tpu.memory_space<semaphore_mem>>) src(%dma_wait3A_230 : memref<1x8x16xf32, #tpu.memory_space<hbm>>) dst(%dma_wait3A_226 : memref<1x8x16xf32, #tpu.memory_space<vmem>>)
    %dma_wait3A_231 = arith.constant 0 : i32
    %dma_wait3A_232 = arith.constant 0 : i32
    %dma_wait3A_233 = arith.constant 0 : i32
    %dma_wait3A_234 = tpu.memref_slice %arg6[%dma_wait3A_231, %dma_wait3A_232, %dma_wait3A_233] : memref<32x8x16xf32, #tpu.memory_space<vmem>> -> memref<1x8x16xf32, #tpu.memory_space<vmem>>
    %dma_wait3A_235 = arith.constant 0 : i32
    %dma_wait3A_236 = arith.constant 0 : i32
    %dma_wait3A_237 = arith.constant 0 : i32
    %dma_wait3A_238 = tpu.memref_slice %arg3[%dma_wait3A_235, %dma_wait3A_236, %dma_wait3A_237] : memref<125000x8x16xf32, #tpu.memory_space<hbm>> -> memref<1x8x16xf32, #tpu.memory_space<hbm>>
    %dma_wait3A_239 = arith.constant 0 : i32
    %dma_wait3A_240 = arith.constant 0 : i32
    %dma_wait3A_241 = arith.constant 0 : i32
    %dma_wait3A_242 = tpu.memref_slice %arg6[%dma_wait3A_239, %dma_wait3A_240, %dma_wait3A_241] : memref<32x8x16xf32, #tpu.memory_space<vmem>> -> memref<1x8x16xf32, #tpu.memory_space<vmem>>
    %dma_wait3A_243 = arith.constant 0 : i32
    %dma_wait3A_244 = arith.constant 0 : i32
    %dma_wait3A_245 = arith.constant 0 : i32
    %dma_wait3A_246 = tpu.memref_slice %arg3[%dma_wait3A_243, %dma_wait3A_244, %dma_wait3A_245] : memref<125000x8x16xf32, #tpu.memory_space<hbm>> -> memref<1x8x16xf32, #tpu.memory_space<hbm>>
    tpu.wait_dma2 semaphore(%arg9 : memref<!tpu.dma_semaphore, #tpu.memory_space<semaphore_mem>>) src(%dma_wait3A_246 : memref<1x8x16xf32, #tpu.memory_space<hbm>>) dst(%dma_wait3A_242 : memref<1x8x16xf32, #tpu.memory_space<vmem>>)
    %dma_wait3A_247 = arith.constant 0 : i32
    %dma_wait3A_248 = arith.constant 0 : i32
    %dma_wait3A_249 = arith.constant 0 : i32
    %dma_wait3A_250 = tpu.memref_slice %arg6[%dma_wait3A_247, %dma_wait3A_248, %dma_wait3A_249] : memref<32x8x16xf32, #tpu.memory_space<vmem>> -> memref<1x8x16xf32, #tpu.memory_space<vmem>>
    %dma_wait3A_251 = arith.constant 0 : i32
    %dma_wait3A_252 = arith.constant 0 : i32
    %dma_wait3A_253 = arith.constant 0 : i32
    %dma_wait3A_254 = tpu.memref_slice %arg3[%dma_wait3A_251, %dma_wait3A_252, %dma_wait3A_253] : memref<125000x8x16xf32, #tpu.memory_space<hbm>> -> memref<1x8x16xf32, #tpu.memory_space<hbm>>
    %dma_wait3A_255 = arith.constant 0 : i32
    %dma_wait3A_256 = arith.constant 0 : i32
    %dma_wait3A_257 = arith.constant 0 : i32
    %dma_wait3A_258 = tpu.memref_slice %arg6[%dma_wait3A_255, %dma_wait3A_256, %dma_wait3A_257] : memref<32x8x16xf32, #tpu.memory_space<vmem>> -> memref<1x8x16xf32, #tpu.memory_space<vmem>>
    %dma_wait3A_259 = arith.constant 0 : i32
    %dma_wait3A_260 = arith.constant 0 : i32
    %dma_wait3A_261 = arith.constant 0 : i32
    %dma_wait3A_262 = tpu.memref_slice %arg3[%dma_wait3A_259, %dma_wait3A_260, %dma_wait3A_261] : memref<125000x8x16xf32, #tpu.memory_space<hbm>> -> memref<1x8x16xf32, #tpu.memory_space<hbm>>
    tpu.wait_dma2 semaphore(%arg9 : memref<!tpu.dma_semaphore, #tpu.memory_space<semaphore_mem>>) src(%dma_wait3A_262 : memref<1x8x16xf32, #tpu.memory_space<hbm>>) dst(%dma_wait3A_258 : memref<1x8x16xf32, #tpu.memory_space<vmem>>)
    %get3A = arith.constant 496 : index
    %get3A_263 = tpu.vector_load %arg5[%get3A] {strides = array<i32>} : memref<512xi32, #tpu.memory_space<vmem>>, vector<16xi32>,
    %and3A = arith.constant 7 : i32
    %and3A_264 = vector.broadcast %and3A : i32 to vector<16xi32>
    %and3A_265 = arith.andi %get3A_263, %and3A_264 : vector<16xi32>
    %add3A_266 = arith.constant 16 : i32
    %add3A_267 = vector.broadcast %add3A_266 : i32 to vector<16xi32>
    %add3A_268 = arith.addi %add3A_267, %iota3A : vector<16xi32>
    %add3A_269 = arith.constant 496 : i32
    %add3A_270 = vector.broadcast %add3A_269 : i32 to vector<16xi32>
    %add3A_271 = arith.addi %add3A_270, %iota3A : vector<16xi32>
    %broadcast_in_dim3A = arith.constant 0 : i32
    %broadcast_in_dim3A_272 = vector.broadcast %broadcast_in_dim3A : i32 to vector<16xi32>
    %gather3A = tpu.vector_load_idx %arg6[%add3A_268, %and3A_265, %broadcast_in_dim3A_272] : memref<32x8x16xf32, #tpu.memory_space<vmem>>[vector<16xi32>, vector<16xi32>, vector<16xi32>], vector<16xf32>,
    tpu.vector_store_idx %arg7[%add3A_271, %broadcast_in_dim3A_272], %gather3A : memref<512x16xf32, #tpu.memory_space<vmem>>[vector<16xi32>, vector<16xi32>], vector<16xf32>,
    %broadcast_in_dim3A_273 = arith.constant 1 : i32
    %broadcast_in_dim3A_274 = vector.broadcast %broadcast_in_dim3A_273 : i32 to vector<16xi32>
    %gather3A_275 = tpu.vector_load_idx %arg6[%add3A_268, %and3A_265, %broadcast_in_dim3A_274] : memref<32x8x16xf32, #tpu.memory_space<vmem>>[vector<16xi32>, vector<16xi32>, vector<16xi32>], vector<16xf32>,
    tpu.vector_store_idx %arg7[%add3A_271, %broadcast_in_dim3A_274], %gather3A_275 : memref<512x16xf32, #tpu.memory_space<vmem>>[vector<16xi32>, vector<16xi32>], vector<16xf32>,
    %broadcast_in_dim3A_276 = arith.constant 2 : i32
    %broadcast_in_dim3A_277 = vector.broadcast %broadcast_in_dim3A_276 : i32 to vector<16xi32>
    %gather3A_278 = tpu.vector_load_idx %arg6[%add3A_268, %and3A_265, %broadcast_in_dim3A_277] : memref<32x8x16xf32, #tpu.memory_space<vmem>>[vector<16xi32>, vector<16xi32>, vector<16xi32>], vector<16xf32>,
    tpu.vector_store_idx %arg7[%add3A_271, %broadcast_in_dim3A_277], %gather3A_278 : memref<512x16xf32, #tpu.memory_space<vmem>>[vector<16xi32>, vector<16xi32>], vector<16xf32>,
    %broadcast_in_dim3A_279 = arith.constant 3 : i32
    %broadcast_in_dim3A_280 = vector.broadcast %broadcast_in_dim3A_279 : i32 to vector<16xi32>
    %gather3A_281 = tpu.vector_load_idx %arg6[%add3A_268, %and3A_265, %broadcast_in_dim3A_280] : memref<32x8x16xf32, #tpu.memory_space<vmem>>[vector<16xi32>, vector<16xi32>, vector<16xi32>], vector<16xf32>,
    tpu.vector_store_idx %arg7[%add3A_271, %broadcast_in_dim3A_280], %gather3A_281 : memref<512x16xf32, #tpu.memory_space<vmem>>[vector<16xi32>, vector<16xi32>], vector<16xf32>,
    %broadcast_in_dim3A_282 = arith.constant 4 : i32
    %broadcast_in_dim3A_283 = vector.broadcast %broadcast_in_dim3A_282 : i32 to vector<16xi32>
    %gather3A_284 = tpu.vector_load_idx %arg6[%add3A_268, %and3A_265, %broadcast_in_dim3A_283] : memref<32x8x16xf32, #tpu.memory_space<vmem>>[vector<16xi32>, vector<16xi32>, vector<16xi32>], vector<16xf32>,
    tpu.vector_store_idx %arg7[%add3A_271, %broadcast_in_dim3A_283], %gather3A_284 : memref<512x16xf32, #tpu.memory_space<vmem>>[vector<16xi32>, vector<16xi32>], vector<16xf32>,
    %broadcast_in_dim3A_285 = arith.constant 5 : i32
    %broadcast_in_dim3A_286 = vector.broadcast %broadcast_in_dim3A_285 : i32 to vector<16xi32>
    %gather3A_287 = tpu.vector_load_idx %arg6[%add3A_268, %and3A_265, %broadcast_in_dim3A_286] : memref<32x8x16xf32, #tpu.memory_space<vmem>>[vector<16xi32>, vector<16xi32>, vector<16xi32>], vector<16xf32>,
    tpu.vector_store_idx %arg7[%add3A_271, %broadcast_in_dim3A_286], %gather3A_287 : memref<512x16xf32, #tpu.memory_space<vmem>>[vector<16xi32>, vector<16xi32>], vector<16xf32>,
    %broadcast_in_dim3A_288 = arith.constant 6 : i32
    %broadcast_in_dim3A_289 = vector.broadcast %broadcast_in_dim3A_288 : i32 to vector<16xi32>
    %gather3A_290 = tpu.vector_load_idx %arg6[%add3A_268, %and3A_265, %broadcast_in_dim3A_289] : memref<32x8x16xf32, #tpu.memory_space<vmem>>[vector<16xi32>, vector<16xi32>, vector<16xi32>], vector<16xf32>,
    tpu.vector_store_idx %arg7[%add3A_271, %broadcast_in_dim3A_289], %gather3A_290 : memref<512x16xf32, #tpu.memory_space<vmem>>[vector<16xi32>, vector<16xi32>], vector<16xf32>,
    %broadcast_in_dim3A_291 = arith.constant 7 : i32
    %broadcast_in_dim3A_292 = vector.broadcast %broadcast_in_dim3A_291 : i32 to vector<16xi32>
    %gather3A_293 = tpu.vector_load_idx %arg6[%add3A_268, %and3A_265, %broadcast_in_dim3A_292] : memref<32x8x16xf32, #tpu.memory_space<vmem>>[vector<16xi32>, vector<16xi32>, vector<16xi32>], vector<16xf32>,
    tpu.vector_store_idx %arg7[%add3A_271, %broadcast_in_dim3A_292], %gather3A_293 : memref<512x16xf32, #tpu.memory_space<vmem>>[vector<16xi32>, vector<16xi32>], vector<16xf32>,
    %broadcast_in_dim3A_294 = arith.constant 8 : i32
    %broadcast_in_dim3A_295 = vector.broadcast %broadcast_in_dim3A_294 : i32 to vector<16xi32>
    %gather3A_296 = tpu.vector_load_idx %arg6[%add3A_268, %and3A_265, %broadcast_in_dim3A_295] : memref<32x8x16xf32, #tpu.memory_space<vmem>>[vector<16xi32>, vector<16xi32>, vector<16xi32>], vector<16xf32>,
    tpu.vector_store_idx %arg7[%add3A_271, %broadcast_in_dim3A_295], %gather3A_296 : memref<512x16xf32, #tpu.memory_space<vmem>>[vector<16xi32>, vector<16xi32>], vector<16xf32>,
    %broadcast_in_dim3A_297 = arith.constant 9 : i32
    %broadcast_in_dim3A_298 = vector.broadcast %broadcast_in_dim3A_297 : i32 to vector<16xi32>
    %gather3A_299 = tpu.vector_load_idx %arg6[%add3A_268, %and3A_265, %broadcast_in_dim3A_298] : memref<32x8x16xf32, #tpu.memory_space<vmem>>[vector<16xi32>, vector<16xi32>, vector<16xi32>], vector<16xf32>,
    tpu.vector_store_idx %arg7[%add3A_271, %broadcast_in_dim3A_298], %gather3A_299 : memref<512x16xf32, #tpu.memory_space<vmem>>[vector<16xi32>, vector<16xi32>], vector<16xf32>,
    %broadcast_in_dim3A_300 = arith.constant 10 : i32
    %broadcast_in_dim3A_301 = vector.broadcast %broadcast_in_dim3A_300 : i32 to vector<16xi32>
    %gather3A_302 = tpu.vector_load_idx %arg6[%add3A_268, %and3A_265, %broadcast_in_dim3A_301] : memref<32x8x16xf32, #tpu.memory_space<vmem>>[vector<16xi32>, vector<16xi32>, vector<16xi32>], vector<16xf32>,
    tpu.vector_store_idx %arg7[%add3A_271, %broadcast_in_dim3A_301], %gather3A_302 : memref<512x16xf32, #tpu.memory_space<vmem>>[vector<16xi32>, vector<16xi32>], vector<16xf32>,
    %broadcast_in_dim3A_303 = arith.constant 11 : i32
    %broadcast_in_dim3A_304 = vector.broadcast %broadcast_in_dim3A_303 : i32 to vector<16xi32>
    %gather3A_305 = tpu.vector_load_idx %arg6[%add3A_268, %and3A_265, %broadcast_in_dim3A_304] : memref<32x8x16xf32, #tpu.memory_space<vmem>>[vector<16xi32>, vector<16xi32>, vector<16xi32>], vector<16xf32>,
    tpu.vector_store_idx %arg7[%add3A_271, %broadcast_in_dim3A_304], %gather3A_305 : memref<512x16xf32, #tpu.memory_space<vmem>>[vector<16xi32>, vector<16xi32>], vector<16xf32>,
    %broadcast_in_dim3A_306 = arith.constant 12 : i32
    %broadcast_in_dim3A_307 = vector.broadcast %broadcast_in_dim3A_306 : i32 to vector<16xi32>
    %gather3A_308 = tpu.vector_load_idx %arg6[%add3A_268, %and3A_265, %broadcast_in_dim3A_307] : memref<32x8x16xf32, #tpu.memory_space<vmem>>[vector<16xi32>, vector<16xi32>, vector<16xi32>], vector<16xf32>,
    tpu.vector_store_idx %arg7[%add3A_271, %broadcast_in_dim3A_307], %gather3A_308 : memref<512x16xf32, #tpu.memory_space<vmem>>[vector<16xi32>, vector<16xi32>], vector<16xf32>,
    %broadcast_in_dim3A_309 = arith.constant 13 : i32
    %broadcast_in_dim3A_310 = vector.broadcast %broadcast_in_dim3A_309 : i32 to vector<16xi32>
    %gather3A_311 = tpu.vector_load_idx %arg6[%add3A_268, %and3A_265, %broadcast_in_dim3A_310] : memref<32x8x16xf32, #tpu.memory_space<vmem>>[vector<16xi32>, vector<16xi32>, vector<16xi32>], vector<16xf32>,
    tpu.vector_store_idx %arg7[%add3A_271, %broadcast_in_dim3A_310], %gather3A_311 : memref<512x16xf32, #tpu.memory_space<vmem>>[vector<16xi32>, vector<16xi32>], vector<16xf32>,
    %broadcast_in_dim3A_312 = arith.constant 14 : i32
    %broadcast_in_dim3A_313 = vector.broadcast %broadcast_in_dim3A_312 : i32 to vector<16xi32>
    %gather3A_314 = tpu.vector_load_idx %arg6[%add3A_268, %and3A_265, %broadcast_in_dim3A_313] : memref<32x8x16xf32, #tpu.memory_space<vmem>>[vector<16xi32>, vector<16xi32>, vector<16xi32>], vector<16xf32>,
    tpu.vector_store_idx %arg7[%add3A_271, %broadcast_in_dim3A_313], %gather3A_314 : memref<512x16xf32, #tpu.memory_space<vmem>>[vector<16xi32>, vector<16xi32>], vector<16xf32>,
    %broadcast_in_dim3A_315 = arith.constant 15 : i32
    %broadcast_in_dim3A_316 = vector.broadcast %broadcast_in_dim3A_315 : i32 to vector<16xi32>
    %gather3A_317 = tpu.vector_load_idx %arg6[%add3A_268, %and3A_265, %broadcast_in_dim3A_316] : memref<32x8x16xf32, #tpu.memory_space<vmem>>[vector<16xi32>, vector<16xi32>, vector<16xi32>], vector<16xf32>,
    tpu.vector_store_idx %arg7[%add3A_271, %broadcast_in_dim3A_316], %gather3A_317 : memref<512x16xf32, #tpu.memory_space<vmem>>[vector<16xi32>, vector<16xi32>], vector<16xf32>,
    "tpu.region"() ({
      %run_scoped3A = tpu.sem_alloc : memref<!tpu.dma_semaphore, #tpu.memory_space<semaphore_mem>>
      %dma_start3A = arith.constant 0 : i32
      %dma_start3A_318 = tpu.memref_slice %arg4[%mul3A_2, %dma_start3A] : memref<16384x16xf32, #tpu.memory_space<hbm>> -> memref<512x16xf32, #tpu.memory_space<hbm>>
      %dma_start3A_319 = arith.constant 0 : i32
      %dma_start3A_320 = tpu.memref_slice %arg4[%mul3A_2, %dma_start3A_319] : memref<16384x16xf32, #tpu.memory_space<hbm>> -> memref<512x16xf32, #tpu.memory_space<hbm>>
      tpu.enqueue_dma source(%arg7 : memref<512x16xf32, #tpu.memory_space<vmem>>) target(%dma_start3A_320 : memref<512x16xf32, #tpu.memory_space<hbm>>) target_semaphore(%run_scoped3A : memref<!tpu.dma_semaphore, #tpu.memory_space<semaphore_mem>>)
      %dma_wait3A_321 = arith.constant 0 : i32
      %dma_wait3A_322 = tpu.memref_slice %arg4[%mul3A_2, %dma_wait3A_321] : memref<16384x16xf32, #tpu.memory_space<hbm>> -> memref<512x16xf32, #tpu.memory_space<hbm>>
      %dma_wait3A_323 = arith.constant 0 : i32
      %dma_wait3A_324 = tpu.memref_slice %arg4[%mul3A_2, %dma_wait3A_323] : memref<16384x16xf32, #tpu.memory_space<hbm>> -> memref<512x16xf32, #tpu.memory_space<hbm>>
      tpu.wait_dma2 semaphore(%run_scoped3A : memref<!tpu.dma_semaphore, #tpu.memory_space<semaphore_mem>>) src(%arg7 : memref<512x16xf32, #tpu.memory_space<vmem>>) dst(%dma_wait3A_324 : memref<512x16xf32, #tpu.memory_space<hbm>>)
      tpu.yield
    }) : () -> ()
    return
  }
}

</mosaic_0001>

<sc_bundles>
// kernel: kernel.3.cloned.1.call-start
scs
__scs_entry_jumppad:
0x0: {  	(pc) =	sbr.rel $0x88, $3  }
0x1: {  	(tag) =	ssettag $0x0;
	lr =	simm.s32 $0x1  }
0x2: {  	[smem:$0x3F9F] =	sst lr;
	_ =	strace $0xD0000000  }
0x3: {  	_ = 	snop  }
0x4: {  	_ = 	snop  }
0x5: {  	_ = 	snop  }
0x6: {  	_ = 	snop  }
0x7: {  	_ = 	snop  }
__scs_overlays_trampoline_lowered:
0x8: {  	[smem:$0x3FAE] =	sst s0  }
0x9: {  	[smem:$0x3FAF] =	sst s1  }
0xa: {  	[smem:$0x3FB0] =	sst s2  }
0xb: {  	[smem:$0x3FB1] =	sst s3  }
0xc: {  	[smem:$0x3FB2] =	sst s4  }
0xd: {  	[smem:$0x3FB3] =	sst s5  }
0xe: {  	[smem:$0x3FB4] =	sst s6  }
0xf: {  	[smem:$0x3FB5] =	sst s7  }
0x10: {  	[smem:$0x3FB6] =	sst s8  }
0x11: {  	[smem:$0x3FB7] =	sst s9;
	s0 =	simm.s32 @!p0 $0x0  }
0x12: {  	s1 =	sld [smem:$0x3F9D];
	s0 =	simm.s32 @p0 $0x1  }
0x13: {  	[smem:$0x3FB8] =	sst s0;
	s0 =	simm.s32 @!p1 $0x0  }
0x14: {  	s2 =	sld [smem:$0x3F9C];
	s0 =	simm.s32 @p1 $0x1  }
0x15: {  	[smem:$0x3FB9] =	sst s0;
	s0 =	simm.s32 @!p2 $0x0  }
0x16: {  	s3 =	sld [smem:$0x3FDB];
	s0 =	simm.s32 @p2 $0x1  }
0x17: {  	s4 =	simm.s32 $0x1BF5;
	[smem:$0x3FBB] =	sst s0  }
0x18: {  	s0 =	sld [smem:$0x3F9E];
	_ =	swait.ge [sflag:s4], $0x0  }
0x19: {  	s7 =	sld [smem:$0x3F9F]  }
0x1a: {  	s8 =	sadd.s32 $0xFFFFE003, lr  }
0x1b: {  	s9 =	sadd.s32 $0xFFFFFEF7, lr;
	s5 =	simm.s32 $0xFFFFFFFF;
	p2 =	slt.u32 s8, $0xFFFFF086  }
0x1c: {  	p1 =	slt.u32 s9, $0xF7A;
	s5 =	simm.s32 @!p2 $0x0  }
0x1d: {  	s5 =	simm.s32 @p1 $0x1;
	p0 =	seq.s32 s7, s2  }
0x1e: {  	s7 =	smul.u32 @!p0 $0xF7A, s2;
	p2 =	seq.s32 @!p0 s5, $0x0  }
0x1f: {  	s9 =	smul.u32 $0xF7A, s1;
	s8 =	simm.s32 @!p0 $0x1BF5;
	p2 =	por !p2, p0  }
0x20: {  	[sflag:s8] =	ssyncset.s32 @!p0 $0xFFFFF086;
	s6 =	sadd.s32 @!p0 s3, s7;
	s7 =	simm.s32 @!p0 $0x108  }
0x21: {  	s3 =	sadd.s32 s3, s9;
	s6 =	sadd.s32 @!p0 $0x88, s6;
	s7 =	simm.s32 @p2 $0x1082  }
0x22: {  	[simem:s7], [sflag:s8] =	dma.local @!p0 [hbm:s6], $0xF7A  }
0x23: {  	s9 =	sor.u32 $0xD0000000, s2;
	s6 =	simm.s32 $0x108;
	_ =	swait.ge @!p0 [sflag:s8], $0x0  }
0x24: {  	s3 =	sadd.s32 $0x88, s3;
	s6 =	simm.s32 @!p1 $0x1082;
	[sflag:s4] =	ssyncset.s32 $0xFFFFF086  }
0x25: {  	[simem:s6], [sflag:s4] =	dma.local [hbm:s3], $0xF7A  }
0x26: {  	[smem:$0x3F9F] =	sst s1;
	(tag) =	ssettag s2;
	_ =	strace s9  }
0x27: {  	s1 =	sld [smem:$0x3FAF]  }
0x28: {  	s2 =	sld [smem:$0x3FB0]  }
0x29: {  	s4 =	sld [smem:$0x3FB2]  }
0x2a: {  	p0 =	seq.s32 s5, $0x0;
	s5 =	sld [smem:$0x3FB3]  }
0x2b: {  	s6 =	sld [smem:$0x3FB4]  }
0x2c: {  	s7 =	sld [smem:$0x3FB5]  }
0x2d: {  	s3 =	simm.s32 $0x108;
	s8 =	sld [smem:$0x3FB6]  }
0x2e: {  	s3 =	simm.s32 @!p0 $0x1082;
	s9 =	sld [smem:$0x3FB7]  }
0x2f: {  	lr =	sadd.s32 s0, s3;
	s0 =	sld [smem:$0x3FAE]  }
0x30: {  	s3 =	sld [smem:$0x3FB1]  }
0x31: {  	[smem:$0x3FBA] =	sst s10  }
0x32: {  	s10 =	sld [smem:$0x3FB8];
	_ =	sdelay $0x3  }
0x33: {  	p0 =	seq.s32 s10, $0x1;
	s10 =	sld [smem:$0x3FBA];
	_ =	sdelay $0x3  }
0x34: {  	[smem:$0x3FBA] =	sst s10  }
0x35: {  	s10 =	sld [smem:$0x3FB9];
	_ =	sdelay $0x3  }
0x36: {  	p1 =	seq.s32 s10, $0x1;
	s10 =	sld [smem:$0x3FBA];
	_ =	sdelay $0x3  }
0x37: {  	[smem:$0x3FBA] =	sst s10  }
0x38: {  	s10 =	sld [smem:$0x3FBB]  }
0x39: {  	_ = 	snop;
	(pc) =	sbr.ind lr, $3  }
0x3a: {  	_ = 	snop  }
0x3b: {  	_ = 	snop  }
0x3c: {  	p2 =	seq.s32 s10, $0x1;
	s10 =	sld [smem:$0x3FBA]  }
0x3d: {  	_ =	shalt  }
0x3e: {  	_ =	shalt  }
0x3f: {  	_ =	shalt  }
0x40: {  	_ =	shalt  }
0x41: {  	_ =	shalt  }
0x42: {  	_ =	shalt  }
0x43: {  	_ =	shalt  }
0x44: {  	_ =	shalt  }
0x45: {  	_ =	shalt  }
0x46: {  	_ =	shalt  }
0x47: {  	_ =	shalt  }
0x48: {  	_ =	shalt  }
0x49: {  	_ =	shalt  }
0x4a: {  	_ =	shalt  }
0x4b: {  	_ =	shalt  }
0x4c: {  	_ =	shalt  }
0x4d: {  	_ =	shalt  }
0x4e: {  	_ =	shalt  }
0x4f: {  	_ =	shalt  }
0x50: {  	_ =	shalt  }
0x51: {  	_ =	shalt  }
0x52: {  	_ =	shalt  }
0x53: {  	_ =	shalt  }
0x54: {  	_ =	shalt  }
0x55: {  	_ =	shalt  }
0x56: {  	_ =	shalt  }
0x57: {  	_ =	shalt  }
0x58: {  	_ =	shalt  }
0x59: {  	_ =	shalt  }
0x5a: {  	_ =	shalt  }
0x5b: {  	_ =	shalt  }
0x5c: {  	_ =	shalt  }
0x5d: {  	_ =	shalt  }
0x5e: {  	_ =	shalt  }
0x5f: {  	_ =	shalt  }
0x60: {  	_ =	shalt  }
0x61: {  	_ =	shalt  }
0x62: {  	_ =	shalt  }
0x63: {  	_ =	shalt  }
0x64: {  	_ =	shalt  }
0x65: {  	_ =	shalt  }
0x66: {  	_ =	shalt  }
0x67: {  	_ =	shalt  }
0x68: {  	_ =	shalt  }
0x69: {  	_ =	shalt  }
0x6a: {  	_ =	shalt  }
0x6b: {  	_ =	shalt  }
0x6c: {  	_ =	shalt  }
0x6d: {  	_ =	shalt  }
0x6e: {  	_ =	shalt  }
0x6f: {  	_ =	shalt  }
0x70: {  	_ =	shalt  }
0x71: {  	_ =	shalt  }
0x72: {  	_ =	shalt  }
0x73: {  	_ =	shalt  }
0x74: {  	_ =	shalt  }
0x75: {  	_ =	shalt  }
0x76: {  	_ =	shalt  }
0x77: {  	_ =	shalt  }
0x78: {  	_ =	shalt  }
0x79: {  	_ =	shalt  }
0x7a: {  	_ =	shalt  }
0x7b: {  	_ =	shalt  }
0x7c: {  	_ =	shalt  }
0x7d: {  	_ =	shalt  }
0x7e: {  	_ =	shalt  }
0x7f: {  	_ =	shalt  }
0x80: {  	_ =	shalt  }
0x81: {  	_ =	shalt  }
0x82: {  	_ =	shalt  }
0x83: {  	_ =	shalt  }
0x84: {  	_ =	shalt  }
0x85: {  	_ =	shalt  }
0x86: {  	_ =	shalt  }
0x87: {  	_ =	shalt  }
.Lfunc_end0:
.L_simem_size_0:
called_computation_lowered:
.L_overlay_start_0:
0x88: {  	s2 =	sld [smem:$0x3FD9]  }
0x89: {  	s3 =	sld [smem:$0x3FFE];
	_ =	sdelay $0x1  }
0x8a: {  	s1 =	srdreg.scid  }
0x8b: {  	s0 =	sand.u32 $0x1, s1  }
0x8c: {  	s17 =	sshll.u32 s0, $0xA;
	s2 =	sadd.s32 s3, s2  }
0x8d: {  	s2 =	sadd.s32 s2, s17  }
0x8e: {  	[smem:$0x3FC6] =	sst s2  }
0x8f: {  	_ = 	snop  }
0x90: {  	s2 =	sld [smem:$0x3FC9];
	(tm) =	ssettm $0x1  }
0x91: {  	s18 =	sld [smem:$0x3FFB];
	_ =	sdelay $0x3  }
0x92: {  	_ =	strace s18  }
0x93: {  	s3 =	sld [smem:$0x3FFC];
	_ =	sdelay $0x3  }
0x94: {  	_ =	strace s3  }
0x95: {  	s3 =	sld [smem:$0x3FFD];
	_ =	sdelay $0x3  }
0x96: {  	_ =	strace s3  }
0x97: {  	_ =	strace $0x8FFFFFFF  }
0x98: {  	s19 =	sld [smem:$0x3FDB];
	_ =	sdelay $0x1  }
0x99: {  	s4 =	simm.s32 $_scs_section_size  }
0x9a: {  	s5 =	simm.s32 $_size__tile_overlayer_lowered;
	s6 =	simm.s32 $_tile_overlayer_lowered  }
0x9b: {  	s22 =	simm.s32 $0x1BFF;
	s21 =	sshll.u32 s6, $0x1;
	s3 =	sadd.s32 s4, s19  }
0x9c: {  	s7 =	simm.s32 $0x0;
	s20 =	sshll.u32 s5, $0x1;
	s5 =	sadd.s32 s21, s3  }
0x9d: {  	[timem:s7], [sflag:s22] =	dma.local [hbm:s5], s20  }
0x9e: {  	_ =	swait.ge [sflag:s22], s20  }
0x9f: {  	s4 =	ssub.s32 $0x0, s20;
	[sflag:s22] =	ssyncset.done $0x0  }
0xa0: {  	[sflag:s22] =	ssyncadd.s32 s4;
	_ =	sdelay $0x1  }
0xa1: {  	s23 =	simm.s32 $0x1B8B  }
0xa2: {  	_ =	swait.ge [sflag:s23], $0x1  }
0xa3: {  	[sflag:s23] =	ssyncset.done $0x0  }
0xa4: {  	s25 =	simm.s32 $0x1B8E;
	s24 =	sld [smem:$0x3FFE];
	[sflag:s23] =	ssyncadd.s32 $0xFFFFFFFF  }
0xa5: {  	s26 =	simm.s32 $execute0_lowered;
	[smem:$0x3FD2] =	sst s25  }
0xa6: {  	s5 =	sshll.u32 s26, $0x1;
	_ =	strace $0x80000046;
	[dreg:$0x1] =	wrdreg $0xFFFFFFFF  }
0xa7: {  	s28 =	simm.s32 $_size_execute0_lowered;
	s3 =	sadd.s32 s3, s5;
	[dreg:$0x0] =	wrdreg $0x0  }
0xa8: {  	s5 =	sshll.u32 s28, $0x1;
	[dreg:$0x2] =	wrdreg s3  }
0xa9: {  	[dreg:$0x3] =	wrdreg s5  }
0xaa: {  	[dreg:$0x4] =	wrdreg $0xC0  }
0xab: {  	_ =	task [dreg:s7], $0x5FFFF  }
0xac: {  	[dreg:$0x1] =	wrdreg $0xFFFFFFFF  }
0xad: {  	[dreg:$0x0] =	wrdreg $0x60  }
0xae: {  	[dreg:$0x2] =	wrdreg s2  }
0xaf: {  	[dreg:$0x3] =	wrdreg s24  }
0xb0: {  	[dreg:$0x4] =	wrdreg $0x9  }
0xb1: {  	_ =	task.clear_ibuf [dreg:s7], $0x5FFFF;
	_ =	strace $0x90000046  }
0xb2: {  	s29 =	simm.s32 $0x9;
	_ =	strace $0x80000048  }
0xb3: {  	_ =	swait.ge [sflag:s29], $0x1  }
0xb4: {  	[sflag:s29] =	ssyncadd.s32 $0xFFFFFFFF  }
0xb5: {  	_ =	strace $0x90000048  }
0xb6: {  	_ =	sfence  }
0xb7: {  	s30 =	sld [smem:$0x0];
	_ =	sdelay $0x2  }
0xb8: {  	s31 =	sshll.u32 s1, $0xD;
	s1 =	sshrl.u32 s1, $0x2  }
0xb9: {  	s3 =	sand.u32 $0x4000, s31;
	s1 =	sadd.s32 s1, s30  }
0xba: {  	s0 =	sor.u32 s3, s0;
	s1 =	sshll.u32 s1, $0x11  }
0xbb: {  	s0 =	sor.u32 s1, s0  }
0xbc: {  	s0 =	sadd.s32 $0x8F2B, s0  }
0xbd: {  	[sflag:s0] =	ssyncadd.remote.s32 $0x1  }
0xbe: {  	_ =	sfence.sel $0xFFFF  }
0xbf: {  	[dreg:$0x0] =	wrdreg $0xFFFFFFFF;
	(pc) =	sbr.abs _section_cstart, $3  }
0xc0: {  	[dreg:$0x1] =	wrdreg $0xFFFFFFFF  }
0xc1: {  	_ =	task.clear_ibuf [dreg:s7], $0x2FFFF;
	_ =	strace $0x9FFFFFFF  }
0xc2: {  	(tm) =	ssettm $0x7FFFFFFF  }
0xc3: {  	_ =	shalt  }
tec
execute0_lowered:
.L_overlay_start_1:
0x0: {  	(tag) =	ssettag $0x1  }
0x1: {  	vm0 =	vmmov $0x1  }
0x2: {  	vm1 =	vcmask $0x308;
	vm2 =	vcmask $0x70C;
	vm3 =	vcmask $0xB10  }
0x3: {  	vm4 =	vcmask $0xF14;
	vm5 =	vcmask $0x1318;
	vm6 =	vcmask $0x171C  }
0x4: {  	vm7 =	vcmask $0x1B20;
	vm8 =	vcmask $0x1F24;
	v13 =	vlaneseq.u32  }
0x5: {  	vm9 =	vcmask $0x2328;
	vm10 =	vcmask $0x272C;
	vm11 =	vcmask $0x2B30  }
0x6: {  	vm12 =	vcmask $0x2F34;
	vm13 =	vcmask $0x3338;
	v0 =	vmul.u32 $0x400, v13  }
0x7: {  	s0 =	rddreg [dreg:$0x0];
	vm14 =	vcmask $0x373C;
	vm15 =	vmmov $0x7fff;
	v13 =	vmul.u32 $0x80, v13  }
0x8: {  	s1 =	rddreg [dreg:$0x1];
	s3 =	srdreg.scid;
	s2 =	simm.s32 $0x0;
	v1 =	vor.u32 $0x400F, v0;
	v2 =	vor.u32 $0x400E, v0;
	v3 =	vor.u32 $0x400D, v0  }
0x9: {  	s4 =	stileid.u32;
	s15 =	simm.s32 $0x3;
	s8 =	simm.s32 $0x200;
	v4 =	vor.u32 $0x400C, v0;
	v5 =	vor.u32 $0x400B, v0;
	v6 =	vor.u32 $0x400A, v0  }
0xa: {  	s28 =	simm.s32 $0x4600;
	s29 =	simm.s32 $0x4A00;
	s30 =	simm.s32 $0x4E00;
	v7 =	vor.u32 $0x4009, v0;
	v8 =	vor.u32 $0x4008, v0;
	v9 =	vor.u32 $0x4007, v0  }
0xb: {  	s31 =	simm.s32 $0x5200;
	s9 =	simm.s32 $0x6E00;
	s10 =	simm.s32 $0x7200;
	v10 =	vor.u32 $0x4006, v0;
	v11 =	vor.u32 $0x4005, v0;
	v12 =	vor.u32 $0x4004, v0  }
0xc: {  	s11 =	simm.s32 $0x7600;
	s12 =	simm.s32 $0x7A00;
	s13 =	simm.s32 $0x7E00;
	v14 =	vor.u32 $0x4003, v0;
	v15 =	vor.u32 $0x4002, v0;
	v16 =	vor.u32 $0x4001, v0  }
0xd: {  	s16 =	simm.s32 $0x0;
	s3 =	sand.u32 $0x1, s3;
	[smem:$0x7FF] =	sst s2;
	v17 =	vor.u32 $0x4000, v0;
	v18 =	vor.u32 $0xF800, v13;
	v19 =	vor.u32 $0xF801, v13  }
0xe: {  	s4 =	sshll.u32 s4, $0xA;
	s5 =	sshll.u32 s3, $0x9;
	s24 =	ssub.s32 $0x2, s3;
	v20 =	vor.u32 $0xF802, v13;
	v21 =	vor.u32 $0xF803, v13;
	v22 =	vor.u32 $0xF804, v13  }
0xf: {  	_ =	strace $0x80000047;
	s4 =	sor.u32 s5, s4;
	s7 =	sshrl.u32 s24, $0x1;
	v23 =	vor.u32 $0xF805, v13;
	v24 =	vor.u32 $0xF806, v13;
	v25 =	vor.u32 $0xF807, v13  }
0x10: {  	s3 =	sadd.s32 $0x400, s1;
	v26 =	vor.u32 $0xF808, v13;
	v27 =	vor.u32 $0xF809, v13;
	v28 =	vor.u32 $0xF80A, v13;
	s6 =	sshll.u32 s4, $0x4;
	s5 =	ssub.s32 s24, s7  }
0x11: {  	v29 =	vor.u32 $0xF80B, v13;
	v30 =	vor.u32 $0xF80C, v13;
	v31 =	vor.u32 $0xF80D, v13;
	s4 =	sshrl.u32 s4, $0x3;
	s24 =	simm.s32 $0x2;
	s7 =	simm.s32 $0x6A00  }
.Ltmp0:
0x12: {  	v32 =	vor.u32 $0xF80E, v13;
	v33 =	vor.u32 $0xF80F, v13;
	v34 =	vor.u32 $0xF, v0;
	s1 =	sadd.s32 s6, s1;
	s0 =	sadd.s32 s0, s4;
	(pc) =	sbr.rel .LBB2_1-.Ltmp0, $4  }
0x13: {  	v35 =	vor.u32 $0xE, v0;
	v36 =	vor.u32 $0xD, v0;
	v37 =	vor.u32 $0xC, v0;
	s26 =	smax.u32 s5, $0x1;
	s4 =	simm.s32 $0x5E00;
	s5 =	simm.s32 $0x6200  }
0x14: {  	v38 =	vor.u32 $0xB, v0;
	v39 =	vor.u32 $0xA, v0;
	v40 =	vor.u32 $0x9, v0;
	s6 =	simm.s32 $0x6600;
	[dreg:$0x3] =	wrdreg s0;
	s25 =	sadd.s32 $0xF42800, s1  }
0x15: {  	v41 =	vor.u32 $0x8, v0;
	v42 =	vor.u32 $0x7, v0;
	v43 =	vor.u32 $0x6, v0;
	[dreg:$0x5] =	wrdreg s26;
	s26 =	simm.s32 $0x4200;
	s0 =	simm.s32 $0x5600  }
0x16: {  	v44 =	vor.u32 $0x5, v0;
	v45 =	vor.u32 $0x4, v0;
	v46 =	vor.u32 $0x3, v0;
	[tilespmem:$0x1FFF0] =	vst v18;
	s1 =	simm.s32 $0x5A00;
	[dreg:$0x4] =	wrdreg s25;
	s25 =	simm.s32 $0x8200  }
.LBB2_7:
0x17: {  	_ =	swait.ge [sflag:s24], $0x400  }
0x18: {  	[sflag:s24] =	ssyncset.done $0x0  }
0x19: {  	[sflag:s24] =	ssyncadd.s32 $0xFFFFFC00  }
0x1a: {  	_ =	swait.ge [sflag:s24], $0x400  }
0x1b: {  	[sflag:s24] =	ssyncset.done $0x0  }
0x1c: {  	[sflag:s24] =	ssyncadd.s32 $0xFFFFFC00  }
0x1d: {  	_ =	swait.ge [sflag:s24], $0x400  }
0x1e: {  	[sflag:s24] =	ssyncset.done $0x0  }
0x1f: {  	[sflag:s24] =	ssyncadd.s32 $0xFFFFFC00  }
0x20: {  	_ =	swait.ge [sflag:s24], $0x400  }
0x21: {  	[sflag:s24] =	ssyncset.done $0x0  }
0x22: {  	[sflag:s24] =	ssyncadd.s32 $0xFFFFFC00  }
0x23: {  	_ =	swait.ge [sflag:s24], $0x400  }
0x24: {  	[sflag:s24] =	ssyncset.done $0x0  }
0x25: {  	[sflag:s24] =	ssyncadd.s32 $0xFFFFFC00  }
0x26: {  	_ =	swait.ge [sflag:s24], $0x400  }
0x27: {  	[sflag:s24] =	ssyncset.done $0x0  }
0x28: {  	[sflag:s24] =	ssyncadd.s32 $0xFFFFFC00  }
0x29: {  	_ =	swait.ge [sflag:s24], $0x400  }
0x2a: {  	[sflag:s24] =	ssyncset.done $0x0  }
0x2b: {  	[sflag:s24] =	ssyncadd.s32 $0xFFFFFC00  }
0x2c: {  	_ =	swait.ge [sflag:s24], $0x400  }
0x2d: {  	[sflag:s24] =	ssyncset.done $0x0  }
0x2e: {  	[sflag:s24] =	ssyncadd.s32 $0xFFFFFC00  }
0x2f: {  	_ =	swait.ge [sflag:s24], $0x400  }
0x30: {  	[sflag:s24] =	ssyncset.done $0x0  }
0x31: {  	[sflag:s24] =	ssyncadd.s32 $0xFFFFFC00  }
0x32: {  	_ =	swait.ge [sflag:s24], $0x400  }
0x33: {  	[sflag:s24] =	ssyncset.done $0x0  }
0x34: {  	[sflag:s24] =	ssyncadd.s32 $0xFFFFFC00  }
0x35: {  	_ =	swait.ge [sflag:s24], $0x400  }
0x36: {  	[sflag:s24] =	ssyncset.done $0x0  }
0x37: {  	[sflag:s24] =	ssyncadd.s32 $0xFFFFFC00  }
0x38: {  	_ =	swait.ge [sflag:s24], $0x400  }
0x39: {  	[sflag:s24] =	ssyncset.done $0x0  }
0x3a: {  	[sflag:s24] =	ssyncadd.s32 $0xFFFFFC00  }
0x3b: {  	_ =	swait.ge [sflag:s24], $0x400  }
0x3c: {  	[sflag:s24] =	ssyncset.done $0x0  }
0x3d: {  	[sflag:s24] =	ssyncadd.s32 $0xFFFFFC00  }
0x3e: {  	_ =	swait.ge [sflag:s24], $0x400  }
0x3f: {  	[sflag:s24] =	ssyncset.done $0x0  }
0x40: {  	[sflag:s24] =	ssyncadd.s32 $0xFFFFFC00  }
0x41: {  	_ =	swait.ge [sflag:s24], $0x400  }
0x42: {  	[sflag:s24] =	ssyncset.done $0x0  }
0x43: {  	[sflag:s24] =	ssyncadd.s32 $0xFFFFFC00  }
0x44: {  	_ =	swait.ge [sflag:s24], $0x400  }
0x45: {  	[sflag:s24] =	ssyncset.done $0x0  }
0x46: {  	[sflag:s24] =	ssyncadd.s32 $0xFFFFFC00  }
0x47: {  	v18 =	vld [tilespmem:$0x1F0];
	_ =	sdelay $0x4  }
0x48: {  	v18 =	vshll.u32 v18, $0x7  }
0x49: {  	v18 =	vand.u32 $0x380, v18  }
0x4a: {  	v47 =	vor.u32 v17, v18;
	_ =	sdelay $0x1  }
0x4b: {  	v49 =	vld [tilespmem:$0x1FFF0];
	_ =	sdelay $0x2  }
0x4c: {  	v47 =	vld.idx.msk [tilespmem:v47+s8+$0x0], $0xffff  }
0x4d: {  	v48 =	vor.u32 v16, v18;
	_ =	sdelay $0x3  }
0x4e: {  	[tilespmem:v49+s25+$0x0] =	vst.idx.msk $0xffff, v47  }
0x4f: {  	v47 =	vld.idx.msk [tilespmem:v48+s8+$0x0], $0xffff  }
0x50: {  	v63 =	vor.u32 v15, v18;
	_ =	sdelay $0x3  }
0x51: {  	[tilespmem:v19+s25+$0x0] =	vst.idx.msk $0xffff, v47  }
0x52: {  	v47 =	vld.idx.msk [tilespmem:v63+s8+$0x0], $0xffff  }
0x53: {  	v52 =	vor.u32 v14, v18;
	_ =	sdelay $0x3  }
0x54: {  	[tilespmem:v20+s25+$0x0] =	vst.idx.msk $0xffff, v47  }
0x55: {  	v47 =	vld.idx.msk [tilespmem:v52+s8+$0x0], $0xffff  }
0x56: {  	v53 =	vor.u32 v12, v18;
	_ =	sdelay $0x3  }
0x57: {  	[tilespmem:v21+s25+$0x0] =	vst.idx.msk $0xffff, v47  }
0x58: {  	v47 =	vld.idx.msk [tilespmem:v53+s8+$0x0], $0xffff  }
0x59: {  	v54 =	vor.u32 v11, v18;
	_ =	sdelay $0x3  }
0x5a: {  	[tilespmem:v22+s25+$0x0] =	vst.idx.msk $0xffff, v47  }
0x5b: {  	v47 =	vld.idx.msk [tilespmem:v54+s8+$0x0], $0xffff  }
0x5c: {  	v55 =	vor.u32 v10, v18;
	_ =	sdelay $0x3  }
0x5d: {  	[tilespmem:v23+s25+$0x0] =	vst.idx.msk $0xffff, v47  }
0x5e: {  	v47 =	vld.idx.msk [tilespmem:v55+s8+$0x0], $0xffff  }
0x5f: {  	v56 =	vor.u32 v9, v18;
	_ =	sdelay $0x3  }
0x60: {  	[tilespmem:v24+s25+$0x0] =	vst.idx.msk $0xffff, v47  }
0x61: {  	v47 =	vld.idx.msk [tilespmem:v56+s8+$0x0], $0xffff  }
0x62: {  	v57 =	vor.u32 v8, v18;
	_ =	sdelay $0x3  }
0x63: {  	[tilespmem:v25+s25+$0x0] =	vst.idx.msk $0xffff, v47  }
0x64: {  	v47 =	vld.idx.msk [tilespmem:v57+s8+$0x0], $0xffff  }
0x65: {  	v58 =	vor.u32 v7, v18;
	_ =	sdelay $0x3  }
0x66: {  	[tilespmem:v26+s25+$0x0] =	vst.idx.msk $0xffff, v47  }
0x67: {  	v47 =	vld.idx.msk [tilespmem:v58+s8+$0x0], $0xffff  }
0x68: {  	v59 =	vor.u32 v6, v18;
	_ =	sdelay $0x3  }
0x69: {  	[tilespmem:v27+s25+$0x0] =	vst.idx.msk $0xffff, v47  }
0x6a: {  	v47 =	vld.idx.msk [tilespmem:v59+s8+$0x0], $0xffff  }
0x6b: {  	v60 =	vor.u32 v5, v18;
	_ =	sdelay $0x3  }
0x6c: {  	[tilespmem:v28+s25+$0x0] =	vst.idx.msk $0xffff, v47  }
0x6d: {  	v47 =	vld.idx.msk [tilespmem:v60+s8+$0x0], $0xffff  }
0x6e: {  	v61 =	vor.u32 v4, v18;
	_ =	sdelay $0x3  }
0x6f: {  	[tilespmem:v29+s25+$0x0] =	vst.idx.msk $0xffff, v47  }
0x70: {  	v47 =	vld.idx.msk [tilespmem:v61+s8+$0x0], $0xffff  }
0x71: {  	v62 =	vor.u32 v3, v18;
	_ =	sdelay $0x3  }
0x72: {  	[tilespmem:v30+s25+$0x0] =	vst.idx.msk $0xffff, v47  }
0x73: {  	v47 =	vld.idx.msk [tilespmem:v62+s8+$0x0], $0xffff  }
0x74: {  	v63 =	vor.u32 v2, v18;
	_ =	sdelay $0x3  }
0x75: {  	[tilespmem:v31+s25+$0x0] =	vst.idx.msk $0xffff, v47  }
0x76: {  	v47 =	vld.idx.msk [tilespmem:v63+s8+$0x0], $0xffff  }
0x77: {  	v18 =	vor.u32 v1, v18;
	_ =	sdelay $0x3  }
0x78: {  	[tilespmem:v32+s25+$0x0] =	vst.idx.msk $0xffff, v47  }
0x79: {  	v18 =	vld.idx.msk [tilespmem:v18+s8+$0x0], $0xffff;
	_ =	sdelay $0x4  }
0x7a: {  	s15 =	simm.s32 $0x3;
	s14 =	rddreg [dreg:$0x4];
	[tilespmem:v33+s25+$0x0] =	vst.idx.msk $0xffff, v18  }
0x7b: {  	[hbm4b:s14+s2] =	stream.linear.scatter [tilespmem:s25], [sflag:$0x3], $0x10000, $0x38;
	[tilespmem:$0x18200] =	vst v63  }
0x7c: {  	_ =	swait.ge [sflag:s15], $0x10000  }
0x7d: {  	s16 =	rddreg [dreg:$0x6]  }
0x7e: {  	s23 =	rddreg [dreg:$0x5];
	s16 =	sadd.s32 $0x1, s16  }
0x7f: {  	p0 =	sne.s32 s16, s23  }
.Ltmp1:
0x80: {  	_ = 	snop;
	(pc) =	sbr.rel @!p0 .LBB2_8-.Ltmp1, $3  }
0x81: {  	_ =	sdelay $0x1  }
0x82: {  	[sflag:s15] =	ssyncset.done $0x0  }
0x83: {  	[sflag:s15] =	ssyncadd.s32 $0xFFFF0000  }
.LBB2_1:
0x84: {  	[dreg:$0x6] =	wrdreg s16  }
.Ltmp2:
0x85: {  	s14 =	rddreg [dreg:$0x3];
	(pc) =	sbr.rel .LBB2_2-.Ltmp2, $4  }
0x86: {  	[tilespmem:s2], [sflag:$0x3] =	stream.linear.gather [hbm4b:s14+s2], $0x200, $0x38;
	[tilespmem:$0x18200] =	vst v63  }
0x87: {  	_ =	swait.ge [sflag:s15], $0x200  }
0x88: {  	s16 =	simm.s32 $0x0;
	[sflag:s15] =	ssyncset.done $0x0  }
0x89: {  	s14 =	simm.s32 $0xFFFFFFF0;
	[sflag:s15] =	ssyncadd.s32 $0xFFFFFE00;
	s15 =	simm.s32 $0x0  }
.LBB2_3:
0x8a: {  	(xrf0) =	vadd.scan.msk.s32 $0xffff, v48;
	_ =	sdelay $0x4  }
0x8b: {  	v59 =	vsel vm7, $0x0, v47  }
0x8c: {  	v49, _, _ =	vpop (xrf0);
	(xrf0) =	vadd.scan.msk.s32 $0xffff, v59;
	_ =	sdelay $0x1  }
0x8d: {  	v60 =	vsel vm8, $0x0, v47;
	(v2sf) =	vpush v49, $0xF  }
0x8e: {  	(xrf0) =	vadd.scan.msk.s32 $0xffff, v60;
	_ =	sdelay $0x2  }
0x8f: {  	v61, _, _ =	vpop (xrf0)  }
0x90: {  	[tilespmem:s26], [sflag:$0x2] =	stream.linear.gather [hbm4b:s22+s2], $0x400, $0x38;
	(v2sf) =	vpush v61, $0xF;
	[tilespmem:$0x18200] =	vst v63  }
0x91: {  	_ = 	snop  }
0x92: {  	v62 =	vsel vm9, $0x0, v47;
	[tilespmem:s28], [sflag:$0x2] =	stream.linear.gather [hbm4b:s20+s2], $0x400, $0x38;
	v63, _, _ =	vpop (xrf0);
	[tilespmem:$0x18200] =	vst v63  }
0x93: {  	(xrf0) =	vadd.scan.msk.s32 $0xffff, v62;
	(v2sf) =	vpush v63, $0xF;
	_ =	sdelay $0x1  }
0x94: {  	[tilespmem:s29], [sflag:$0x2] =	stream.linear.gather [hbm4b:s19+s2], $0x400, $0x38;
	[tilespmem:$0x18200] =	vst v63  }
0x95: {  	_ = 	snop  }
0x96: {  	v52 =	vsel vm10, $0x0, v47;
	[tilespmem:s30], [sflag:$0x2] =	stream.linear.gather [hbm4b:s21+s2], $0x400, $0x38;
	[tilespmem:$0x18200] =	vst v63  }
0x97: {  	(xrf0) =	vadd.scan.msk.s32 $0xffff, v52  }
0x98: {  	[tilespmem:s31], [sflag:$0x2] =	stream.linear.gather [hbm4b:s18+s2], $0x400, $0x38;
	v53, _, _ =	vpop (xrf0);
	[tilespmem:$0x18200] =	vst v63  }
0x99: {  	v54 =	vsel vm11, $0x0, v47;
	s23 =	spop (v2sf);
	(v2sf) =	vpush v53, $0xF  }
0x9a: {  	(xrf0) =	vadd.scan.msk.s32 $0xffff, v54  }
0x9b: {  	[tilespmem:s0], [sflag:$0x2] =	stream.linear.gather [hbm4b:s17+s2], $0x400, $0x38;
	[tilespmem:$0x18200] =	vst v63  }
0x9c: {  	v56 =	vsel vm12, $0x0, v47;
	s17 =	sshll.u32 s23, $0x7  }
0x9d: {  	v55, _, _ =	vpop (xrf0);
	(xrf0) =	vadd.scan.msk.s32 $0xffff, v56;
	s17 =	sand.u32 $0x1FFFFF80, s17  }
0x9e: {  	s17 =	sadd.s32 s3, s17;
	s18 =	spop (v2sf);
	(v2sf) =	vpush v55, $0xF  }
0x9f: {  	[tilespmem:s1], [sflag:$0x2] =	stream.linear.gather [hbm4b:s17+s2], $0x400, $0x38;
	[tilespmem:$0x18200] =	vst v63  }
0xa0: {  	v58 =	vsel vm13, $0x0, v47;
	v57, _, _ =	vpop (xrf0);
	s17 =	sshll.u32 s18, $0x7  }
0xa1: {  	(xrf0) =	vadd.scan.msk.s32 $0xffff, v58;
	s19 =	spop (v2sf);
	(v2sf) =	vpush v57, $0xF;
	s17 =	sand.u32 $0x1FFFFF80, s17  }
0xa2: {  	s17 =	sadd.s32 s3, s17  }
0xa3: {  	v59, _, _ =	vpop (xrf0);
	[tilespmem:s4], [sflag:$0x2] =	stream.linear.gather [hbm4b:s17+s2], $0x400, $0x38;
	[tilespmem:$0x18200] =	vst v63  }
0xa4: {  	(v2sf) =	vpush v59, $0xF;
	s17 =	sshll.u32 s19, $0x7  }
0xa5: {  	v60 =	vsel vm14, $0x0, v47;
	s17 =	sand.u32 $0x1FFFFF80, s17  }
0xa6: {  	(xrf0) =	vadd.scan.msk.s32 $0xffff, v60;
	s17 =	sadd.s32 s3, s17  }
0xa7: {  	v61, _, _ =	vpop (xrf0);
	[tilespmem:s5], [sflag:$0x2] =	stream.linear.gather [hbm4b:s17+s2], $0x400, $0x38;
	[tilespmem:$0x18200] =	vst v63  }
0xa8: {  	s20 =	spop (v2sf);
	(v2sf) =	vpush v61, $0xF  }
0xa9: {  	v62 =	vsel vm15, $0x0, v47;
	s17 =	sshll.u32 s20, $0x7  }
0xaa: {  	(xrf0) =	vadd.scan.msk.s32 $0xffff, v62;
	s17 =	sand.u32 $0x1FFFFF80, s17  }
0xab: {  	s17 =	sadd.s32 s3, s17  }
0xac: {  	[tilespmem:s6], [sflag:$0x2] =	stream.linear.gather [hbm4b:s17+s2], $0x400, $0x38;
	[tilespmem:$0x18200] =	vst v63  }
0xad: {  	v63, _, _ =	vpop (xrf0);
	s21 =	spop (v2sf)  }
0xae: {  	(v2sf) =	vpush v63, $0xF;
	s17 =	sshll.u32 s21, $0x7  }
0xaf: {  	s17 =	sand.u32 $0x1FFFFF80, s17  }
0xb0: {  	v47, _, _ =	vpop (xrf0);
	s22 =	spop (v2sf);
	s17 =	sadd.s32 s3, s17  }
0xb1: {  	(v2sf) =	vpush v47, $0xF;
	[tilespmem:s7], [sflag:$0x2] =	stream.linear.gather [hbm4b:s17+s2], $0x400, $0x38;
	[tilespmem:$0x18200] =	vst v63  }
0xb2: {  	s17 =	sshll.u32 s22, $0x7  }
0xb3: {  	s23 =	spop (v2sf);
	s17 =	sand.u32 $0x1FFFFF80, s17  }
0xb4: {  	s18 =	sshll.u32 s23, $0x7;
	s17 =	sadd.s32 s3, s17  }
0xb5: {  	[tilespmem:s9], [sflag:$0x2] =	stream.linear.gather [hbm4b:s17+s2], $0x400, $0x38;
	[tilespmem:$0x18200] =	vst v63  }
0xb6: {  	s17 =	sand.u32 $0x1FFFFF80, s18  }
0xb7: {  	s17 =	sadd.s32 s3, s17;
	s19 =	spop (v2sf)  }
0xb8: {  	[tilespmem:s10], [sflag:$0x2] =	stream.linear.gather [hbm4b:s17+s2], $0x400, $0x38;
	[tilespmem:$0x18200] =	vst v63  }
0xb9: {  	s20 =	sshll.u32 s19, $0x7  }
0xba: {  	s17 =	sand.u32 $0x1FFFFF80, s20  }
0xbb: {  	s17 =	sadd.s32 s3, s17  }
0xbc: {  	[tilespmem:s11], [sflag:$0x2] =	stream.linear.gather [hbm4b:s17+s2], $0x400, $0x38;
	[tilespmem:$0x18200] =	vst v63  }
0xbd: {  	s21 =	spop (v2sf)  }
0xbe: {  	s22 =	sshll.u32 s21, $0x7  }
0xbf: {  	s17 =	sand.u32 $0x1FFFFF80, s22  }
0xc0: {  	s23 =	spop (v2sf);
	s17 =	sadd.s32 s3, s17  }
0xc1: {  	[tilespmem:s12], [sflag:$0x2] =	stream.linear.gather [hbm4b:s17+s2], $0x400, $0x38;
	[tilespmem:$0x18200] =	vst v63  }
0xc2: {  	s17 =	sshll.u32 s23, $0x7  }
0xc3: {  	v51 =	vmov v38;
	s17 =	sand.u32 $0x1FFFFF80, s17  }
0xc4: {  	v50 =	vmovc v37;
	v48 =	vmovc v35;
	v49 =	vmov v36;
	v52 =	vmov v39;
	v54 =	vmov v41;
	s17 =	sadd.s32 s3, s17  }
0xc5: {  	v56 =	vmovc v43;
	v53 =	vmovc v40;
	v58 =	vmov v45;
	v60 =	vmov v46;
	v55 =	vmov v42;
	[tilespmem:s13], [sflag:$0x2] =	stream.linear.gather [hbm4b:s17+s2], $0x400, $0x38;
	[tilespmem:$0x18200] =	vst v63  }
0xc6: {  	v57 =	vmovc v44;
	v59 =	vor.u32 $0x2, v0;
	v62 =	vmovc v0;
	v61 =	vor.u32 $0x1, v0;
	v47 =	vmov v34;
	s17 =	simm.s32 $0x1  }
.LBB2_5:
0xc7: {  	_ =	swait.ge [sflag:s17], $0x400  }
0xc8: {  	[sflag:s17] =	ssyncset.done $0x0  }
0xc9: {  	[sflag:s17] =	ssyncadd.s32 $0xFFFFFC00  }
0xca: {  	_ =	swait.ge [sflag:s17], $0x400  }
0xcb: {  	[sflag:s17] =	ssyncset.done $0x0  }
0xcc: {  	[sflag:s17] =	ssyncadd.s32 $0xFFFFFC00  }
0xcd: {  	_ =	swait.ge [sflag:s17], $0x400  }
0xce: {  	[sflag:s17] =	ssyncset.done $0x0  }
0xcf: {  	[sflag:s17] =	ssyncadd.s32 $0xFFFFFC00  }
0xd0: {  	_ =	swait.ge [sflag:s17], $0x400  }
0xd1: {  	[sflag:s17] =	ssyncset.done $0x0  }
0xd2: {  	[sflag:s17] =	ssyncadd.s32 $0xFFFFFC00  }
0xd3: {  	_ =	swait.ge [sflag:s17], $0x400  }
0xd4: {  	[sflag:s17] =	ssyncset.done $0x0  }
0xd5: {  	[sflag:s17] =	ssyncadd.s32 $0xFFFFFC00  }
0xd6: {  	_ =	swait.ge [sflag:s17], $0x400  }
0xd7: {  	[sflag:s17] =	ssyncset.done $0x0  }
0xd8: {  	[sflag:s17] =	ssyncadd.s32 $0xFFFFFC00  }
0xd9: {  	_ =	swait.ge [sflag:s17], $0x400  }
0xda: {  	[sflag:s17] =	ssyncset.done $0x0  }
0xdb: {  	[sflag:s17] =	ssyncadd.s32 $0xFFFFFC00  }
0xdc: {  	_ =	swait.ge [sflag:s17], $0x400  }
0xdd: {  	[sflag:s17] =	ssyncset.done $0x0  }
0xde: {  	[sflag:s17] =	ssyncadd.s32 $0xFFFFFC00  }
0xdf: {  	_ =	swait.ge [sflag:s17], $0x400  }
0xe0: {  	[sflag:s17] =	ssyncset.done $0x0  }
0xe1: {  	[sflag:s17] =	ssyncadd.s32 $0xFFFFFC00  }
0xe2: {  	_ =	swait.ge [sflag:s17], $0x400  }
0xe3: {  	[sflag:s17] =	ssyncset.done $0x0  }
0xe4: {  	[sflag:s17] =	ssyncadd.s32 $0xFFFFFC00  }
0xe5: {  	_ =	swait.ge [sflag:s17], $0x400  }
0xe6: {  	[sflag:s17] =	ssyncset.done $0x0  }
0xe7: {  	[sflag:s17] =	ssyncadd.s32 $0xFFFFFC00  }
0xe8: {  	_ =	swait.ge [sflag:s17], $0x400  }
0xe9: {  	[sflag:s17] =	ssyncset.done $0x0  }
0xea: {  	[sflag:s17] =	ssyncadd.s32 $0xFFFFFC00  }
0xeb: {  	_ =	swait.ge [sflag:s17], $0x400  }
0xec: {  	[sflag:s17] =	ssyncset.done $0x0  }
0xed: {  	[sflag:s17] =	ssyncadd.s32 $0xFFFFFC00  }
0xee: {  	_ =	swait.ge [sflag:s17], $0x400  }
0xef: {  	[sflag:s17] =	ssyncset.done $0x0  }
0xf0: {  	[sflag:s17] =	ssyncadd.s32 $0xFFFFFC00  }
0xf1: {  	_ =	swait.ge [sflag:s17], $0x400  }
0xf2: {  	[sflag:s17] =	ssyncset.done $0x0  }
0xf3: {  	[sflag:s17] =	ssyncadd.s32 $0xFFFFFC00  }
0xf4: {  	_ =	swait.ge [sflag:s17], $0x400  }
0xf5: {  	[sflag:s17] =	ssyncset.done $0x0  }
0xf6: {  	[sflag:s17] =	ssyncadd.s32 $0xFFFFFC00  }
0xf7: {  	v63 =	vld [tilespmem:s15+$0xFFFFFFF0];
	_ =	sdelay $0x4  }
0xf8: {  	v63 =	vshll.u32 v63, $0x7  }
0xf9: {  	v63 =	vand.u32 $0x380, v63  }
0xfa: {  	v62 =	vor.u32 v62, v63;
	_ =	sdelay $0x2  }
0xfb: {  	v18 =	vmov s14  }
0xfc: {  	v18 =	vshll.u32 v18, $0x7  }
0xfd: {  	v18 =	vor.u32 v13, v18;
	v62 =	vld.idx.msk [tilespmem:v62+s8+$0x0], $0xffff  }
0xfe: {  	v61 =	vor.u32 v61, v63;
	_ =	sdelay $0x3  }
0xff: {  	[tilespmem:v18+s25+$0x0] =	vst.idx.msk $0xffff, v62  }
0x100: {  	v62 =	vor.u32 $0x1, v18;
	v61 =	vld.idx.msk [tilespmem:v61+s8+$0x0], $0xffff  }
0x101: {  	v59 =	vor.u32 v59, v63;
	_ =	sdelay $0x3  }
0x102: {  	[tilespmem:v62+s25+$0x0] =	vst.idx.msk $0xffff, v61  }
0x103: {  	v61 =	vor.u32 $0x2, v18;
	v59 =	vld.idx.msk [tilespmem:v59+s8+$0x0], $0xffff  }
0x104: {  	v60 =	vor.u32 v60, v63;
	_ =	sdelay $0x3  }
0x105: {  	[tilespmem:v61+s25+$0x0] =	vst.idx.msk $0xffff, v59  }
0x106: {  	v59 =	vld.idx.msk [tilespmem:v60+s8+$0x0], $0xffff;
	v60 =	vor.u32 $0x3, v18  }
0x107: {  	v58 =	vor.u32 v58, v63;
	_ =	sdelay $0x3  }
0x108: {  	[tilespmem:v60+s25+$0x0] =	vst.idx.msk $0xffff, v59  }
0x109: {  	v61 =	vor.u32 $0x4, v18;
	v58 =	vld.idx.msk [tilespmem:v58+s8+$0x0], $0xffff  }
0x10a: {  	v57 =	vor.u32 v57, v63;
	_ =	sdelay $0x3  }
0x10b: {  	[tilespmem:v61+s25+$0x0] =	vst.idx.msk $0xffff, v58  }
0x10c: {  	v62 =	vor.u32 $0x5, v18;
	v57 =	vld.idx.msk [tilespmem:v57+s8+$0x0], $0xffff  }
0x10d: {  	v56 =	vor.u32 v56, v63;
	_ =	sdelay $0x3  }
0x10e: {  	[tilespmem:v62+s25+$0x0] =	vst.idx.msk $0xffff, v57  }
0x10f: {  	v60 =	vor.u32 $0x6, v18;
	v56 =	vld.idx.msk [tilespmem:v56+s8+$0x0], $0xffff  }
0x110: {  	v55 =	vor.u32 v55, v63;
	_ =	sdelay $0x3  }
0x111: {  	[tilespmem:v60+s25+$0x0] =	vst.idx.msk $0xffff, v56  }
0x112: {  	v61 =	vor.u32 $0x7, v18;
	v55 =	vld.idx.msk [tilespmem:v55+s8+$0x0], $0xffff  }
0x113: {  	v54 =	vor.u32 v54, v63;
	_ =	sdelay $0x3  }
0x114: {  	[tilespmem:v61+s25+$0x0] =	vst.idx.msk $0xffff, v55  }
0x115: {  	v62 =	vor.u32 $0x8, v18;
	v54 =	vld.idx.msk [tilespmem:v54+s8+$0x0], $0xffff  }
0x116: {  	v53 =	vor.u32 v53, v63;
	_ =	sdelay $0x3  }
0x117: {  	[tilespmem:v62+s25+$0x0] =	vst.idx.msk $0xffff, v54  }
0x118: {  	v57 =	vor.u32 $0x9, v18;
	v53 =	vld.idx.msk [tilespmem:v53+s8+$0x0], $0xffff  }
0x119: {  	v52 =	vor.u32 v52, v63;
	_ =	sdelay $0x3  }
0x11a: {  	[tilespmem:v57+s25+$0x0] =	vst.idx.msk $0xffff, v53  }
0x11b: {  	v58 =	vor.u32 $0xA, v18;
	v52 =	vld.idx.msk [tilespmem:v52+s8+$0x0], $0xffff  }
0x11c: {  	v51 =	vor.u32 v51, v63;
	_ =	sdelay $0x3  }
0x11d: {  	[tilespmem:v58+s25+$0x0] =	vst.idx.msk $0xffff, v52  }
0x11e: {  	v59 =	vor.u32 $0xB, v18;
	v51 =	vld.idx.msk [tilespmem:v51+s8+$0x0], $0xffff  }
0x11f: {  	v50 =	vor.u32 v50, v63;
	_ =	sdelay $0x3  }
0x120: {  	[tilespmem:v59+s25+$0x0] =	vst.idx.msk $0xffff, v51  }
0x121: {  	v60 =	vor.u32 $0xC, v18;
	v50 =	vld.idx.msk [tilespmem:v50+s8+$0x0], $0xffff  }
0x122: {  	v49 =	vor.u32 v49, v63;
	_ =	sdelay $0x3  }
0x123: {  	[tilespmem:v60+s25+$0x0] =	vst.idx.msk $0xffff, v50  }
0x124: {  	v61 =	vor.u32 $0xD, v18;
	v49 =	vld.idx.msk [tilespmem:v49+s8+$0x0], $0xffff  }
0x125: {  	v48 =	vor.u32 v48, v63;
	_ =	sdelay $0x3  }
0x126: {  	[tilespmem:v61+s25+$0x0] =	vst.idx.msk $0xffff, v49  }
0x127: {  	v62 =	vor.u32 $0xE, v18;
	v48 =	vld.idx.msk [tilespmem:v48+s8+$0x0], $0xffff  }
0x128: {  	v47 =	vor.u32 v47, v63;
	_ =	sdelay $0x3  }
0x129: {  	[tilespmem:v62+s25+$0x0] =	vst.idx.msk $0xffff, v48  }
0x12a: {  	v18 =	vor.u32 $0xF, v18;
	v47 =	vld.idx.msk [tilespmem:v47+s8+$0x0], $0xffff;
	_ =	sdelay $0x4  }
0x12b: {  	[tilespmem:v18+s25+$0x0] =	vst.idx.msk $0xffff, v47  }
.LBB2_6:
0x12c: {  	s14 =	sadd.s32 $0x10, s14  }
0x12d: {  	p0 =	sne.s32 s14, $0x1F0  }
.Ltmp3:
0x12e: {  	_ = 	snop;
	(pc) =	sbr.rel @!p0 .LBB2_7-.Ltmp3, $2  }
0x12f: {  	_ =	sdelay $0x2  }
0x130: {  	s16 =	sadd.s32 $0x1, s16;
	s15 =	sadd.s32 $0x10, s15  }
.LBB2_2:
0x131: {  	v47 =	vld [tilespmem:s15+$0x0];
	_ =	sdelay $0x4  }
0x132: {  	v47 =	vshrl.u32 v47, $0x3  }
0x133: {  	v48 =	vnsel vm0, $0x0, v47  }
0x134: {  	v54 =	vsel vm1, $0x0, v47;
	(xrf0) =	vadd.scan.msk.s32 $0xffff, v48  }
0x135: {  	v55 =	vsel vm2, $0x0, v47;
	(xrf0) =	vadd.scan.msk.s32 $0xffff, v54  }
0x136: {  	v56 =	vsel vm3, $0x0, v47;
	(xrf0) =	vadd.scan.msk.s32 $0xffff, v55  }
0x137: {  	(xrf0) =	vadd.scan.msk.s32 $0xffff, v56  }
0x138: {  	v57 =	vsel vm4, $0x0, v47  }
0x139: {  	v49 =	vsel vm5, $0x0, v47;
	(xrf0) =	vadd.scan.msk.s32 $0xffff, v57  }
0x13a: {  	v58, _, _ =	vpop (xrf0);
	(xrf0) =	vadd.scan.msk.s32 $0xffff, v49  }
0x13b: {  	(v2sf) =	vpush v58, $0xF;
	v59, _, _ =	vpop (xrf0)  }
0x13c: {  	v60, _, _ =	vpop (xrf0);
	(v2sf) =	vpush v59, $0xF  }
0x13d: {  	v61, _, _ =	vpop (xrf0);
	(v2sf) =	vpush v60, $0xF  }
0x13e: {  	(v2sf) =	vpush v61, $0xF  }
0x13f: {  	v62, _, _ =	vpop (xrf0)  }
0x140: {  	(v2sf) =	vpush v62, $0xF;
	v63, _, _ =	vpop (xrf0)  }
0x141: {  	(v2sf) =	vpush v63, $0xF;
	_ =	sdelay $0x8  }
0x142: {  	s17 =	spop (v2sf)  }
0x143: {  	s20 =	sand.u32 $0x1, s16;
	s18 =	spop (v2sf)  }
0x144: {  	p0 =	seq.s32 s20, $0x0;
	s17 =	sshll.u32 s17, $0x7;
	s19 =	spop (v2sf)  }
0x145: {  	s17 =	sand.u32 $0x1FFFFF80, s17;
	s18 =	sshll.u32 s18, $0x7;
	s21 =	spop (v2sf)  }
0x146: {  	s19 =	sshll.u32 s19, $0x7;
	s22 =	sadd.s32 s3, s17;
	s18 =	sand.u32 $0x1FFFFF80, s18  }
.Ltmp4:
0x147: {  	s23 =	spop (v2sf);
	s19 =	sand.u32 $0x1FFFFF80, s19;
	(pc) =	sbr.rel @!p0 .LBB2_3-.Ltmp4, $4  }
0x148: {  	s20 =	sadd.s32 s3, s18;
	s21 =	sshll.u32 s21, $0x7;
	s18 =	spop (v2sf)  }
0x149: {  	s19 =	sadd.s32 s3, s19;
	s23 =	sshll.u32 s23, $0x7;
	s17 =	sshll.u32 s18, $0x7  }
0x14a: {  	s23 =	sand.u32 $0x1FFFFF80, s23;
	s18 =	sand.u32 $0x1FFFFF80, s21;
	s17 =	sand.u32 $0x1FFFFF80, s17  }
0x14b: {  	v48 =	vsel vm6, $0x0, v47;
	s21 =	sadd.s32 s3, s18;
	s18 =	sadd.s32 s3, s23;
	s17 =	sadd.s32 s3, s17  }
0x14c: {  	(xrf0) =	vadd.scan.msk.s32 $0xffff, v48;
	_ =	sdelay $0x4  }
0x14d: {  	v59 =	vsel vm7, $0x0, v47  }
0x14e: {  	v49, _, _ =	vpop (xrf0);
	(xrf0) =	vadd.scan.msk.s32 $0xffff, v59;
	_ =	sdelay $0x1  }
0x14f: {  	v60 =	vsel vm8, $0x0, v47;
	(v2sf) =	vpush v49, $0xF  }
0x150: {  	(xrf0) =	vadd.scan.msk.s32 $0xffff, v60;
	_ =	sdelay $0x2  }
0x151: {  	v61, _, _ =	vpop (xrf0)  }
0x152: {  	[tilespmem:s8], [sflag:$0x1] =	stream.linear.gather [hbm4b:s22+s2], $0x400, $0x38;
	(v2sf) =	vpush v61, $0xF;
	[tilespmem:$0x18200] =	vst v63  }
0x153: {  	s23 =	simm.s32 $0x600  }
0x154: {  	v62 =	vsel vm9, $0x0, v47;
	[tilespmem:s23], [sflag:$0x1] =	stream.linear.gather [hbm4b:s20+s2], $0x400, $0x38;
	v63, _, _ =	vpop (xrf0);
	[tilespmem:$0x18200] =	vst v63  }
0x155: {  	(xrf0) =	vadd.scan.msk.s32 $0xffff, v62;
	(v2sf) =	vpush v63, $0xF  }
0x156: {  	s23 =	simm.s32 $0xA00  }
0x157: {  	[tilespmem:s23], [sflag:$0x1] =	stream.linear.gather [hbm4b:s19+s2], $0x400, $0x38;
	[tilespmem:$0x18200] =	vst v63  }
0x158: {  	s22 =	simm.s32 $0xE00  }
0x159: {  	v52 =	vsel vm10, $0x0, v47;
	[tilespmem:s22], [sflag:$0x1] =	stream.linear.gather [hbm4b:s21+s2], $0x400, $0x38;
	[tilespmem:$0x18200] =	vst v63  }
0x15a: {  	s23 =	simm.s32 $0x1200;
	(xrf0) =	vadd.scan.msk.s32 $0xffff, v52  }
0x15b: {  	[tilespmem:s23], [sflag:$0x1] =	stream.linear.gather [hbm4b:s18+s2], $0x400, $0x38;
	v53, _, _ =	vpop (xrf0);
	[tilespmem:$0x18200] =	vst v63  }
0x15c: {  	v54 =	vsel vm11, $0x0, v47;
	s20 =	spop (v2sf);
	(v2sf) =	vpush v53, $0xF  }
0x15d: {  	s19 =	simm.s32 $0x1600;
	(xrf0) =	vadd.scan.msk.s32 $0xffff, v54  }
0x15e: {  	[tilespmem:s19], [sflag:$0x1] =	stream.linear.gather [hbm4b:s17+s2], $0x400, $0x38;
	[tilespmem:$0x18200] =	vst v63  }
0x15f: {  	v56 =	vsel vm12, $0x0, v47;
	s17 =	sshll.u32 s20, $0x7  }
0x160: {  	v55, _, _ =	vpop (xrf0);
	(xrf0) =	vadd.scan.msk.s32 $0xffff, v56;
	s17 =	sand.u32 $0x1FFFFF80, s17  }
0x161: {  	s21 =	simm.s32 $0x1A00;
	s17 =	sadd.s32 s3, s17;
	s22 =	spop (v2sf);
	(v2sf) =	vpush v55, $0xF  }
0x162: {  	[tilespmem:s21], [sflag:$0x1] =	stream.linear.gather [hbm4b:s17+s2], $0x400, $0x38;
	[tilespmem:$0x18200] =	vst v63  }
0x163: {  	v58 =	vsel vm13, $0x0, v47;
	v57, _, _ =	vpop (xrf0);
	s17 =	sshll.u32 s22, $0x7  }
0x164: {  	(xrf0) =	vadd.scan.msk.s32 $0xffff, v58;
	s18 =	spop (v2sf);
	(v2sf) =	vpush v57, $0xF;
	s17 =	sand.u32 $0x1FFFFF80, s17  }
0x165: {  	s23 =	simm.s32 $0x1E00;
	s17 =	sadd.s32 s3, s17  }
0x166: {  	v59, _, _ =	vpop (xrf0);
	[tilespmem:s23], [sflag:$0x1] =	stream.linear.gather [hbm4b:s17+s2], $0x400, $0x38;
	[tilespmem:$0x18200] =	vst v63  }
0x167: {  	(v2sf) =	vpush v59, $0xF;
	s17 =	sshll.u32 s18, $0x7  }
0x168: {  	v60 =	vsel vm14, $0x0, v47;
	s17 =	sand.u32 $0x1FFFFF80, s17  }
0x169: {  	s19 =	simm.s32 $0x2200;
	(xrf0) =	vadd.scan.msk.s32 $0xffff, v60;
	s17 =	sadd.s32 s3, s17  }
0x16a: {  	v61, _, _ =	vpop (xrf0);
	[tilespmem:s19], [sflag:$0x1] =	stream.linear.gather [hbm4b:s17+s2], $0x400, $0x38;
	[tilespmem:$0x18200] =	vst v63  }
0x16b: {  	s20 =	spop (v2sf);
	(v2sf) =	vpush v61, $0xF  }
0x16c: {  	v62 =	vsel vm15, $0x0, v47;
	s17 =	sshll.u32 s20, $0x7  }
0x16d: {  	(xrf0) =	vadd.scan.msk.s32 $0xffff, v62;
	s17 =	sand.u32 $0x1FFFFF80, s17  }
0x16e: {  	s21 =	simm.s32 $0x2600;
	s17 =	sadd.s32 s3, s17  }
0x16f: {  	[tilespmem:s21], [sflag:$0x1] =	stream.linear.gather [hbm4b:s17+s2], $0x400, $0x38;
	[tilespmem:$0x18200] =	vst v63  }
0x170: {  	v63, _, _ =	vpop (xrf0);
	s22 =	spop (v2sf)  }
0x171: {  	(v2sf) =	vpush v63, $0xF;
	s17 =	sshll.u32 s22, $0x7  }
0x172: {  	s17 =	sand.u32 $0x1FFFFF80, s17  }
0x173: {  	s23 =	simm.s32 $0x2A00;
	v47, _, _ =	vpop (xrf0);
	s19 =	spop (v2sf);
	s17 =	sadd.s32 s3, s17  }
0x174: {  	(v2sf) =	vpush v47, $0xF;
	[tilespmem:s23], [sflag:$0x1] =	stream.linear.gather [hbm4b:s17+s2], $0x400, $0x38;
	[tilespmem:$0x18200] =	vst v63  }
0x175: {  	s17 =	sshll.u32 s19, $0x7  }
0x176: {  	s20 =	spop (v2sf);
	s17 =	sand.u32 $0x1FFFFF80, s17  }
0x177: {  	s21 =	simm.s32 $0x2E00;
	s22 =	sshll.u32 s20, $0x7;
	s17 =	sadd.s32 s3, s17  }
0x178: {  	[tilespmem:s21], [sflag:$0x1] =	stream.linear.gather [hbm4b:s17+s2], $0x400, $0x38;
	[tilespmem:$0x18200] =	vst v63  }
0x179: {  	s17 =	sand.u32 $0x1FFFFF80, s22  }
0x17a: {  	s20 =	simm.s32 $0x3200;
	s17 =	sadd.s32 s3, s17;
	s23 =	spop (v2sf)  }
0x17b: {  	[tilespmem:s20], [sflag:$0x1] =	stream.linear.gather [hbm4b:s17+s2], $0x400, $0x38;
	[tilespmem:$0x18200] =	vst v63  }
0x17c: {  	s21 =	sshll.u32 s23, $0x7  }
0x17d: {  	s17 =	sand.u32 $0x1FFFFF80, s21  }
0x17e: {  	s23 =	simm.s32 $0x3600;
	s17 =	sadd.s32 s3, s17  }
0x17f: {  	[tilespmem:s23], [sflag:$0x1] =	stream.linear.gather [hbm4b:s17+s2], $0x400, $0x38;
	[tilespmem:$0x18200] =	vst v63  }
0x180: {  	s22 =	spop (v2sf)  }
0x181: {  	s20 =	sshll.u32 s22, $0x7  }
0x182: {  	p0 =	seq.s32 s16, $0x0;
	s17 =	sand.u32 $0x1FFFFF80, s20  }
0x183: {  	s21 =	simm.s32 $0x3A00;
	s22 =	spop (v2sf);
	s17 =	sadd.s32 s3, s17  }
0x184: {  	[tilespmem:s21], [sflag:$0x1] =	stream.linear.gather [hbm4b:s17+s2], $0x400, $0x38;
	[tilespmem:$0x18200] =	vst v63  }
.Ltmp5:
0x185: {  	s17 =	sshll.u32 s22, $0x7;
	(pc) =	sbr.rel @!p0 .LBB2_5-.Ltmp5, $4  }
.Ltmp6:
0x186: {  	v51 =	vmov v5;
	s17 =	sand.u32 $0x1FFFFF80, s17;
	(pc) =	sbr.rel @p0 .LBB2_6-.Ltmp6, $4  }
0x187: {  	v50 =	vmovc v4;
	v48 =	vmovc v2;
	v49 =	vmov v3;
	v52 =	vmov v6;
	v54 =	vmov v8;
	s23 =	simm.s32 $0x3E00;
	s17 =	sadd.s32 s3, s17  }
0x188: {  	v56 =	vmovc v10;
	v53 =	vmovc v7;
	v58 =	vmov v12;
	v60 =	vmov v14;
	v55 =	vmov v9;
	[tilespmem:s23], [sflag:$0x1] =	stream.linear.gather [hbm4b:s17+s2], $0x400, $0x38;
	[tilespmem:$0x18200] =	vst v63  }
0x189: {  	v57 =	vmovc v11;
	v62 =	vmovc v17;
	v59 =	vmov v15;
	v61 =	vmov v16;
	v47 =	vmov v1;
	s17 =	simm.s32 $0x2  }
0x18a: {  	_ = 	snop  }
.LBB2_8:
0x18b: {  	_ =	sfence.sel $0x180000  }
0x18c: {  	[bflag:$0x0] =	sbarrier.arrive $0xFFFF  }
0x18d: {  	_ =	strace $0x90000047  }
0x18e: {  	s0 =	stileid.u32;
	[bflag:$0x2] =	sbarrier.arrive $0xFFFF  }
0x18f: {  	p0 =	sne.s32 s0, $0x0;
	s0 =	rddreg [dreg:$0x2]  }
0x190: {  	s0 =	sadd.s32 @!p0 $0x100000, s0  }
0x191: {  	[sflag:s0] =	ssyncadd.tile.s32 @!p0 $0x1;
	_ =	shalt  }
.Lfunc_end2:
_tile_overlayer_lowered:
.L_overlay_start_2:
0x192: {  	(tag) =	ssettag $0x2  }
0x193: {  	s0 =	rddreg [dreg:$0x0];
	s2 =	stileid.u32  }
0x194: {  	s1 =	rddreg [dreg:$0x1];
	p0 =	sne.s32 s2, $0x0  }
0x195: {  	s3 =	rddreg [dreg:$0x2];
	[bflag:$0x3] =	sbarrier.arrive $0xFFFF;
	s2 =	simm.s32 @!p0 $0x1C03  }
0x196: {  	[timem:s3], [sflag:s2] =	dma.local @!p0 [hbm:s0], s1  }
0x197: {  	s0 =	simm.s32 @!p0 $0x3  }
0x198: {  	_ =	swait.ge @!p0 [sflag:s0], s1  }
0x199: {  	s1 =	ssub.s32 @!p0 $0x0, s1;
	[sflag:s0] =	ssyncset.done @!p0 $0x0  }
0x19a: {  	[sflag:s0] =	ssyncadd.s32 @!p0 s1  }
0x19b: {  	[bflag:$0x3] =	sbarrier.arrive $0xFFFF  }
0x19c: {  	_ =	shalt  }

</sc_bundles>
